<compile_context>
chip_gen: v7x
topology: tpu7x:2x2x1
jax: 0.10.2.dev20260603
libtpu: 0.0.44.dev20260713+nightly
codegen_flags: <defaults>
</compile_context>

<pallas_src>
import jax
import jax.numpy as jnp
from jax import lax
from jax.experimental import pallas as pl
from jax.experimental.pallas import tpu as pltpu
from jax.experimental.pallas import tpu_sc as plsc

V = 10000
E = 320000
D = 128
G = 128
VP = 10240

_NC, _NS, _L = 2, 16, 16
_CH = 80
_NCH = 125
_EPW = _CH * _NCH
_EP = _EPW * _NC * _NS
_VR = VP // _NS
_DW = 8

_BV = 2000
_GRID = V // _BV


def _k1_body(nf_ref, wp_ref, bp_ref, whh_ref, bhh_ref, wpq_ref, bpq_ref,
             hv_ref, gh_ref, pq_ref):
    x = nf_ref[...]
    hv_ref[...] = jnp.dot(x, wp_ref[...],
                          preferred_element_type=jnp.float32) + bp_ref[...]
    gh_ref[...] = lax.dot_general(
        x, whh_ref[...], (((1,), (1,)), ((), ())),
        preferred_element_type=jnp.float32) + bhh_ref[...]
    pq_ref[...] = jnp.dot(x, wpq_ref[...],
                          preferred_element_type=jnp.float32) + bpq_ref[...]


_k1 = pl.pallas_call(
    _k1_body,
    grid=(_GRID,),
    in_specs=[
        pl.BlockSpec((_BV, D), lambda i: (i, 0)),
        pl.BlockSpec((D, G), lambda i: (0, 0)),
        pl.BlockSpec((1, G), lambda i: (0, 0)),
        pl.BlockSpec((3 * D, D), lambda i: (0, 0)),
        pl.BlockSpec((1, 3 * D), lambda i: (0, 0)),
        pl.BlockSpec((D, 2), lambda i: (0, 0)),
        pl.BlockSpec((1, 2), lambda i: (0, 0)),
    ],
    out_specs=[
        pl.BlockSpec((_BV, G), lambda i: (i, 0)),
        pl.BlockSpec((_BV, 3 * D), lambda i: (i, 0)),
        pl.BlockSpec((_BV, 2), lambda i: (i, 0)),
    ],
    out_shape=[
        jax.ShapeDtypeStruct((V, G), jnp.float32),
        jax.ShapeDtypeStruct((V, 3 * D), jnp.float32),
        jax.ShapeDtypeStruct((V, 2), jnp.float32),
    ],
)


def _k2_body(edge_ref, p_ref, q_ref, hv_ref, cpart_ref, denw_ref,
             eb0, eb1, eb2, pg0, pg1, pg2,
             qg0, qg1, qg2, ev0, ev1, ev2, rows0, rows1, rows2,
             cacc, dacc, dtmp, dwide,
             is0, is1, is2, gs0, gs1, gs2, ss0, ss1, ss2):
    cid = lax.axis_index("c")
    sid = lax.axis_index("s")
    wid = cid * _NS + sid
    srcs = (eb0.at[0], eb1.at[0], eb2.at[0])
    dsts = (eb0.at[1], eb1.at[1], eb2.at[1])
    pgs = (pg0, pg1, pg2)
    qgs = (qg0, qg1, qg2)
    evs = (ev0, ev1, ev2)
    rows = (rows0, rows1, rows2)
    isem = (is0, is1, is2)
    gsem = (gs0, gs1, gs2)
    ssem = (ss0, ss1, ss2)

    zv = jnp.zeros((_L,), jnp.float32)

    def _zb(i, carry):
        for t in range(G // _L):
            rows0[i, pl.ds(t * _L, _L)] = zv
        return carry

    lax.fori_loop(0, _CH, _zb, 0)

    def _z1(i, carry):
        dtmp[pl.ds(i * _L, _L)] = zv
        return carry

    lax.fori_loop(0, _VR // _L, _z1, 0)
    for r in range(_VR // _CH):
        pltpu.sync_copy(rows0, cacc.at[pl.ds(sid * _VR + r * _CH, _CH), :])
    _TAIL = _VR - (_VR // _CH) * _CH
    if _TAIL:
        pltpu.sync_copy(
            rows0.at[pl.ds(0, _TAIL), :],
            cacc.at[pl.ds(sid * _VR + (_VR // _CH) * _CH, _TAIL), :])
    pltpu.sync_copy(dtmp, dacc.at[pl.ds(sid * _VR, _VR)])
    plsc.subcore_barrier()

    ebase = wid * _EPW

    def _issue_idx(c, s):
        off = ebase + c * _CH
        pltpu.async_copy(edge_ref.at[pl.ds(off, _CH)], srcs[s], isem[s])
        pltpu.async_copy(edge_ref.at[pl.ds(_EP + off, _CH)], dsts[s],
                         isem[s])

    def _wait_idx(s):
        pltpu.make_async_copy(edge_ref.at[pl.ds(0, _CH)], srcs[s],
                              isem[s]).wait()
        pltpu.make_async_copy(edge_ref.at[pl.ds(0, _CH)], dsts[s],
                              isem[s]).wait()

    def _issue_gather(s):
        pltpu.async_copy(hv_ref.at[srcs[s]], rows[s], gsem[s])
        pltpu.async_copy(p_ref.at[dsts[s]], pgs[s], gsem[s])
        pltpu.async_copy(q_ref.at[srcs[s]], qgs[s], gsem[s])

    def _wait_gather(s):
        pltpu.make_async_copy(hv_ref.at[srcs[s]], rows[s], gsem[s]).wait()
        pltpu.make_async_copy(p_ref.at[dsts[s]], pgs[s], gsem[s]).wait()
        pltpu.make_async_copy(q_ref.at[srcs[s]], qgs[s], gsem[s]).wait()

    def _issue_scat(s):
        pltpu.async_copy(evs[s], dacc.at[dsts[s]], ssem[s], add=True)
        pltpu.async_copy(rows[s], cacc.at[dsts[s]], ssem[s], add=True)

    def _wait_scat(s):
        pltpu.make_async_copy(evs[s], dacc.at[dsts[s]], ssem[s]).wait()
        pltpu.make_async_copy(rows[s], cacc.at[dsts[s]], ssem[s]).wait()

    def _process(s):
        _wait_gather(s)
        for t in range(_CH // _L):
            pv = pgs[s][pl.ds(t * _L, _L)]
            qv = qgs[s][pl.ds(t * _L, _L)]
            z = pv + qv
            z = jnp.where(z > 0.0, z, z * jnp.float32(0.01))
            evs[s][pl.ds(t * _L, _L)] = jnp.exp(z)

        def _scale(j):
            eb = plsc.load_gather(evs[s], [jnp.full((_L,), j, jnp.int32)])
            for t in range(G // _L):
                rows[s][j, pl.ds(t * _L, _L)] = (
                    rows[s][j, pl.ds(t * _L, _L)] * eb)

        plsc.parallel_loop(0, _CH, 1, unroll=8)(_scale)
        _issue_scat(s)

    _issue_idx(0, 0)
    _wait_idx(0)
    _issue_gather(0)
    _issue_idx(1, 1)

    def _step(i, carry):
        for k in range(3):
            c = 3 * i + k

            @pl.when(c + 2 <= _NCH - 1)
            def _():
                @pl.when(c >= 1)
                def _():
                    _wait_scat((k + 2) % 3)
                _issue_idx(c + 2, (k + 2) % 3)

            @pl.when(c + 1 <= _NCH - 1)
            def _():
                _wait_idx((k + 1) % 3)
                _issue_gather((k + 1) % 3)

            @pl.when(c <= _NCH - 1)
            def _():
                _process(k)
        return carry

    lax.fori_loop(0, (_NCH + 2) // 3, _step, 0)
    for s in range(3):
        _wait_scat(s)
    plsc.subcore_barrier()
    pltpu.sync_copy(cacc.at[pl.ds(sid * _VR, _VR), :],
                    cpart_ref.at[cid, pl.ds(sid * _VR, _VR), :])
    pltpu.sync_copy(dacc.at[pl.ds(sid * _VR, _VR)], dtmp)
    lanew = lax.iota(jnp.int32, _L) // _DW
    _NPI = _L // _DW

    def _rep(i, carry):
        v = plsc.load_gather(dtmp, [_NPI * i + lanew])
        dwide[pl.ds(i * _L, _L)] = v
        return carry

    lax.fori_loop(0, _VR // _NPI, _rep, 0)
    pltpu.sync_copy(dwide,
                    denw_ref.at[pl.ds(wid * _VR * _DW, _VR * _DW)])


_k2 = pl.kernel(
    _k2_body,
    out_type=[
        jax.ShapeDtypeStruct((_NC, VP, G), jnp.float32),
        jax.ShapeDtypeStruct((_NC * VP * _DW,), jnp.float32),
    ],
    mesh=plsc.VectorSubcoreMesh(core_axis_name="c", subcore_axis_name="s",
                                num_cores=_NC, num_subcores=_NS),
    scratch_types=(
        [pltpu.VMEM((2, _CH), jnp.int32)] * 3
        + [pltpu.VMEM((_CH,), jnp.float32)] * 9
        + [pltpu.VMEM((_CH, G), jnp.float32)] * 3
        + [
            pltpu.VMEM_SHARED((VP, G), jnp.float32),
            pltpu.VMEM_SHARED((VP,), jnp.float32),
            pltpu.VMEM((_VR,), jnp.float32),
            pltpu.VMEM((_VR * _DW,), jnp.float32),
        ]
        + [pltpu.SemaphoreType.DMA] * 9
    ),
    compiler_params=pltpu.CompilerParams(needs_layout_passes=False),
)


def _k3_body(c0_ref, c1_ref, d0_ref, d1_ref, nf_ref, gh_ref, wih_ref,
             bih_ref, out_ref):
    craw = c0_ref[0] + c1_ref[0]
    den = d0_ref[0][:, :1] + d1_ref[0][:, :1]
    c = craw / (den + 1e-12)
    ctx = jnp.where(c > 0.0, c, jnp.exp(c) - 1.0)
    gi = lax.dot_general(
        ctx, wih_ref[...], (((1,), (1,)), ((), ())),
        preferred_element_type=jnp.float32) + bih_ref[...]
    gh = gh_ref[...]
    h = nf_ref[...]
    r = jax.nn.sigmoid(gi[:, :D] + gh[:, :D])
    zg = jax.nn.sigmoid(gi[:, D:2 * D] + gh[:, D:2 * D])
    n = jnp.tanh(gi[:, 2 * D:] + r * gh[:, 2 * D:])
    hn = (1.0 - zg) * n + zg * h
    out_ref[...] = jnp.maximum(hn, 0.0)


_k3 = pl.pallas_call(
    _k3_body,
    grid=(_GRID,),
    in_specs=[
        pl.BlockSpec((1, _BV, G), lambda i: (0, i, 0)),
        pl.BlockSpec((1, _BV, G), lambda i: (1, i, 0)),
        pl.BlockSpec((1, _BV, _DW), lambda i: (0, i, 0)),
        pl.BlockSpec((1, _BV, _DW), lambda i: (1, i, 0)),
        pl.BlockSpec((_BV, D), lambda i: (i, 0)),
        pl.BlockSpec((_BV, 3 * D), lambda i: (i, 0)),
        pl.BlockSpec((3 * D, D), lambda i: (0, 0)),
        pl.BlockSpec((1, 3 * D), lambda i: (0, 0)),
    ],
    out_specs=pl.BlockSpec((_BV, D), lambda i: (i, 0)),
    out_shape=jax.ShapeDtypeStruct((V, D), jnp.float32),
)


def kernel(node_feats, edge_index, W_edge, b_edge, W_proj, b_proj,
           W_ih, b_ih, W_hh, b_hh):
    f32 = jnp.float32
    Wpq = jnp.concatenate([W_edge[:D], W_edge[D:]], axis=1)
    bpq = jnp.concatenate([b_edge, jnp.zeros((1,), f32)]).reshape(1, 2)
    hv, gh, pq = _k1(node_feats, W_proj, b_proj.reshape(1, -1),
                     W_hh, b_hh.reshape(1, -1), Wpq, bpq)
    cpart, denw = _k2(edge_index.reshape(2 * E), pq[:, 0], pq[:, 1], hv)
    denw = denw.reshape(_NC, VP, _DW)
    return _k3(cpart, cpart, denw, denw, node_feats, gh,
               W_ih, b_ih.reshape(1, -1))

# --- scband reference (transcript-rebuilt; emitter-appended) ---
"""Pipeline reference for scband-attentive-fpgnn-74345883893926 (READ-ONLY COPY).

The authoritative reference and input builder live on the scoring server;
editing this copy changes nothing except your own understanding.
"""

import jax, jax.numpy as jnp
import numpy as np

V = 10000
E = 320000
D = 128  # node_feat_size
G = 128  # graph_feat_size (edge_hidden_size for AttentiveGRU2)


def setup_inputs(seed: int = 0) -> dict:
    key = jax.random.key(seed)
    ks = jax.random.split(key, 8)
    node_feats = jax.random.normal(ks[0], (V, D), dtype=jnp.float32)
    edge_index = jax.random.randint(ks[1], (2, E), 0, V, dtype=jnp.int32)
    # GNNLayer.project_edge: Linear(2*D -> 1)
    W_edge = jax.random.normal(ks[2], (2 * D, 1), dtype=jnp.float32) * (1.0 / np.sqrt(2 * D))
    b_edge = jnp.zeros((1,), dtype=jnp.float32)
    # AttentiveGRU2.project_node: Linear(D -> G)
    W_proj = jax.random.normal(ks[3], (D, G), dtype=jnp.float32) * (1.0 / np.sqrt(D))
    b_proj = jnp.zeros((G,), dtype=jnp.float32)
    # GRUCell(input=G, hidden=D): torch layout W_ih [3D, G], W_hh [3D, D]
    W_ih = jax.random.normal(ks[4], (3 * D, G), dtype=jnp.float32) * (1.0 / np.sqrt(D))
    b_ih = jnp.zeros((3 * D,), dtype=jnp.float32)
    W_hh = jax.random.normal(ks[5], (3 * D, D), dtype=jnp.float32) * (1.0 / np.sqrt(D))
    b_hh = jnp.zeros((3 * D,), dtype=jnp.float32)
    return {
        "node_feats": node_feats,
        "edge_index": edge_index,
        "W_edge": W_edge,
        "b_edge": b_edge,
        "W_proj": W_proj,
        "b_proj": b_proj,
        "W_ih": W_ih,
        "b_ih": b_ih,
        "W_hh": W_hh,
        "b_hh": b_hh,
    }


def reference(node_feats, edge_index, W_edge, b_edge, W_proj, b_proj, W_ih, b_ih, W_hh, b_hh):
    src = edge_index[0]
    dst = edge_index[1]
    # apply_edges: he = cat([dst_feats, src_feats], dim=1)
    he = jnp.concatenate([node_feats[dst], node_feats[src]], axis=1)
    # project_edge: Linear(2D->1) + LeakyReLU (dropout inactive in eval)
    logits = jax.nn.leaky_relu(he @ W_edge + b_edge, negative_slope=0.01)  # (E, 1)
    # edge_softmax over incoming edges per destination node (numerically stable)
    lmax = jax.ops.segment_max(logits, dst, num_segments=V)
    e = jnp.exp(logits - lmax[dst])
    denom = jax.ops.segment_sum(e, dst, num_segments=V)
    a = e / (denom[dst] + 1e-12)  # (E, 1)
    # project_node: Linear(D->G) (dropout inactive in eval)
    hv = node_feats @ W_proj + b_proj  # (V, G)
    # src_mul_edge + sum reduce: scatter-add messages to dst nodes
    m = hv[src] * a  # (E, G)
    c = jax.ops.segment_sum(m, dst, num_segments=V)  # (V, G)
    context = jax.nn.elu(c)
    # GRUCell(context, node_feats)
    gi = context @ W_ih.T + b_ih
    gh = node_feats @ W_hh.T + b_hh
    i_r, i_z, i_n = jnp.split(gi, 3, axis=1)
    h_r, h_z, h_n = jnp.split(gh, 3, axis=1)
    r = jax.nn.sigmoid(i_r + h_r)
    z = jax.nn.sigmoid(i_z + h_z)
    n = jnp.tanh(i_n + r * h_n)
    h_new = (1.0 - z) * n + z * node_feats
    return jax.nn.relu(h_new)

if __name__ == "__main__":
    import jax
    _d = setup_inputs()
    print(jax.jit(kernel)(*tuple(_d.values())))

</pallas_src>

<mosaic_0001>
#map = affine_map<(d0, d1) -> (0)>
#map1 = affine_map<(d0, d1) -> (0, 0)>
#map2 = affine_map<(d0, d1) -> (0, 0, 0)>
module attributes {stable_mosaic.version = 14 : i64} {
  func.func @_k2_body(%arg0: i32, %arg1: i32, %arg2: memref<640000xi32, #tpu.memory_space<hbm>>, %arg3: memref<10000xf32, #tpu.memory_space<hbm>>, %arg4: memref<10000xf32, #tpu.memory_space<hbm>>, %arg5: memref<10000x128xf32, #tpu.memory_space<hbm>>, %arg6: memref<2x10240x128xf32, #tpu.memory_space<hbm>>, %arg7: memref<163840xf32, #tpu.memory_space<hbm>>, %arg8: memref<2x80xi32, #tpu.memory_space<vmem>>, %arg9: memref<2x80xi32, #tpu.memory_space<vmem>>, %arg10: memref<2x80xi32, #tpu.memory_space<vmem>>, %arg11: memref<80xf32, #tpu.memory_space<vmem>>, %arg12: memref<80xf32, #tpu.memory_space<vmem>>, %arg13: memref<80xf32, #tpu.memory_space<vmem>>, %arg14: memref<80xf32, #tpu.memory_space<vmem>>, %arg15: memref<80xf32, #tpu.memory_space<vmem>>, %arg16: memref<80xf32, #tpu.memory_space<vmem>>, %arg17: memref<80xf32, #tpu.memory_space<vmem>>, %arg18: memref<80xf32, #tpu.memory_space<vmem>>, %arg19: memref<80xf32, #tpu.memory_space<vmem>>, %arg20: memref<80x128xf32, #tpu.memory_space<vmem>>, %arg21: memref<80x128xf32, #tpu.memory_space<vmem>>, %arg22: memref<80x128xf32, #tpu.memory_space<vmem>>, %arg23: memref<10240x128xf32, #tpu.memory_space<vmem_shared>>, %arg24: memref<10240xf32, #tpu.memory_space<vmem_shared>>, %arg25: memref<640xf32, #tpu.memory_space<vmem>>, %arg26: memref<5120xf32, #tpu.memory_space<vmem>>, %arg27: memref<!tpu.dma_semaphore, #tpu.memory_space<semaphore_mem>>, %arg28: memref<!tpu.dma_semaphore, #tpu.memory_space<semaphore_mem>>, %arg29: memref<!tpu.dma_semaphore, #tpu.memory_space<semaphore_mem>>, %arg30: memref<!tpu.dma_semaphore, #tpu.memory_space<semaphore_mem>>, %arg31: memref<!tpu.dma_semaphore, #tpu.memory_space<semaphore_mem>>, %arg32: memref<!tpu.dma_semaphore, #tpu.memory_space<semaphore_mem>>, %arg33: memref<!tpu.dma_semaphore, #tpu.memory_space<semaphore_mem>>, %arg34: memref<!tpu.dma_semaphore, #tpu.memory_space<semaphore_mem>>, %arg35: memref<!tpu.dma_semaphore, #tpu.memory_space<semaphore_mem>>) attributes {dimension_semantics = [#tpu.dimension_semantics<core_parallel>, #tpu.dimension_semantics<subcore_parallel>], iteration_bounds = array<i64: 2, 16>, scalar_prefetch = 0 : i64, scratch_operands = 28 : i64, tpu.core_type = #tpu.core_type<sc_vector_subcore>, window_params = [{transform_indices = #map}, {transform_indices = #map}, {transform_indices = #map}, {transform_indices = #map1}, {transform_indices = #map2}, {transform_indices = #map}]} {
    %mul3A = arith.constant 16 : i32
    %mul3A_0 = arith.muli %arg0, %mul3A : i32
    %add3A = arith.addi %mul3A_0, %arg1 : i32
    %broadcast_in_dim3A = arith.constant 0.000000e+00 : f32
    %broadcast_in_dim3A_1 = vector.broadcast %broadcast_in_dim3A : f32 to vector<16xf32>
    %scan3A = arith.constant 0 : i32
    %scan3A_2 = arith.constant 0 : i32
    %scan3A_3 = arith.constant 80 : i32
    %scan3A_4 = arith.addi %scan3A_2, %scan3A_3 : i32
    %scan3A_5 = arith.constant 1 : i32
    scf.for %scan3A_223 = %scan3A_2 to %scan3A_4 step %scan3A_5  : i32 {
      %swap3A = arith.index_cast %scan3A_223 : i32 to index
      %swap3A_224 = arith.constant 0 : index
      %swap3A_225 = tpu.vector_load %arg20[%swap3A, %swap3A_224] {strides = array<i32>} : memref<80x128xf32, #tpu.memory_space<vmem>>, vector<16xf32>,
      tpu.vector_store %arg20[%swap3A, %swap3A_224], %broadcast_in_dim3A_1 {strides = array<i32>} : memref<80x128xf32, #tpu.memory_space<vmem>>, vector<16xf32>,
      %swap3A_226 = arith.index_cast %scan3A_223 : i32 to index
      %swap3A_227 = arith.constant 16 : index
      %swap3A_228 = tpu.vector_load %arg20[%swap3A_226, %swap3A_227] {strides = array<i32>} : memref<80x128xf32, #tpu.memory_space<vmem>>, vector<16xf32>,
      tpu.vector_store %arg20[%swap3A_226, %swap3A_227], %broadcast_in_dim3A_1 {strides = array<i32>} : memref<80x128xf32, #tpu.memory_space<vmem>>, vector<16xf32>,
      %swap3A_229 = arith.index_cast %scan3A_223 : i32 to index
      %swap3A_230 = arith.constant 32 : index
      %swap3A_231 = tpu.vector_load %arg20[%swap3A_229, %swap3A_230] {strides = array<i32>} : memref<80x128xf32, #tpu.memory_space<vmem>>, vector<16xf32>,
      tpu.vector_store %arg20[%swap3A_229, %swap3A_230], %broadcast_in_dim3A_1 {strides = array<i32>} : memref<80x128xf32, #tpu.memory_space<vmem>>, vector<16xf32>,
      %swap3A_232 = arith.index_cast %scan3A_223 : i32 to index
      %swap3A_233 = arith.constant 48 : index
      %swap3A_234 = tpu.vector_load %arg20[%swap3A_232, %swap3A_233] {strides = array<i32>} : memref<80x128xf32, #tpu.memory_space<vmem>>, vector<16xf32>,
      tpu.vector_store %arg20[%swap3A_232, %swap3A_233], %broadcast_in_dim3A_1 {strides = array<i32>} : memref<80x128xf32, #tpu.memory_space<vmem>>, vector<16xf32>,
      %swap3A_235 = arith.index_cast %scan3A_223 : i32 to index
      %swap3A_236 = arith.constant 64 : index
      %swap3A_237 = tpu.vector_load %arg20[%swap3A_235, %swap3A_236] {strides = array<i32>} : memref<80x128xf32, #tpu.memory_space<vmem>>, vector<16xf32>,
      tpu.vector_store %arg20[%swap3A_235, %swap3A_236], %broadcast_in_dim3A_1 {strides = array<i32>} : memref<80x128xf32, #tpu.memory_space<vmem>>, vector<16xf32>,
      %swap3A_238 = arith.index_cast %scan3A_223 : i32 to index
      %swap3A_239 = arith.constant 80 : index
      %swap3A_240 = tpu.vector_load %arg20[%swap3A_238, %swap3A_239] {strides = array<i32>} : memref<80x128xf32, #tpu.memory_space<vmem>>, vector<16xf32>,
      tpu.vector_store %arg20[%swap3A_238, %swap3A_239], %broadcast_in_dim3A_1 {strides = array<i32>} : memref<80x128xf32, #tpu.memory_space<vmem>>, vector<16xf32>,
      %swap3A_241 = arith.index_cast %scan3A_223 : i32 to index
      %swap3A_242 = arith.constant 96 : index
      %swap3A_243 = tpu.vector_load %arg20[%swap3A_241, %swap3A_242] {strides = array<i32>} : memref<80x128xf32, #tpu.memory_space<vmem>>, vector<16xf32>,
      tpu.vector_store %arg20[%swap3A_241, %swap3A_242], %broadcast_in_dim3A_1 {strides = array<i32>} : memref<80x128xf32, #tpu.memory_space<vmem>>, vector<16xf32>,
      %swap3A_244 = arith.index_cast %scan3A_223 : i32 to index
      %swap3A_245 = arith.constant 112 : index
      %swap3A_246 = tpu.vector_load %arg20[%swap3A_244, %swap3A_245] {strides = array<i32>} : memref<80x128xf32, #tpu.memory_space<vmem>>, vector<16xf32>,
      tpu.vector_store %arg20[%swap3A_244, %swap3A_245], %broadcast_in_dim3A_1 {strides = array<i32>} : memref<80x128xf32, #tpu.memory_space<vmem>>, vector<16xf32>,
    }
    %scan3A_6 = arith.constant 80 : i32
    %scan3A_7 = arith.constant 0 : i32
    %scan3A_8 = arith.constant 0 : i32
    %scan3A_9 = arith.constant 40 : i32
    %scan3A_10 = arith.addi %scan3A_8, %scan3A_9 : i32
    %scan3A_11 = arith.constant 1 : i32
    scf.for %scan3A_223 = %scan3A_8 to %scan3A_10 step %scan3A_11  : i32 {
      %mul3A_224 = arith.constant 16 : i32
      %mul3A_225 = arith.muli %scan3A_223, %mul3A_224 : i32
      %swap3A = arith.index_cast %mul3A_225 : i32 to index
      %swap3A_226 = tpu.vector_load %arg25[%swap3A] {strides = array<i32>} : memref<640xf32, #tpu.memory_space<vmem>>, vector<16xf32>,
      tpu.vector_store %arg25[%swap3A], %broadcast_in_dim3A_1 {strides = array<i32>} : memref<640xf32, #tpu.memory_space<vmem>>, vector<16xf32>,
    }
    %scan3A_12 = arith.constant 40 : i32
    %mul3A_13 = arith.constant 640 : i32
    %mul3A_14 = arith.muli %arg1, %mul3A_13 : i32
    %add3A_15 = arith.constant 0 : i32
    %add3A_16 = arith.addi %mul3A_14, %add3A_15 : i32
    "tpu.region"() ({
      %run_scoped3A = tpu.sem_alloc : memref<!tpu.dma_semaphore, #tpu.memory_space<semaphore_mem>>
      %dma_start3A_223 = arith.constant 0 : i32
      %dma_start3A_224 = tpu.memref_slice %arg23[%add3A_16, %dma_start3A_223] : memref<10240x128xf32, #tpu.memory_space<vmem_shared>> -> memref<80x128xf32, #tpu.memory_space<vmem_shared>>
      %dma_start3A_225 = arith.constant 0 : i32
      %dma_start3A_226 = tpu.memref_slice %arg23[%add3A_16, %dma_start3A_225] : memref<10240x128xf32, #tpu.memory_space<vmem_shared>> -> memref<80x128xf32, #tpu.memory_space<vmem_shared>>
      tpu.enqueue_dma source(%arg20 : memref<80x128xf32, #tpu.memory_space<vmem>>) target(%dma_start3A_226 : memref<80x128xf32, #tpu.memory_space<vmem_shared>>) target_semaphore(%run_scoped3A : memref<!tpu.dma_semaphore, #tpu.memory_space<semaphore_mem>>)
      %dma_wait3A_227 = arith.constant 0 : i32
      %dma_wait3A_228 = tpu.memref_slice %arg23[%add3A_16, %dma_wait3A_227] : memref<10240x128xf32, #tpu.memory_space<vmem_shared>> -> memref<80x128xf32, #tpu.memory_space<vmem_shared>>
      %dma_wait3A_229 = arith.constant 0 : i32
      %dma_wait3A_230 = tpu.memref_slice %arg23[%add3A_16, %dma_wait3A_229] : memref<10240x128xf32, #tpu.memory_space<vmem_shared>> -> memref<80x128xf32, #tpu.memory_space<vmem_shared>>
      tpu.wait_dma2 semaphore(%run_scoped3A : memref<!tpu.dma_semaphore, #tpu.memory_space<semaphore_mem>>) src(%arg20 : memref<80x128xf32, #tpu.memory_space<vmem>>) dst(%dma_wait3A_230 : memref<80x128xf32, #tpu.memory_space<vmem_shared>>)
      tpu.yield
    }) : () -> ()
    %mul3A_17 = arith.constant 640 : i32
    %mul3A_18 = arith.muli %arg1, %mul3A_17 : i32
    %add3A_19 = arith.constant 80 : i32
    %add3A_20 = arith.addi %mul3A_18, %add3A_19 : i32
    "tpu.region"() ({
      %run_scoped3A = tpu.sem_alloc : memref<!tpu.dma_semaphore, #tpu.memory_space<semaphore_mem>>
      %dma_start3A_223 = arith.constant 0 : i32
      %dma_start3A_224 = tpu.memref_slice %arg23[%add3A_20, %dma_start3A_223] : memref<10240x128xf32, #tpu.memory_space<vmem_shared>> -> memref<80x128xf32, #tpu.memory_space<vmem_shared>>
      %dma_start3A_225 = arith.constant 0 : i32
      %dma_start3A_226 = tpu.memref_slice %arg23[%add3A_20, %dma_start3A_225] : memref<10240x128xf32, #tpu.memory_space<vmem_shared>> -> memref<80x128xf32, #tpu.memory_space<vmem_shared>>
      tpu.enqueue_dma source(%arg20 : memref<80x128xf32, #tpu.memory_space<vmem>>) target(%dma_start3A_226 : memref<80x128xf32, #tpu.memory_space<vmem_shared>>) target_semaphore(%run_scoped3A : memref<!tpu.dma_semaphore, #tpu.memory_space<semaphore_mem>>)
      %dma_wait3A_227 = arith.constant 0 : i32
      %dma_wait3A_228 = tpu.memref_slice %arg23[%add3A_20, %dma_wait3A_227] : memref<10240x128xf32, #tpu.memory_space<vmem_shared>> -> memref<80x128xf32, #tpu.memory_space<vmem_shared>>
      %dma_wait3A_229 = arith.constant 0 : i32
      %dma_wait3A_230 = tpu.memref_slice %arg23[%add3A_20, %dma_wait3A_229] : memref<10240x128xf32, #tpu.memory_space<vmem_shared>> -> memref<80x128xf32, #tpu.memory_space<vmem_shared>>
      tpu.wait_dma2 semaphore(%run_scoped3A : memref<!tpu.dma_semaphore, #tpu.memory_space<semaphore_mem>>) src(%arg20 : memref<80x128xf32, #tpu.memory_space<vmem>>) dst(%dma_wait3A_230 : memref<80x128xf32, #tpu.memory_space<vmem_shared>>)
      tpu.yield
    }) : () -> ()
    %mul3A_21 = arith.constant 640 : i32
    %mul3A_22 = arith.muli %arg1, %mul3A_21 : i32
    %add3A_23 = arith.constant 160 : i32
    %add3A_24 = arith.addi %mul3A_22, %add3A_23 : i32
    "tpu.region"() ({
      %run_scoped3A = tpu.sem_alloc : memref<!tpu.dma_semaphore, #tpu.memory_space<semaphore_mem>>
      %dma_start3A_223 = arith.constant 0 : i32
      %dma_start3A_224 = tpu.memref_slice %arg23[%add3A_24, %dma_start3A_223] : memref<10240x128xf32, #tpu.memory_space<vmem_shared>> -> memref<80x128xf32, #tpu.memory_space<vmem_shared>>
      %dma_start3A_225 = arith.constant 0 : i32
      %dma_start3A_226 = tpu.memref_slice %arg23[%add3A_24, %dma_start3A_225] : memref<10240x128xf32, #tpu.memory_space<vmem_shared>> -> memref<80x128xf32, #tpu.memory_space<vmem_shared>>
      tpu.enqueue_dma source(%arg20 : memref<80x128xf32, #tpu.memory_space<vmem>>) target(%dma_start3A_226 : memref<80x128xf32, #tpu.memory_space<vmem_shared>>) target_semaphore(%run_scoped3A : memref<!tpu.dma_semaphore, #tpu.memory_space<semaphore_mem>>)
      %dma_wait3A_227 = arith.constant 0 : i32
      %dma_wait3A_228 = tpu.memref_slice %arg23[%add3A_24, %dma_wait3A_227] : memref<10240x128xf32, #tpu.memory_space<vmem_shared>> -> memref<80x128xf32, #tpu.memory_space<vmem_shared>>
      %dma_wait3A_229 = arith.constant 0 : i32
      %dma_wait3A_230 = tpu.memref_slice %arg23[%add3A_24, %dma_wait3A_229] : memref<10240x128xf32, #tpu.memory_space<vmem_shared>> -> memref<80x128xf32, #tpu.memory_space<vmem_shared>>
      tpu.wait_dma2 semaphore(%run_scoped3A : memref<!tpu.dma_semaphore, #tpu.memory_space<semaphore_mem>>) src(%arg20 : memref<80x128xf32, #tpu.memory_space<vmem>>) dst(%dma_wait3A_230 : memref<80x128xf32, #tpu.memory_space<vmem_shared>>)
      tpu.yield
    }) : () -> ()
    %mul3A_25 = arith.constant 640 : i32
    %mul3A_26 = arith.muli %arg1, %mul3A_25 : i32
    %add3A_27 = arith.constant 240 : i32
    %add3A_28 = arith.addi %mul3A_26, %add3A_27 : i32
    "tpu.region"() ({
      %run_scoped3A = tpu.sem_alloc : memref<!tpu.dma_semaphore, #tpu.memory_space<semaphore_mem>>
      %dma_start3A_223 = arith.constant 0 : i32
      %dma_start3A_224 = tpu.memref_slice %arg23[%add3A_28, %dma_start3A_223] : memref<10240x128xf32, #tpu.memory_space<vmem_shared>> -> memref<80x128xf32, #tpu.memory_space<vmem_shared>>
      %dma_start3A_225 = arith.constant 0 : i32
      %dma_start3A_226 = tpu.memref_slice %arg23[%add3A_28, %dma_start3A_225] : memref<10240x128xf32, #tpu.memory_space<vmem_shared>> -> memref<80x128xf32, #tpu.memory_space<vmem_shared>>
      tpu.enqueue_dma source(%arg20 : memref<80x128xf32, #tpu.memory_space<vmem>>) target(%dma_start3A_226 : memref<80x128xf32, #tpu.memory_space<vmem_shared>>) target_semaphore(%run_scoped3A : memref<!tpu.dma_semaphore, #tpu.memory_space<semaphore_mem>>)
      %dma_wait3A_227 = arith.constant 0 : i32
      %dma_wait3A_228 = tpu.memref_slice %arg23[%add3A_28, %dma_wait3A_227] : memref<10240x128xf32, #tpu.memory_space<vmem_shared>> -> memref<80x128xf32, #tpu.memory_space<vmem_shared>>
      %dma_wait3A_229 = arith.constant 0 : i32
      %dma_wait3A_230 = tpu.memref_slice %arg23[%add3A_28, %dma_wait3A_229] : memref<10240x128xf32, #tpu.memory_space<vmem_shared>> -> memref<80x128xf32, #tpu.memory_space<vmem_shared>>
      tpu.wait_dma2 semaphore(%run_scoped3A : memref<!tpu.dma_semaphore, #tpu.memory_space<semaphore_mem>>) src(%arg20 : memref<80x128xf32, #tpu.memory_space<vmem>>) dst(%dma_wait3A_230 : memref<80x128xf32, #tpu.memory_space<vmem_shared>>)
      tpu.yield
    }) : () -> ()
    %mul3A_29 = arith.constant 640 : i32
    %mul3A_30 = arith.muli %arg1, %mul3A_29 : i32
    %add3A_31 = arith.constant 320 : i32
    %add3A_32 = arith.addi %mul3A_30, %add3A_31 : i32
    "tpu.region"() ({
      %run_scoped3A = tpu.sem_alloc : memref<!tpu.dma_semaphore, #tpu.memory_space<semaphore_mem>>
      %dma_start3A_223 = arith.constant 0 : i32
      %dma_start3A_224 = tpu.memref_slice %arg23[%add3A_32, %dma_start3A_223] : memref<10240x128xf32, #tpu.memory_space<vmem_shared>> -> memref<80x128xf32, #tpu.memory_space<vmem_shared>>
      %dma_start3A_225 = arith.constant 0 : i32
      %dma_start3A_226 = tpu.memref_slice %arg23[%add3A_32, %dma_start3A_225] : memref<10240x128xf32, #tpu.memory_space<vmem_shared>> -> memref<80x128xf32, #tpu.memory_space<vmem_shared>>
      tpu.enqueue_dma source(%arg20 : memref<80x128xf32, #tpu.memory_space<vmem>>) target(%dma_start3A_226 : memref<80x128xf32, #tpu.memory_space<vmem_shared>>) target_semaphore(%run_scoped3A : memref<!tpu.dma_semaphore, #tpu.memory_space<semaphore_mem>>)
      %dma_wait3A_227 = arith.constant 0 : i32
      %dma_wait3A_228 = tpu.memref_slice %arg23[%add3A_32, %dma_wait3A_227] : memref<10240x128xf32, #tpu.memory_space<vmem_shared>> -> memref<80x128xf32, #tpu.memory_space<vmem_shared>>
      %dma_wait3A_229 = arith.constant 0 : i32
      %dma_wait3A_230 = tpu.memref_slice %arg23[%add3A_32, %dma_wait3A_229] : memref<10240x128xf32, #tpu.memory_space<vmem_shared>> -> memref<80x128xf32, #tpu.memory_space<vmem_shared>>
      tpu.wait_dma2 semaphore(%run_scoped3A : memref<!tpu.dma_semaphore, #tpu.memory_space<semaphore_mem>>) src(%arg20 : memref<80x128xf32, #tpu.memory_space<vmem>>) dst(%dma_wait3A_230 : memref<80x128xf32, #tpu.memory_space<vmem_shared>>)
      tpu.yield
    }) : () -> ()
    %mul3A_33 = arith.constant 640 : i32
    %mul3A_34 = arith.muli %arg1, %mul3A_33 : i32
    %add3A_35 = arith.constant 400 : i32
    %add3A_36 = arith.addi %mul3A_34, %add3A_35 : i32
    "tpu.region"() ({
      %run_scoped3A = tpu.sem_alloc : memref<!tpu.dma_semaphore, #tpu.memory_space<semaphore_mem>>
      %dma_start3A_223 = arith.constant 0 : i32
      %dma_start3A_224 = tpu.memref_slice %arg23[%add3A_36, %dma_start3A_223] : memref<10240x128xf32, #tpu.memory_space<vmem_shared>> -> memref<80x128xf32, #tpu.memory_space<vmem_shared>>
      %dma_start3A_225 = arith.constant 0 : i32
      %dma_start3A_226 = tpu.memref_slice %arg23[%add3A_36, %dma_start3A_225] : memref<10240x128xf32, #tpu.memory_space<vmem_shared>> -> memref<80x128xf32, #tpu.memory_space<vmem_shared>>
      tpu.enqueue_dma source(%arg20 : memref<80x128xf32, #tpu.memory_space<vmem>>) target(%dma_start3A_226 : memref<80x128xf32, #tpu.memory_space<vmem_shared>>) target_semaphore(%run_scoped3A : memref<!tpu.dma_semaphore, #tpu.memory_space<semaphore_mem>>)
      %dma_wait3A_227 = arith.constant 0 : i32
      %dma_wait3A_228 = tpu.memref_slice %arg23[%add3A_36, %dma_wait3A_227] : memref<10240x128xf32, #tpu.memory_space<vmem_shared>> -> memref<80x128xf32, #tpu.memory_space<vmem_shared>>
      %dma_wait3A_229 = arith.constant 0 : i32
      %dma_wait3A_230 = tpu.memref_slice %arg23[%add3A_36, %dma_wait3A_229] : memref<10240x128xf32, #tpu.memory_space<vmem_shared>> -> memref<80x128xf32, #tpu.memory_space<vmem_shared>>
      tpu.wait_dma2 semaphore(%run_scoped3A : memref<!tpu.dma_semaphore, #tpu.memory_space<semaphore_mem>>) src(%arg20 : memref<80x128xf32, #tpu.memory_space<vmem>>) dst(%dma_wait3A_230 : memref<80x128xf32, #tpu.memory_space<vmem_shared>>)
      tpu.yield
    }) : () -> ()
    %mul3A_37 = arith.constant 640 : i32
    %mul3A_38 = arith.muli %arg1, %mul3A_37 : i32
    %add3A_39 = arith.constant 480 : i32
    %add3A_40 = arith.addi %mul3A_38, %add3A_39 : i32
    "tpu.region"() ({
      %run_scoped3A = tpu.sem_alloc : memref<!tpu.dma_semaphore, #tpu.memory_space<semaphore_mem>>
      %dma_start3A_223 = arith.constant 0 : i32
      %dma_start3A_224 = tpu.memref_slice %arg23[%add3A_40, %dma_start3A_223] : memref<10240x128xf32, #tpu.memory_space<vmem_shared>> -> memref<80x128xf32, #tpu.memory_space<vmem_shared>>
      %dma_start3A_225 = arith.constant 0 : i32
      %dma_start3A_226 = tpu.memref_slice %arg23[%add3A_40, %dma_start3A_225] : memref<10240x128xf32, #tpu.memory_space<vmem_shared>> -> memref<80x128xf32, #tpu.memory_space<vmem_shared>>
      tpu.enqueue_dma source(%arg20 : memref<80x128xf32, #tpu.memory_space<vmem>>) target(%dma_start3A_226 : memref<80x128xf32, #tpu.memory_space<vmem_shared>>) target_semaphore(%run_scoped3A : memref<!tpu.dma_semaphore, #tpu.memory_space<semaphore_mem>>)
      %dma_wait3A_227 = arith.constant 0 : i32
      %dma_wait3A_228 = tpu.memref_slice %arg23[%add3A_40, %dma_wait3A_227] : memref<10240x128xf32, #tpu.memory_space<vmem_shared>> -> memref<80x128xf32, #tpu.memory_space<vmem_shared>>
      %dma_wait3A_229 = arith.constant 0 : i32
      %dma_wait3A_230 = tpu.memref_slice %arg23[%add3A_40, %dma_wait3A_229] : memref<10240x128xf32, #tpu.memory_space<vmem_shared>> -> memref<80x128xf32, #tpu.memory_space<vmem_shared>>
      tpu.wait_dma2 semaphore(%run_scoped3A : memref<!tpu.dma_semaphore, #tpu.memory_space<semaphore_mem>>) src(%arg20 : memref<80x128xf32, #tpu.memory_space<vmem>>) dst(%dma_wait3A_230 : memref<80x128xf32, #tpu.memory_space<vmem_shared>>)
      tpu.yield
    }) : () -> ()
    %mul3A_41 = arith.constant 640 : i32
    %mul3A_42 = arith.muli %arg1, %mul3A_41 : i32
    %add3A_43 = arith.constant 560 : i32
    %add3A_44 = arith.addi %mul3A_42, %add3A_43 : i32
    "tpu.region"() ({
      %run_scoped3A = tpu.sem_alloc : memref<!tpu.dma_semaphore, #tpu.memory_space<semaphore_mem>>
      %dma_start3A_223 = arith.constant 0 : i32
      %dma_start3A_224 = tpu.memref_slice %arg23[%add3A_44, %dma_start3A_223] : memref<10240x128xf32, #tpu.memory_space<vmem_shared>> -> memref<80x128xf32, #tpu.memory_space<vmem_shared>>
      %dma_start3A_225 = arith.constant 0 : i32
      %dma_start3A_226 = tpu.memref_slice %arg23[%add3A_44, %dma_start3A_225] : memref<10240x128xf32, #tpu.memory_space<vmem_shared>> -> memref<80x128xf32, #tpu.memory_space<vmem_shared>>
      tpu.enqueue_dma source(%arg20 : memref<80x128xf32, #tpu.memory_space<vmem>>) target(%dma_start3A_226 : memref<80x128xf32, #tpu.memory_space<vmem_shared>>) target_semaphore(%run_scoped3A : memref<!tpu.dma_semaphore, #tpu.memory_space<semaphore_mem>>)
      %dma_wait3A_227 = arith.constant 0 : i32
      %dma_wait3A_228 = tpu.memref_slice %arg23[%add3A_44, %dma_wait3A_227] : memref<10240x128xf32, #tpu.memory_space<vmem_shared>> -> memref<80x128xf32, #tpu.memory_space<vmem_shared>>
      %dma_wait3A_229 = arith.constant 0 : i32
      %dma_wait3A_230 = tpu.memref_slice %arg23[%add3A_44, %dma_wait3A_229] : memref<10240x128xf32, #tpu.memory_space<vmem_shared>> -> memref<80x128xf32, #tpu.memory_space<vmem_shared>>
      tpu.wait_dma2 semaphore(%run_scoped3A : memref<!tpu.dma_semaphore, #tpu.memory_space<semaphore_mem>>) src(%arg20 : memref<80x128xf32, #tpu.memory_space<vmem>>) dst(%dma_wait3A_230 : memref<80x128xf32, #tpu.memory_space<vmem_shared>>)
      tpu.yield
    }) : () -> ()
    %mul3A_45 = arith.constant 640 : i32
    %mul3A_46 = arith.muli %arg1, %mul3A_45 : i32
    "tpu.region"() ({
      %run_scoped3A = tpu.sem_alloc : memref<!tpu.dma_semaphore, #tpu.memory_space<semaphore_mem>>
      %dma_start3A_223 = tpu.memref_slice %arg24[%mul3A_46] : memref<10240xf32, #tpu.memory_space<vmem_shared>> -> memref<640xf32, #tpu.memory_space<vmem_shared>>
      %dma_start3A_224 = tpu.memref_slice %arg24[%mul3A_46] : memref<10240xf32, #tpu.memory_space<vmem_shared>> -> memref<640xf32, #tpu.memory_space<vmem_shared>>
      tpu.enqueue_dma source(%arg25 : memref<640xf32, #tpu.memory_space<vmem>>) target(%dma_start3A_224 : memref<640xf32, #tpu.memory_space<vmem_shared>>) target_semaphore(%run_scoped3A : memref<!tpu.dma_semaphore, #tpu.memory_space<semaphore_mem>>)
      %dma_wait3A_225 = tpu.memref_slice %arg24[%mul3A_46] : memref<10240xf32, #tpu.memory_space<vmem_shared>> -> memref<640xf32, #tpu.memory_space<vmem_shared>>
      %dma_wait3A_226 = tpu.memref_slice %arg24[%mul3A_46] : memref<10240xf32, #tpu.memory_space<vmem_shared>> -> memref<640xf32, #tpu.memory_space<vmem_shared>>
      tpu.wait_dma2 semaphore(%run_scoped3A : memref<!tpu.dma_semaphore, #tpu.memory_space<semaphore_mem>>) src(%arg25 : memref<640xf32, #tpu.memory_space<vmem>>) dst(%dma_wait3A_226 : memref<640xf32, #tpu.memory_space<vmem_shared>>)
      tpu.yield
    }) : () -> ()
    %barrier3A = arith.constant 0 : index
    tpu.barrier barrier_id(%barrier3A)
    %mul3A_47 = arith.constant 10000 : i32
    %mul3A_48 = arith.muli %add3A, %mul3A_47 : i32
    %add3A_49 = arith.constant 0 : i32
    %add3A_50 = arith.addi %mul3A_48, %add3A_49 : i32
    %dma_start3A = arith.constant 0 : i32
    %dma_start3A_51 = arith.constant 0 : i32
    %dma_start3A_52 = tpu.memref_slice %arg8[%dma_start3A, %dma_start3A_51] : memref<2x80xi32, #tpu.memory_space<vmem>> -> memref<1x80xi32, #tpu.memory_space<vmem>>
    %dma_start3A_53 = tpu.memref_squeeze %dma_start3A_52 : memref<1x80xi32, #tpu.memory_space<vmem>> -> memref<80xi32, #tpu.memory_space<vmem>>
    %dma_start3A_54 = tpu.memref_slice %arg2[%add3A_50] : memref<640000xi32, #tpu.memory_space<hbm>> -> memref<80xi32, #tpu.memory_space<hbm>>
    %dma_start3A_55 = arith.constant 0 : i32
    %dma_start3A_56 = tpu.memref_slice %arg8[%dma_start3A, %dma_start3A_55] : memref<2x80xi32, #tpu.memory_space<vmem>> -> memref<1x80xi32, #tpu.memory_space<vmem>>
    %dma_start3A_57 = tpu.memref_squeeze %dma_start3A_56 : memref<1x80xi32, #tpu.memory_space<vmem>> -> memref<80xi32, #tpu.memory_space<vmem>>
    %dma_start3A_58 = tpu.memref_slice %arg2[%add3A_50] : memref<640000xi32, #tpu.memory_space<hbm>> -> memref<80xi32, #tpu.memory_space<hbm>>
    tpu.enqueue_dma source(%dma_start3A_58 : memref<80xi32, #tpu.memory_space<hbm>>) target(%dma_start3A_57 : memref<80xi32, #tpu.memory_space<vmem>>) target_semaphore(%arg27 : memref<!tpu.dma_semaphore, #tpu.memory_space<semaphore_mem>>)
    %add3A_59 = arith.constant 320000 : i32
    %add3A_60 = arith.addi %add3A_59, %add3A_50 : i32
    %dma_start3A_61 = arith.constant 1 : i32
    %dma_start3A_62 = arith.constant 0 : i32
    %dma_start3A_63 = tpu.memref_slice %arg8[%dma_start3A_61, %dma_start3A_62] : memref<2x80xi32, #tpu.memory_space<vmem>> -> memref<1x80xi32, #tpu.memory_space<vmem>>
    %dma_start3A_64 = tpu.memref_squeeze %dma_start3A_63 : memref<1x80xi32, #tpu.memory_space<vmem>> -> memref<80xi32, #tpu.memory_space<vmem>>
    %dma_start3A_65 = tpu.memref_slice %arg2[%add3A_60] : memref<640000xi32, #tpu.memory_space<hbm>> -> memref<80xi32, #tpu.memory_space<hbm>>
    %dma_start3A_66 = arith.constant 0 : i32
    %dma_start3A_67 = tpu.memref_slice %arg8[%dma_start3A_61, %dma_start3A_66] : memref<2x80xi32, #tpu.memory_space<vmem>> -> memref<1x80xi32, #tpu.memory_space<vmem>>
    %dma_start3A_68 = tpu.memref_squeeze %dma_start3A_67 : memref<1x80xi32, #tpu.memory_space<vmem>> -> memref<80xi32, #tpu.memory_space<vmem>>
    %dma_start3A_69 = tpu.memref_slice %arg2[%add3A_60] : memref<640000xi32, #tpu.memory_space<hbm>> -> memref<80xi32, #tpu.memory_space<hbm>>
    tpu.enqueue_dma source(%dma_start3A_69 : memref<80xi32, #tpu.memory_space<hbm>>) target(%dma_start3A_68 : memref<80xi32, #tpu.memory_space<vmem>>) target_semaphore(%arg27 : memref<!tpu.dma_semaphore, #tpu.memory_space<semaphore_mem>>)
    %dma_wait3A = arith.constant 0 : i32
    %dma_wait3A_70 = arith.constant 0 : i32
    %dma_wait3A_71 = tpu.memref_slice %arg8[%dma_wait3A, %dma_wait3A_70] : memref<2x80xi32, #tpu.memory_space<vmem>> -> memref<1x80xi32, #tpu.memory_space<vmem>>
    %dma_wait3A_72 = tpu.memref_squeeze %dma_wait3A_71 : memref<1x80xi32, #tpu.memory_space<vmem>> -> memref<80xi32, #tpu.memory_space<vmem>>
    %dma_wait3A_73 = arith.constant 0 : i32
    %dma_wait3A_74 = tpu.memref_slice %arg2[%dma_wait3A_73] : memref<640000xi32, #tpu.memory_space<hbm>> -> memref<80xi32, #tpu.memory_space<hbm>>
    %dma_wait3A_75 = arith.constant 0 : i32
    %dma_wait3A_76 = tpu.memref_slice %arg8[%dma_wait3A, %dma_wait3A_75] : memref<2x80xi32, #tpu.memory_space<vmem>> -> memref<1x80xi32, #tpu.memory_space<vmem>>
    %dma_wait3A_77 = tpu.memref_squeeze %dma_wait3A_76 : memref<1x80xi32, #tpu.memory_space<vmem>> -> memref<80xi32, #tpu.memory_space<vmem>>
    %dma_wait3A_78 = arith.constant 0 : i32
    %dma_wait3A_79 = tpu.memref_slice %arg2[%dma_wait3A_78] : memref<640000xi32, #tpu.memory_space<hbm>> -> memref<80xi32, #tpu.memory_space<hbm>>
    tpu.wait_dma2 semaphore(%arg27 : memref<!tpu.dma_semaphore, #tpu.memory_space<semaphore_mem>>) src(%dma_wait3A_79 : memref<80xi32, #tpu.memory_space<hbm>>) dst(%dma_wait3A_77 : memref<80xi32, #tpu.memory_space<vmem>>)
    %dma_wait3A_80 = arith.constant 1 : i32
    %dma_wait3A_81 = arith.constant 0 : i32
    %dma_wait3A_82 = tpu.memref_slice %arg8[%dma_wait3A_80, %dma_wait3A_81] : memref<2x80xi32, #tpu.memory_space<vmem>> -> memref<1x80xi32, #tpu.memory_space<vmem>>
    %dma_wait3A_83 = tpu.memref_squeeze %dma_wait3A_82 : memref<1x80xi32, #tpu.memory_space<vmem>> -> memref<80xi32, #tpu.memory_space<vmem>>
    %dma_wait3A_84 = arith.constant 0 : i32
    %dma_wait3A_85 = tpu.memref_slice %arg2[%dma_wait3A_84] : memref<640000xi32, #tpu.memory_space<hbm>> -> memref<80xi32, #tpu.memory_space<hbm>>
    %dma_wait3A_86 = arith.constant 0 : i32
    %dma_wait3A_87 = tpu.memref_slice %arg8[%dma_wait3A_80, %dma_wait3A_86] : memref<2x80xi32, #tpu.memory_space<vmem>> -> memref<1x80xi32, #tpu.memory_space<vmem>>
    %dma_wait3A_88 = tpu.memref_squeeze %dma_wait3A_87 : memref<1x80xi32, #tpu.memory_space<vmem>> -> memref<80xi32, #tpu.memory_space<vmem>>
    %dma_wait3A_89 = arith.constant 0 : i32
    %dma_wait3A_90 = tpu.memref_slice %arg2[%dma_wait3A_89] : memref<640000xi32, #tpu.memory_space<hbm>> -> memref<80xi32, #tpu.memory_space<hbm>>
    tpu.wait_dma2 semaphore(%arg27 : memref<!tpu.dma_semaphore, #tpu.memory_space<semaphore_mem>>) src(%dma_wait3A_90 : memref<80xi32, #tpu.memory_space<hbm>>) dst(%dma_wait3A_88 : memref<80xi32, #tpu.memory_space<vmem>>)
    %dma_start3A_91 = arith.constant 0 : i32
    %dma_start3A_92 = arith.constant 0 : i32
    %dma_start3A_93 = tpu.memref_slice %arg8[%dma_start3A_91, %dma_start3A_92] : memref<2x80xi32, #tpu.memory_space<vmem>> -> memref<1x80xi32, #tpu.memory_space<vmem>>
    %dma_start3A_94 = tpu.memref_squeeze %dma_start3A_93 : memref<1x80xi32, #tpu.memory_space<vmem>> -> memref<80xi32, #tpu.memory_space<vmem>>
    %dma_start3A_95 = arith.constant 0 : i32
    %dma_start3A_96 = arith.constant 0 : i32
    %dma_start3A_97 = tpu.memref_slice %arg5[%dma_start3A_95, %dma_start3A_96] : memref<10000x128xf32, #tpu.memory_space<hbm>> -> memref<10000x128xf32, #tpu.memory_space<hbm>>
    tpu.enqueue_indirect_dma source(%dma_start3A_97 : memref<10000x128xf32, #tpu.memory_space<hbm>>) target(%arg20 : memref<80x128xf32, #tpu.memory_space<vmem>>) offsets(%dma_start3A_94 : memref<80xi32, #tpu.memory_space<vmem>>) semaphore(%arg30 : memref<!tpu.dma_semaphore, #tpu.memory_space<semaphore_mem>>)
    %dma_start3A_98 = arith.constant 1 : i32
    %dma_start3A_99 = arith.constant 0 : i32
    %dma_start3A_100 = tpu.memref_slice %arg8[%dma_start3A_98, %dma_start3A_99] : memref<2x80xi32, #tpu.memory_space<vmem>> -> memref<1x80xi32, #tpu.memory_space<vmem>>
    %dma_start3A_101 = tpu.memref_squeeze %dma_start3A_100 : memref<1x80xi32, #tpu.memory_space<vmem>> -> memref<80xi32, #tpu.memory_space<vmem>>
    %dma_start3A_102 = arith.constant 0 : i32
    %dma_start3A_103 = tpu.memref_slice %arg3[%dma_start3A_102] : memref<10000xf32, #tpu.memory_space<hbm>> -> memref<10000xf32, #tpu.memory_space<hbm>>
    tpu.enqueue_indirect_dma source(%dma_start3A_103 : memref<10000xf32, #tpu.memory_space<hbm>>) target(%arg11 : memref<80xf32, #tpu.memory_space<vmem>>) offsets(%dma_start3A_101 : memref<80xi32, #tpu.memory_space<vmem>>) semaphore(%arg30 : memref<!tpu.dma_semaphore, #tpu.memory_space<semaphore_mem>>)
    %dma_start3A_104 = arith.constant 0 : i32
    %dma_start3A_105 = arith.constant 0 : i32
    %dma_start3A_106 = tpu.memref_slice %arg8[%dma_start3A_104, %dma_start3A_105] : memref<2x80xi32, #tpu.memory_space<vmem>> -> memref<1x80xi32, #tpu.memory_space<vmem>>
    %dma_start3A_107 = tpu.memref_squeeze %dma_start3A_106 : memref<1x80xi32, #tpu.memory_space<vmem>> -> memref<80xi32, #tpu.memory_space<vmem>>
    %dma_start3A_108 = arith.constant 0 : i32
    %dma_start3A_109 = tpu.memref_slice %arg4[%dma_start3A_108] : memref<10000xf32, #tpu.memory_space<hbm>> -> memref<10000xf32, #tpu.memory_space<hbm>>
    tpu.enqueue_indirect_dma source(%dma_start3A_109 : memref<10000xf32, #tpu.memory_space<hbm>>) target(%arg14 : memref<80xf32, #tpu.memory_space<vmem>>) offsets(%dma_start3A_107 : memref<80xi32, #tpu.memory_space<vmem>>) semaphore(%arg30 : memref<!tpu.dma_semaphore, #tpu.memory_space<semaphore_mem>>)
    %add3A_110 = arith.constant 80 : i32
    %add3A_111 = arith.addi %mul3A_48, %add3A_110 : i32
    %dma_start3A_112 = arith.constant 0 : i32
    %dma_start3A_113 = arith.constant 0 : i32
    %dma_start3A_114 = tpu.memref_slice %arg9[%dma_start3A_112, %dma_start3A_113] : memref<2x80xi32, #tpu.memory_space<vmem>> -> memref<1x80xi32, #tpu.memory_space<vmem>>
    %dma_start3A_115 = tpu.memref_squeeze %dma_start3A_114 : memref<1x80xi32, #tpu.memory_space<vmem>> -> memref<80xi32, #tpu.memory_space<vmem>>
    %dma_start3A_116 = tpu.memref_slice %arg2[%add3A_111] : memref<640000xi32, #tpu.memory_space<hbm>> -> memref<80xi32, #tpu.memory_space<hbm>>
    %dma_start3A_117 = arith.constant 0 : i32
    %dma_start3A_118 = tpu.memref_slice %arg9[%dma_start3A_112, %dma_start3A_117] : memref<2x80xi32, #tpu.memory_space<vmem>> -> memref<1x80xi32, #tpu.memory_space<vmem>>
    %dma_start3A_119 = tpu.memref_squeeze %dma_start3A_118 : memref<1x80xi32, #tpu.memory_space<vmem>> -> memref<80xi32, #tpu.memory_space<vmem>>
    %dma_start3A_120 = tpu.memref_slice %arg2[%add3A_111] : memref<640000xi32, #tpu.memory_space<hbm>> -> memref<80xi32, #tpu.memory_space<hbm>>
    tpu.enqueue_dma source(%dma_start3A_120 : memref<80xi32, #tpu.memory_space<hbm>>) target(%dma_start3A_119 : memref<80xi32, #tpu.memory_space<vmem>>) target_semaphore(%arg28 : memref<!tpu.dma_semaphore, #tpu.memory_space<semaphore_mem>>)
    %add3A_121 = arith.constant 320000 : i32
    %add3A_122 = arith.addi %add3A_121, %add3A_111 : i32
    %dma_start3A_123 = arith.constant 1 : i32
    %dma_start3A_124 = arith.constant 0 : i32
    %dma_start3A_125 = tpu.memref_slice %arg9[%dma_start3A_123, %dma_start3A_124] : memref<2x80xi32, #tpu.memory_space<vmem>> -> memref<1x80xi32, #tpu.memory_space<vmem>>
    %dma_start3A_126 = tpu.memref_squeeze %dma_start3A_125 : memref<1x80xi32, #tpu.memory_space<vmem>> -> memref<80xi32, #tpu.memory_space<vmem>>
    %dma_start3A_127 = tpu.memref_slice %arg2[%add3A_122] : memref<640000xi32, #tpu.memory_space<hbm>> -> memref<80xi32, #tpu.memory_space<hbm>>
    %dma_start3A_128 = arith.constant 0 : i32
    %dma_start3A_129 = tpu.memref_slice %arg9[%dma_start3A_123, %dma_start3A_128] : memref<2x80xi32, #tpu.memory_space<vmem>> -> memref<1x80xi32, #tpu.memory_space<vmem>>
    %dma_start3A_130 = tpu.memref_squeeze %dma_start3A_129 : memref<1x80xi32, #tpu.memory_space<vmem>> -> memref<80xi32, #tpu.memory_space<vmem>>
    %dma_start3A_131 = tpu.memref_slice %arg2[%add3A_122] : memref<640000xi32, #tpu.memory_space<hbm>> -> memref<80xi32, #tpu.memory_space<hbm>>
    tpu.enqueue_dma source(%dma_start3A_131 : memref<80xi32, #tpu.memory_space<hbm>>) target(%dma_start3A_130 : memref<80xi32, #tpu.memory_space<vmem>>) target_semaphore(%arg28 : memref<!tpu.dma_semaphore, #tpu.memory_space<semaphore_mem>>)
    %scan3A_132 = arith.constant 0 : i32
    %scan3A_133 = arith.constant 1 : i32
    %scan3A_134 = arith.constant 0 : i32
    %scan3A_135 = arith.constant 0 : i32
    %scan3A_136 = arith.constant 1 : i32
    %scan3A_137 = arith.constant 0 : i32
    %scan3A_138 = arith.constant 1 : i32
    %scan3A_139 = arith.constant 0 : i32
    %scan3A_140 = arith.constant 42 : i32
    %scan3A_141 = arith.addi %scan3A_139, %scan3A_140 : i32
    %scan3A_142 = arith.constant 1 : i32
    scf.for %scan3A_223 = %scan3A_139 to %scan3A_141 step %scan3A_142  : i32 {
      %mul3A_224 = arith.constant 3 : i32
      %mul3A_225 = arith.muli %mul3A_224, %scan3A_223 : i32
      %add3A_226 = arith.constant 0 : i32
      %add3A_227 = arith.addi %mul3A_225, %add3A_226 : i32
      %add3A_228 = arith.constant 2 : i32
      %add3A_229 = arith.addi %add3A_227, %add3A_228 : i32
      %le3A = arith.constant 124 : i32
      %le3A_230 = arith.cmpi sle, %add3A_229, %le3A : i32
      %convert_element_type3A = arith.extui %le3A_230 : i1 to i32
      %cond3A = arith.constant 0 : i32
      %cond3A_231 = arith.cmpi ne, %convert_element_type3A, %cond3A : i32
      scf.if %cond3A_231 {
        %ge3A = arith.constant 1 : i32
        %ge3A_290 = arith.cmpi sge, %add3A_227, %ge3A : i32
        %convert_element_type3A_291 = arith.extui %ge3A_290 : i1 to i32
        %cond3A_292 = arith.constant 0 : i32
        %cond3A_293 = arith.cmpi ne, %convert_element_type3A_291, %cond3A_292 : i32
        scf.if %cond3A_293 {
          %dma_wait3A_317 = arith.constant 0 : i32
          %dma_wait3A_318 = tpu.memref_slice %arg10[%scan3A_133, %dma_wait3A_317] : memref<2x80xi32, #tpu.memory_space<vmem>> -> memref<1x80xi32, #tpu.memory_space<vmem>>
          %dma_wait3A_319 = tpu.memref_squeeze %dma_wait3A_318 : memref<1x80xi32, #tpu.memory_space<vmem>> -> memref<80xi32, #tpu.memory_space<vmem>>
          %dma_wait3A_320 = arith.constant 0 : i32
          %dma_wait3A_321 = tpu.memref_slice %arg24[%dma_wait3A_320] : memref<10240xf32, #tpu.memory_space<vmem_shared>> -> memref<10240xf32, #tpu.memory_space<vmem_shared>>
          tpu.wait_indirect_dma semaphore(%arg35 : memref<!tpu.dma_semaphore, #tpu.memory_space<semaphore_mem>>) src(%arg19 : memref<80xf32, #tpu.memory_space<vmem>>) dst(%dma_wait3A_321 : memref<10240xf32, #tpu.memory_space<vmem_shared>>)
          %dma_wait3A_322 = arith.constant 0 : i32
          %dma_wait3A_323 = tpu.memref_slice %arg10[%scan3A_133, %dma_wait3A_322] : memref<2x80xi32, #tpu.memory_space<vmem>> -> memref<1x80xi32, #tpu.memory_space<vmem>>
          %dma_wait3A_324 = tpu.memref_squeeze %dma_wait3A_323 : memref<1x80xi32, #tpu.memory_space<vmem>> -> memref<80xi32, #tpu.memory_space<vmem>>
          %dma_wait3A_325 = arith.constant 0 : i32
          %dma_wait3A_326 = arith.constant 0 : i32
          %dma_wait3A_327 = tpu.memref_slice %arg23[%dma_wait3A_325, %dma_wait3A_326] : memref<10240x128xf32, #tpu.memory_space<vmem_shared>> -> memref<10240x128xf32, #tpu.memory_space<vmem_shared>>
          tpu.wait_indirect_dma semaphore(%arg35 : memref<!tpu.dma_semaphore, #tpu.memory_space<semaphore_mem>>) src(%arg22 : memref<80x128xf32, #tpu.memory_space<vmem>>) dst(%dma_wait3A_327 : memref<10240x128xf32, #tpu.memory_space<vmem_shared>>)
        } else {
        }
        %add3A_294 = arith.constant 2 : i32
        %add3A_295 = arith.addi %add3A_227, %add3A_294 : i32
        %mul3A_296 = arith.constant 80 : i32
        %mul3A_297 = arith.muli %add3A_295, %mul3A_296 : i32
        %add3A_298 = arith.addi %mul3A_48, %mul3A_297 : i32
        %dma_start3A_299 = arith.constant 0 : i32
        %dma_start3A_300 = tpu.memref_slice %arg10[%scan3A_134, %dma_start3A_299] : memref<2x80xi32, #tpu.memory_space<vmem>> -> memref<1x80xi32, #tpu.memory_space<vmem>>
        %dma_start3A_301 = tpu.memref_squeeze %dma_start3A_300 : memref<1x80xi32, #tpu.memory_space<vmem>> -> memref<80xi32, #tpu.memory_space<vmem>>
        %dma_start3A_302 = tpu.memref_slice %arg2[%add3A_298] : memref<640000xi32, #tpu.memory_space<hbm>> -> memref<80xi32, #tpu.memory_space<hbm>>
        %dma_start3A_303 = arith.constant 0 : i32
        %dma_start3A_304 = tpu.memref_slice %arg10[%scan3A_134, %dma_start3A_303] : memref<2x80xi32, #tpu.memory_space<vmem>> -> memref<1x80xi32, #tpu.memory_space<vmem>>
        %dma_start3A_305 = tpu.memref_squeeze %dma_start3A_304 : memref<1x80xi32, #tpu.memory_space<vmem>> -> memref<80xi32, #tpu.memory_space<vmem>>
        %dma_start3A_306 = tpu.memref_slice %arg2[%add3A_298] : memref<640000xi32, #tpu.memory_space<hbm>> -> memref<80xi32, #tpu.memory_space<hbm>>
        tpu.enqueue_dma source(%dma_start3A_306 : memref<80xi32, #tpu.memory_space<hbm>>) target(%dma_start3A_305 : memref<80xi32, #tpu.memory_space<vmem>>) target_semaphore(%arg29 : memref<!tpu.dma_semaphore, #tpu.memory_space<semaphore_mem>>)
        %add3A_307 = arith.constant 320000 : i32
        %add3A_308 = arith.addi %add3A_307, %add3A_298 : i32
        %dma_start3A_309 = arith.constant 0 : i32
        %dma_start3A_310 = tpu.memref_slice %arg10[%scan3A_133, %dma_start3A_309] : memref<2x80xi32, #tpu.memory_space<vmem>> -> memref<1x80xi32, #tpu.memory_space<vmem>>
        %dma_start3A_311 = tpu.memref_squeeze %dma_start3A_310 : memref<1x80xi32, #tpu.memory_space<vmem>> -> memref<80xi32, #tpu.memory_space<vmem>>
        %dma_start3A_312 = tpu.memref_slice %arg2[%add3A_308] : memref<640000xi32, #tpu.memory_space<hbm>> -> memref<80xi32, #tpu.memory_space<hbm>>
        %dma_start3A_313 = arith.constant 0 : i32
        %dma_start3A_314 = tpu.memref_slice %arg10[%scan3A_133, %dma_start3A_313] : memref<2x80xi32, #tpu.memory_space<vmem>> -> memref<1x80xi32, #tpu.memory_space<vmem>>
        %dma_start3A_315 = tpu.memref_squeeze %dma_start3A_314 : memref<1x80xi32, #tpu.memory_space<vmem>> -> memref<80xi32, #tpu.memory_space<vmem>>
        %dma_start3A_316 = tpu.memref_slice %arg2[%add3A_308] : memref<640000xi32, #tpu.memory_space<hbm>> -> memref<80xi32, #tpu.memory_space<hbm>>
        tpu.enqueue_dma source(%dma_start3A_316 : memref<80xi32, #tpu.memory_space<hbm>>) target(%dma_start3A_315 : memref<80xi32, #tpu.memory_space<vmem>>) target_semaphore(%arg29 : memref<!tpu.dma_semaphore, #tpu.memory_space<semaphore_mem>>)
      } else {
      }
      %add3A_232 = arith.constant 1 : i32
      %add3A_233 = arith.addi %add3A_227, %add3A_232 : i32
      %le3A_234 = arith.constant 124 : i32
      %le3A_235 = arith.cmpi sle, %add3A_233, %le3A_234 : i32
      %convert_element_type3A_236 = arith.extui %le3A_235 : i1 to i32
      %cond3A_237 = arith.constant 0 : i32
      %cond3A_238 = arith.cmpi ne, %convert_element_type3A_236, %cond3A_237 : i32
      scf.if %cond3A_238 {
        %dma_wait3A_290 = arith.constant 0 : i32
        %dma_wait3A_291 = tpu.memref_slice %arg9[%scan3A_135, %dma_wait3A_290] : memref<2x80xi32, #tpu.memory_space<vmem>> -> memref<1x80xi32, #tpu.memory_space<vmem>>
        %dma_wait3A_292 = tpu.memref_squeeze %dma_wait3A_291 : memref<1x80xi32, #tpu.memory_space<vmem>> -> memref<80xi32, #tpu.memory_space<vmem>>
        %dma_wait3A_293 = arith.constant 0 : i32
        %dma_wait3A_294 = tpu.memref_slice %arg2[%dma_wait3A_293] : memref<640000xi32, #tpu.memory_space<hbm>> -> memref<80xi32, #tpu.memory_space<hbm>>
        %dma_wait3A_295 = arith.constant 0 : i32
        %dma_wait3A_296 = tpu.memref_slice %arg9[%scan3A_135, %dma_wait3A_295] : memref<2x80xi32, #tpu.memory_space<vmem>> -> memref<1x80xi32, #tpu.memory_space<vmem>>
        %dma_wait3A_297 = tpu.memref_squeeze %dma_wait3A_296 : memref<1x80xi32, #tpu.memory_space<vmem>> -> memref<80xi32, #tpu.memory_space<vmem>>
        %dma_wait3A_298 = arith.constant 0 : i32
        %dma_wait3A_299 = tpu.memref_slice %arg2[%dma_wait3A_298] : memref<640000xi32, #tpu.memory_space<hbm>> -> memref<80xi32, #tpu.memory_space<hbm>>
        tpu.wait_dma2 semaphore(%arg28 : memref<!tpu.dma_semaphore, #tpu.memory_space<semaphore_mem>>) src(%dma_wait3A_299 : memref<80xi32, #tpu.memory_space<hbm>>) dst(%dma_wait3A_297 : memref<80xi32, #tpu.memory_space<vmem>>)
        %dma_wait3A_300 = arith.constant 0 : i32
        %dma_wait3A_301 = tpu.memref_slice %arg9[%scan3A_136, %dma_wait3A_300] : memref<2x80xi32, #tpu.memory_space<vmem>> -> memref<1x80xi32, #tpu.memory_space<vmem>>
        %dma_wait3A_302 = tpu.memref_squeeze %dma_wait3A_301 : memref<1x80xi32, #tpu.memory_space<vmem>> -> memref<80xi32, #tpu.memory_space<vmem>>
        %dma_wait3A_303 = arith.constant 0 : i32
        %dma_wait3A_304 = tpu.memref_slice %arg2[%dma_wait3A_303] : memref<640000xi32, #tpu.memory_space<hbm>> -> memref<80xi32, #tpu.memory_space<hbm>>
        %dma_wait3A_305 = arith.constant 0 : i32
        %dma_wait3A_306 = tpu.memref_slice %arg9[%scan3A_136, %dma_wait3A_305] : memref<2x80xi32, #tpu.memory_space<vmem>> -> memref<1x80xi32, #tpu.memory_space<vmem>>
        %dma_wait3A_307 = tpu.memref_squeeze %dma_wait3A_306 : memref<1x80xi32, #tpu.memory_space<vmem>> -> memref<80xi32, #tpu.memory_space<vmem>>
        %dma_wait3A_308 = arith.constant 0 : i32
        %dma_wait3A_309 = tpu.memref_slice %arg2[%dma_wait3A_308] : memref<640000xi32, #tpu.memory_space<hbm>> -> memref<80xi32, #tpu.memory_space<hbm>>
        tpu.wait_dma2 semaphore(%arg28 : memref<!tpu.dma_semaphore, #tpu.memory_space<semaphore_mem>>) src(%dma_wait3A_309 : memref<80xi32, #tpu.memory_space<hbm>>) dst(%dma_wait3A_307 : memref<80xi32, #tpu.memory_space<vmem>>)
        %dma_start3A_310 = arith.constant 0 : i32
        %dma_start3A_311 = tpu.memref_slice %arg9[%scan3A_135, %dma_start3A_310] : memref<2x80xi32, #tpu.memory_space<vmem>> -> memref<1x80xi32, #tpu.memory_space<vmem>>
        %dma_start3A_312 = tpu.memref_squeeze %dma_start3A_311 : memref<1x80xi32, #tpu.memory_space<vmem>> -> memref<80xi32, #tpu.memory_space<vmem>>
        %dma_start3A_313 = arith.constant 0 : i32
        %dma_start3A_314 = arith.constant 0 : i32
        %dma_start3A_315 = tpu.memref_slice %arg5[%dma_start3A_313, %dma_start3A_314] : memref<10000x128xf32, #tpu.memory_space<hbm>> -> memref<10000x128xf32, #tpu.memory_space<hbm>>
        tpu.enqueue_indirect_dma source(%dma_start3A_315 : memref<10000x128xf32, #tpu.memory_space<hbm>>) target(%arg21 : memref<80x128xf32, #tpu.memory_space<vmem>>) offsets(%dma_start3A_312 : memref<80xi32, #tpu.memory_space<vmem>>) semaphore(%arg31 : memref<!tpu.dma_semaphore, #tpu.memory_space<semaphore_mem>>)
        %dma_start3A_316 = arith.constant 0 : i32
        %dma_start3A_317 = tpu.memref_slice %arg9[%scan3A_136, %dma_start3A_316] : memref<2x80xi32, #tpu.memory_space<vmem>> -> memref<1x80xi32, #tpu.memory_space<vmem>>
        %dma_start3A_318 = tpu.memref_squeeze %dma_start3A_317 : memref<1x80xi32, #tpu.memory_space<vmem>> -> memref<80xi32, #tpu.memory_space<vmem>>
        %dma_start3A_319 = arith.constant 0 : i32
        %dma_start3A_320 = tpu.memref_slice %arg3[%dma_start3A_319] : memref<10000xf32, #tpu.memory_space<hbm>> -> memref<10000xf32, #tpu.memory_space<hbm>>
        tpu.enqueue_indirect_dma source(%dma_start3A_320 : memref<10000xf32, #tpu.memory_space<hbm>>) target(%arg12 : memref<80xf32, #tpu.memory_space<vmem>>) offsets(%dma_start3A_318 : memref<80xi32, #tpu.memory_space<vmem>>) semaphore(%arg31 : memref<!tpu.dma_semaphore, #tpu.memory_space<semaphore_mem>>)
        %dma_start3A_321 = arith.constant 0 : i32
        %dma_start3A_322 = tpu.memref_slice %arg9[%scan3A_135, %dma_start3A_321] : memref<2x80xi32, #tpu.memory_space<vmem>> -> memref<1x80xi32, #tpu.memory_space<vmem>>
        %dma_start3A_323 = tpu.memref_squeeze %dma_start3A_322 : memref<1x80xi32, #tpu.memory_space<vmem>> -> memref<80xi32, #tpu.memory_space<vmem>>
        %dma_start3A_324 = arith.constant 0 : i32
        %dma_start3A_325 = tpu.memref_slice %arg4[%dma_start3A_324] : memref<10000xf32, #tpu.memory_space<hbm>> -> memref<10000xf32, #tpu.memory_space<hbm>>
        tpu.enqueue_indirect_dma source(%dma_start3A_325 : memref<10000xf32, #tpu.memory_space<hbm>>) target(%arg15 : memref<80xf32, #tpu.memory_space<vmem>>) offsets(%dma_start3A_323 : memref<80xi32, #tpu.memory_space<vmem>>) semaphore(%arg31 : memref<!tpu.dma_semaphore, #tpu.memory_space<semaphore_mem>>)
      } else {
      }
      %le3A_239 = arith.constant 124 : i32
      %le3A_240 = arith.cmpi sle, %add3A_227, %le3A_239 : i32
      %convert_element_type3A_241 = arith.extui %le3A_240 : i1 to i32
      %cond3A_242 = arith.constant 0 : i32
      %cond3A_243 = arith.cmpi ne, %convert_element_type3A_241, %cond3A_242 : i32
      scf.if %cond3A_243 {
        %dma_wait3A_290 = arith.constant 0 : i32
        %dma_wait3A_291 = tpu.memref_slice %arg8[%scan3A_137, %dma_wait3A_290] : memref<2x80xi32, #tpu.memory_space<vmem>> -> memref<1x80xi32, #tpu.memory_space<vmem>>
        %dma_wait3A_292 = tpu.memref_squeeze %dma_wait3A_291 : memref<1x80xi32, #tpu.memory_space<vmem>> -> memref<80xi32, #tpu.memory_space<vmem>>
        %dma_wait3A_293 = arith.constant 0 : i32
        %dma_wait3A_294 = arith.constant 0 : i32
        %dma_wait3A_295 = tpu.memref_slice %arg5[%dma_wait3A_293, %dma_wait3A_294] : memref<10000x128xf32, #tpu.memory_space<hbm>> -> memref<10000x128xf32, #tpu.memory_space<hbm>>
        tpu.wait_indirect_dma semaphore(%arg30 : memref<!tpu.dma_semaphore, #tpu.memory_space<semaphore_mem>>) src(%dma_wait3A_295 : memref<10000x128xf32, #tpu.memory_space<hbm>>) dst(%arg20 : memref<80x128xf32, #tpu.memory_space<vmem>>)
        %dma_wait3A_296 = arith.constant 0 : i32
        %dma_wait3A_297 = tpu.memref_slice %arg8[%scan3A_138, %dma_wait3A_296] : memref<2x80xi32, #tpu.memory_space<vmem>> -> memref<1x80xi32, #tpu.memory_space<vmem>>
        %dma_wait3A_298 = tpu.memref_squeeze %dma_wait3A_297 : memref<1x80xi32, #tpu.memory_space<vmem>> -> memref<80xi32, #tpu.memory_space<vmem>>
        %dma_wait3A_299 = arith.constant 0 : i32
        %dma_wait3A_300 = tpu.memref_slice %arg3[%dma_wait3A_299] : memref<10000xf32, #tpu.memory_space<hbm>> -> memref<10000xf32, #tpu.memory_space<hbm>>
        tpu.wait_indirect_dma semaphore(%arg30 : memref<!tpu.dma_semaphore, #tpu.memory_space<semaphore_mem>>) src(%dma_wait3A_300 : memref<10000xf32, #tpu.memory_space<hbm>>) dst(%arg11 : memref<80xf32, #tpu.memory_space<vmem>>)
        %dma_wait3A_301 = arith.constant 0 : i32
        %dma_wait3A_302 = tpu.memref_slice %arg8[%scan3A_137, %dma_wait3A_301] : memref<2x80xi32, #tpu.memory_space<vmem>> -> memref<1x80xi32, #tpu.memory_space<vmem>>
        %dma_wait3A_303 = tpu.memref_squeeze %dma_wait3A_302 : memref<1x80xi32, #tpu.memory_space<vmem>> -> memref<80xi32, #tpu.memory_space<vmem>>
        %dma_wait3A_304 = arith.constant 0 : i32
        %dma_wait3A_305 = tpu.memref_slice %arg4[%dma_wait3A_304] : memref<10000xf32, #tpu.memory_space<hbm>> -> memref<10000xf32, #tpu.memory_space<hbm>>
        tpu.wait_indirect_dma semaphore(%arg30 : memref<!tpu.dma_semaphore, #tpu.memory_space<semaphore_mem>>) src(%dma_wait3A_305 : memref<10000xf32, #tpu.memory_space<hbm>>) dst(%arg14 : memref<80xf32, #tpu.memory_space<vmem>>)
        %get3A = arith.constant 0 : index
        %get3A_306 = tpu.vector_load %arg11[%get3A] {strides = array<i32>} : memref<80xf32, #tpu.memory_space<vmem>>, vector<16xf32>,
        %get3A_307 = arith.constant 0 : index
        %get3A_308 = tpu.vector_load %arg14[%get3A_307] {strides = array<i32>} : memref<80xf32, #tpu.memory_space<vmem>>, vector<16xf32>,
        %add3A_309 = arith.addf %get3A_306, %get3A_308 : vector<16xf32>
        %gt3A = arith.constant 0.000000e+00 : f32
        %gt3A_310 = vector.broadcast %gt3A : f32 to vector<16xf32>
        %gt3A_311 = arith.cmpf ogt, %add3A_309, %gt3A_310 : vector<16xf32>
        %mul3A_312 = arith.constant 0.00999999977 : f32
        %mul3A_313 = vector.broadcast %mul3A_312 : f32 to vector<16xf32>
        %mul3A_314 = arith.mulf %add3A_309, %mul3A_313 : vector<16xf32>
        %select_n3A_315 = arith.select %gt3A_311, %add3A_309, %mul3A_314 : vector<16xi1>, vector<16xf32>
        %exp3A = math.exp %select_n3A_315 : vector<16xf32>
        %swap3A = arith.constant 0 : index
        %swap3A_316 = tpu.vector_load %arg17[%swap3A] {strides = array<i32>} : memref<80xf32, #tpu.memory_space<vmem>>, vector<16xf32>,
        tpu.vector_store %arg17[%swap3A], %exp3A {strides = array<i32>} : memref<80xf32, #tpu.memory_space<vmem>>, vector<16xf32>,
        %get3A_317 = arith.constant 16 : index
        %get3A_318 = tpu.vector_load %arg11[%get3A_317] {strides = array<i32>} : memref<80xf32, #tpu.memory_space<vmem>>, vector<16xf32>,
        %get3A_319 = arith.constant 16 : index
        %get3A_320 = tpu.vector_load %arg14[%get3A_319] {strides = array<i32>} : memref<80xf32, #tpu.memory_space<vmem>>, vector<16xf32>,
        %add3A_321 = arith.addf %get3A_318, %get3A_320 : vector<16xf32>
        %gt3A_322 = arith.constant 0.000000e+00 : f32
        %gt3A_323 = vector.broadcast %gt3A_322 : f32 to vector<16xf32>
        %gt3A_324 = arith.cmpf ogt, %add3A_321, %gt3A_323 : vector<16xf32>
        %mul3A_325 = arith.constant 0.00999999977 : f32
        %mul3A_326 = vector.broadcast %mul3A_325 : f32 to vector<16xf32>
        %mul3A_327 = arith.mulf %add3A_321, %mul3A_326 : vector<16xf32>
        %select_n3A_328 = arith.select %gt3A_324, %add3A_321, %mul3A_327 : vector<16xi1>, vector<16xf32>
        %exp3A_329 = math.exp %select_n3A_328 : vector<16xf32>
        %swap3A_330 = arith.constant 16 : index
        %swap3A_331 = tpu.vector_load %arg17[%swap3A_330] {strides = array<i32>} : memref<80xf32, #tpu.memory_space<vmem>>, vector<16xf32>,
        tpu.vector_store %arg17[%swap3A_330], %exp3A_329 {strides = array<i32>} : memref<80xf32, #tpu.memory_space<vmem>>, vector<16xf32>,
        %get3A_332 = arith.constant 32 : index
        %get3A_333 = tpu.vector_load %arg11[%get3A_332] {strides = array<i32>} : memref<80xf32, #tpu.memory_space<vmem>>, vector<16xf32>,
        %get3A_334 = arith.constant 32 : index
        %get3A_335 = tpu.vector_load %arg14[%get3A_334] {strides = array<i32>} : memref<80xf32, #tpu.memory_space<vmem>>, vector<16xf32>,
        %add3A_336 = arith.addf %get3A_333, %get3A_335 : vector<16xf32>
        %gt3A_337 = arith.constant 0.000000e+00 : f32
        %gt3A_338 = vector.broadcast %gt3A_337 : f32 to vector<16xf32>
        %gt3A_339 = arith.cmpf ogt, %add3A_336, %gt3A_338 : vector<16xf32>
        %mul3A_340 = arith.constant 0.00999999977 : f32
        %mul3A_341 = vector.broadcast %mul3A_340 : f32 to vector<16xf32>
        %mul3A_342 = arith.mulf %add3A_336, %mul3A_341 : vector<16xf32>
        %select_n3A_343 = arith.select %gt3A_339, %add3A_336, %mul3A_342 : vector<16xi1>, vector<16xf32>
        %exp3A_344 = math.exp %select_n3A_343 : vector<16xf32>
        %swap3A_345 = arith.constant 32 : index
        %swap3A_346 = tpu.vector_load %arg17[%swap3A_345] {strides = array<i32>} : memref<80xf32, #tpu.memory_space<vmem>>, vector<16xf32>,
        tpu.vector_store %arg17[%swap3A_345], %exp3A_344 {strides = array<i32>} : memref<80xf32, #tpu.memory_space<vmem>>, vector<16xf32>,
        %get3A_347 = arith.constant 48 : index
        %get3A_348 = tpu.vector_load %arg11[%get3A_347] {strides = array<i32>} : memref<80xf32, #tpu.memory_space<vmem>>, vector<16xf32>,
        %get3A_349 = arith.constant 48 : index
        %get3A_350 = tpu.vector_load %arg14[%get3A_349] {strides = array<i32>} : memref<80xf32, #tpu.memory_space<vmem>>, vector<16xf32>,
        %add3A_351 = arith.addf %get3A_348, %get3A_350 : vector<16xf32>
        %gt3A_352 = arith.constant 0.000000e+00 : f32
        %gt3A_353 = vector.broadcast %gt3A_352 : f32 to vector<16xf32>
        %gt3A_354 = arith.cmpf ogt, %add3A_351, %gt3A_353 : vector<16xf32>
        %mul3A_355 = arith.constant 0.00999999977 : f32
        %mul3A_356 = vector.broadcast %mul3A_355 : f32 to vector<16xf32>
        %mul3A_357 = arith.mulf %add3A_351, %mul3A_356 : vector<16xf32>
        %select_n3A_358 = arith.select %gt3A_354, %add3A_351, %mul3A_357 : vector<16xi1>, vector<16xf32>
        %exp3A_359 = math.exp %select_n3A_358 : vector<16xf32>
        %swap3A_360 = arith.constant 48 : index
        %swap3A_361 = tpu.vector_load %arg17[%swap3A_360] {strides = array<i32>} : memref<80xf32, #tpu.memory_space<vmem>>, vector<16xf32>,
        tpu.vector_store %arg17[%swap3A_360], %exp3A_359 {strides = array<i32>} : memref<80xf32, #tpu.memory_space<vmem>>, vector<16xf32>,
        %get3A_362 = arith.constant 64 : index
        %get3A_363 = tpu.vector_load %arg11[%get3A_362] {strides = array<i32>} : memref<80xf32, #tpu.memory_space<vmem>>, vector<16xf32>,
        %get3A_364 = arith.constant 64 : index
        %get3A_365 = tpu.vector_load %arg14[%get3A_364] {strides = array<i32>} : memref<80xf32, #tpu.memory_space<vmem>>, vector<16xf32>,
        %add3A_366 = arith.addf %get3A_363, %get3A_365 : vector<16xf32>
        %gt3A_367 = arith.constant 0.000000e+00 : f32
        %gt3A_368 = vector.broadcast %gt3A_367 : f32 to vector<16xf32>
        %gt3A_369 = arith.cmpf ogt, %add3A_366, %gt3A_368 : vector<16xf32>
        %mul3A_370 = arith.constant 0.00999999977 : f32
        %mul3A_371 = vector.broadcast %mul3A_370 : f32 to vector<16xf32>
        %mul3A_372 = arith.mulf %add3A_366, %mul3A_371 : vector<16xf32>
        %select_n3A_373 = arith.select %gt3A_369, %add3A_366, %mul3A_372 : vector<16xi1>, vector<16xf32>
        %exp3A_374 = math.exp %select_n3A_373 : vector<16xf32>
        %swap3A_375 = arith.constant 64 : index
        %swap3A_376 = tpu.vector_load %arg17[%swap3A_375] {strides = array<i32>} : memref<80xf32, #tpu.memory_space<vmem>>, vector<16xf32>,
        tpu.vector_store %arg17[%swap3A_375], %exp3A_374 {strides = array<i32>} : memref<80xf32, #tpu.memory_space<vmem>>, vector<16xf32>,
        %parallel_loop3A = arith.constant 0 : i32
        %parallel_loop3A_377 = arith.constant 80 : i32
        %parallel_loop3A_378 = arith.constant 1 : i32
        scf.for %parallel_loop3A_390 = %parallel_loop3A to %parallel_loop3A_377 step %parallel_loop3A_378  : i32 {
          %parallel_loop3A_391 = vector.broadcast %parallel_loop3A_390 : i32 to vector<16xi32>
          %parallel_loop3A_392 = tpu.vector_load_idx %arg17[%parallel_loop3A_391] : memref<80xf32, #tpu.memory_space<vmem>>[vector<16xi32>], vector<16xf32>,
          %parallel_loop3A_393 = arith.index_cast %parallel_loop3A_390 : i32 to index
          %parallel_loop3A_394 = arith.constant 0 : index
          %parallel_loop3A_395 = tpu.vector_load %arg20[%parallel_loop3A_393, %parallel_loop3A_394] {strides = array<i32>} : memref<80x128xf32, #tpu.memory_space<vmem>>, vector<16xf32>,
          %parallel_loop3A_396 = arith.mulf %parallel_loop3A_395, %parallel_loop3A_392 : vector<16xf32>
          %parallel_loop3A_397 = arith.index_cast %parallel_loop3A_390 : i32 to index
          %parallel_loop3A_398 = arith.constant 0 : index
          %parallel_loop3A_399 = tpu.vector_load %arg20[%parallel_loop3A_397, %parallel_loop3A_398] {strides = array<i32>} : memref<80x128xf32, #tpu.memory_space<vmem>>, vector<16xf32>,
          tpu.vector_store %arg20[%parallel_loop3A_397, %parallel_loop3A_398], %parallel_loop3A_396 {strides = array<i32>} : memref<80x128xf32, #tpu.memory_space<vmem>>, vector<16xf32>,
          %parallel_loop3A_400 = arith.index_cast %parallel_loop3A_390 : i32 to index
          %parallel_loop3A_401 = arith.constant 16 : index
          %parallel_loop3A_402 = tpu.vector_load %arg20[%parallel_loop3A_400, %parallel_loop3A_401] {strides = array<i32>} : memref<80x128xf32, #tpu.memory_space<vmem>>, vector<16xf32>,
          %parallel_loop3A_403 = arith.mulf %parallel_loop3A_402, %parallel_loop3A_392 : vector<16xf32>
          %parallel_loop3A_404 = arith.index_cast %parallel_loop3A_390 : i32 to index
          %parallel_loop3A_405 = arith.constant 16 : index
          %parallel_loop3A_406 = tpu.vector_load %arg20[%parallel_loop3A_404, %parallel_loop3A_405] {strides = array<i32>} : memref<80x128xf32, #tpu.memory_space<vmem>>, vector<16xf32>,
          tpu.vector_store %arg20[%parallel_loop3A_404, %parallel_loop3A_405], %parallel_loop3A_403 {strides = array<i32>} : memref<80x128xf32, #tpu.memory_space<vmem>>, vector<16xf32>,
          %parallel_loop3A_407 = arith.index_cast %parallel_loop3A_390 : i32 to index
          %parallel_loop3A_408 = arith.constant 32 : index
          %parallel_loop3A_409 = tpu.vector_load %arg20[%parallel_loop3A_407, %parallel_loop3A_408] {strides = array<i32>} : memref<80x128xf32, #tpu.memory_space<vmem>>, vector<16xf32>,
          %parallel_loop3A_410 = arith.mulf %parallel_loop3A_409, %parallel_loop3A_392 : vector<16xf32>
          %parallel_loop3A_411 = arith.index_cast %parallel_loop3A_390 : i32 to index
          %parallel_loop3A_412 = arith.constant 32 : index
          %parallel_loop3A_413 = tpu.vector_load %arg20[%parallel_loop3A_411, %parallel_loop3A_412] {strides = array<i32>} : memref<80x128xf32, #tpu.memory_space<vmem>>, vector<16xf32>,
          tpu.vector_store %arg20[%parallel_loop3A_411, %parallel_loop3A_412], %parallel_loop3A_410 {strides = array<i32>} : memref<80x128xf32, #tpu.memory_space<vmem>>, vector<16xf32>,
          %parallel_loop3A_414 = arith.index_cast %parallel_loop3A_390 : i32 to index
          %parallel_loop3A_415 = arith.constant 48 : index
          %parallel_loop3A_416 = tpu.vector_load %arg20[%parallel_loop3A_414, %parallel_loop3A_415] {strides = array<i32>} : memref<80x128xf32, #tpu.memory_space<vmem>>, vector<16xf32>,
          %parallel_loop3A_417 = arith.mulf %parallel_loop3A_416, %parallel_loop3A_392 : vector<16xf32>
          %parallel_loop3A_418 = arith.index_cast %parallel_loop3A_390 : i32 to index
          %parallel_loop3A_419 = arith.constant 48 : index
          %parallel_loop3A_420 = tpu.vector_load %arg20[%parallel_loop3A_418, %parallel_loop3A_419] {strides = array<i32>} : memref<80x128xf32, #tpu.memory_space<vmem>>, vector<16xf32>,
          tpu.vector_store %arg20[%parallel_loop3A_418, %parallel_loop3A_419], %parallel_loop3A_417 {strides = array<i32>} : memref<80x128xf32, #tpu.memory_space<vmem>>, vector<16xf32>,
          %parallel_loop3A_421 = arith.index_cast %parallel_loop3A_390 : i32 to index
          %parallel_loop3A_422 = arith.constant 64 : index
          %parallel_loop3A_423 = tpu.vector_load %arg20[%parallel_loop3A_421, %parallel_loop3A_422] {strides = array<i32>} : memref<80x128xf32, #tpu.memory_space<vmem>>, vector<16xf32>,
          %parallel_loop3A_424 = arith.mulf %parallel_loop3A_423, %parallel_loop3A_392 : vector<16xf32>
          %parallel_loop3A_425 = arith.index_cast %parallel_loop3A_390 : i32 to index
          %parallel_loop3A_426 = arith.constant 64 : index
          %parallel_loop3A_427 = tpu.vector_load %arg20[%parallel_loop3A_425, %parallel_loop3A_426] {strides = array<i32>} : memref<80x128xf32, #tpu.memory_space<vmem>>, vector<16xf32>,
          tpu.vector_store %arg20[%parallel_loop3A_425, %parallel_loop3A_426], %parallel_loop3A_424 {strides = array<i32>} : memref<80x128xf32, #tpu.memory_space<vmem>>, vector<16xf32>,
          %parallel_loop3A_428 = arith.index_cast %parallel_loop3A_390 : i32 to index
          %parallel_loop3A_429 = arith.constant 80 : index
          %parallel_loop3A_430 = tpu.vector_load %arg20[%parallel_loop3A_428, %parallel_loop3A_429] {strides = array<i32>} : memref<80x128xf32, #tpu.memory_space<vmem>>, vector<16xf32>,
          %parallel_loop3A_431 = arith.mulf %parallel_loop3A_430, %parallel_loop3A_392 : vector<16xf32>
          %parallel_loop3A_432 = arith.index_cast %parallel_loop3A_390 : i32 to index
          %parallel_loop3A_433 = arith.constant 80 : index
          %parallel_loop3A_434 = tpu.vector_load %arg20[%parallel_loop3A_432, %parallel_loop3A_433] {strides = array<i32>} : memref<80x128xf32, #tpu.memory_space<vmem>>, vector<16xf32>,
          tpu.vector_store %arg20[%parallel_loop3A_432, %parallel_loop3A_433], %parallel_loop3A_431 {strides = array<i32>} : memref<80x128xf32, #tpu.memory_space<vmem>>, vector<16xf32>,
          %parallel_loop3A_435 = arith.index_cast %parallel_loop3A_390 : i32 to index
          %parallel_loop3A_436 = arith.constant 96 : index
          %parallel_loop3A_437 = tpu.vector_load %arg20[%parallel_loop3A_435, %parallel_loop3A_436] {strides = array<i32>} : memref<80x128xf32, #tpu.memory_space<vmem>>, vector<16xf32>,
          %parallel_loop3A_438 = arith.mulf %parallel_loop3A_437, %parallel_loop3A_392 : vector<16xf32>
          %parallel_loop3A_439 = arith.index_cast %parallel_loop3A_390 : i32 to index
          %parallel_loop3A_440 = arith.constant 96 : index
          %parallel_loop3A_441 = tpu.vector_load %arg20[%parallel_loop3A_439, %parallel_loop3A_440] {strides = array<i32>} : memref<80x128xf32, #tpu.memory_space<vmem>>, vector<16xf32>,
          tpu.vector_store %arg20[%parallel_loop3A_439, %parallel_loop3A_440], %parallel_loop3A_438 {strides = array<i32>} : memref<80x128xf32, #tpu.memory_space<vmem>>, vector<16xf32>,
          %parallel_loop3A_442 = arith.index_cast %parallel_loop3A_390 : i32 to index
          %parallel_loop3A_443 = arith.constant 112 : index
          %parallel_loop3A_444 = tpu.vector_load %arg20[%parallel_loop3A_442, %parallel_loop3A_443] {strides = array<i32>} : memref<80x128xf32, #tpu.memory_space<vmem>>, vector<16xf32>,
          %parallel_loop3A_445 = arith.mulf %parallel_loop3A_444, %parallel_loop3A_392 : vector<16xf32>
          %parallel_loop3A_446 = arith.index_cast %parallel_loop3A_390 : i32 to index
          %parallel_loop3A_447 = arith.constant 112 : index
          %parallel_loop3A_448 = tpu.vector_load %arg20[%parallel_loop3A_446, %parallel_loop3A_447] {strides = array<i32>} : memref<80x128xf32, #tpu.memory_space<vmem>>, vector<16xf32>,
          tpu.vector_store %arg20[%parallel_loop3A_446, %parallel_loop3A_447], %parallel_loop3A_445 {strides = array<i32>} : memref<80x128xf32, #tpu.memory_space<vmem>>, vector<16xf32>,
        } {sc.loop_unroll_factor = 8 : i64, sc.parallel_access}
        %dma_start3A_379 = arith.constant 0 : i32
        %dma_start3A_380 = tpu.memref_slice %arg8[%scan3A_138, %dma_start3A_379] : memref<2x80xi32, #tpu.memory_space<vmem>> -> memref<1x80xi32, #tpu.memory_space<vmem>>
        %dma_start3A_381 = tpu.memref_squeeze %dma_start3A_380 : memref<1x80xi32, #tpu.memory_space<vmem>> -> memref<80xi32, #tpu.memory_space<vmem>>
        %dma_start3A_382 = arith.constant 0 : i32
        %dma_start3A_383 = tpu.memref_slice %arg24[%dma_start3A_382] : memref<10240xf32, #tpu.memory_space<vmem_shared>> -> memref<10240xf32, #tpu.memory_space<vmem_shared>>
        tpu.enqueue_indirect_dma source(%arg17 : memref<80xf32, #tpu.memory_space<vmem>>) target(%dma_start3A_383 : memref<10240xf32, #tpu.memory_space<vmem_shared>>) offsets(%dma_start3A_381 : memref<80xi32, #tpu.memory_space<vmem>>) semaphore(%arg33 : memref<!tpu.dma_semaphore, #tpu.memory_space<semaphore_mem>>) {add = true}
        %dma_start3A_384 = arith.constant 0 : i32
        %dma_start3A_385 = tpu.memref_slice %arg8[%scan3A_138, %dma_start3A_384] : memref<2x80xi32, #tpu.memory_space<vmem>> -> memref<1x80xi32, #tpu.memory_space<vmem>>
        %dma_start3A_386 = tpu.memref_squeeze %dma_start3A_385 : memref<1x80xi32, #tpu.memory_space<vmem>> -> memref<80xi32, #tpu.memory_space<vmem>>
        %dma_start3A_387 = arith.constant 0 : i32
        %dma_start3A_388 = arith.constant 0 : i32
        %dma_start3A_389 = tpu.memref_slice %arg23[%dma_start3A_387, %dma_start3A_388] : memref<10240x128xf32, #tpu.memory_space<vmem_shared>> -> memref<10240x128xf32, #tpu.memory_space<vmem_shared>>
        tpu.enqueue_indirect_dma source(%arg20 : memref<80x128xf32, #tpu.memory_space<vmem>>) target(%dma_start3A_389 : memref<10240x128xf32, #tpu.memory_space<vmem_shared>>) offsets(%dma_start3A_386 : memref<80xi32, #tpu.memory_space<vmem>>) semaphore(%arg33 : memref<!tpu.dma_semaphore, #tpu.memory_space<semaphore_mem>>) {add = true}
      } else {
      }
      %mul3A_244 = arith.constant 3 : i32
      %mul3A_245 = arith.muli %mul3A_244, %scan3A_223 : i32
      %add3A_246 = arith.constant 1 : i32
      %add3A_247 = arith.addi %mul3A_245, %add3A_246 : i32
      %add3A_248 = arith.constant 2 : i32
      %add3A_249 = arith.addi %add3A_247, %add3A_248 : i32
      %le3A_250 = arith.constant 124 : i32
      %le3A_251 = arith.cmpi sle, %add3A_249, %le3A_250 : i32
      %convert_element_type3A_252 = arith.extui %le3A_251 : i1 to i32
      %cond3A_253 = arith.constant 0 : i32
      %cond3A_254 = arith.cmpi ne, %convert_element_type3A_252, %cond3A_253 : i32
      scf.if %cond3A_254 {
        %ge3A = arith.constant 1 : i32
        %ge3A_290 = arith.cmpi sge, %add3A_247, %ge3A : i32
        %convert_element_type3A_291 = arith.extui %ge3A_290 : i1 to i32
        %cond3A_292 = arith.constant 0 : i32
        %cond3A_293 = arith.cmpi ne, %convert_element_type3A_291, %cond3A_292 : i32
        scf.if %cond3A_293 {
          %dma_wait3A_317 = arith.constant 0 : i32
          %dma_wait3A_318 = tpu.memref_slice %arg8[%scan3A_138, %dma_wait3A_317] : memref<2x80xi32, #tpu.memory_space<vmem>> -> memref<1x80xi32, #tpu.memory_space<vmem>>
          %dma_wait3A_319 = tpu.memref_squeeze %dma_wait3A_318 : memref<1x80xi32, #tpu.memory_space<vmem>> -> memref<80xi32, #tpu.memory_space<vmem>>
          %dma_wait3A_320 = arith.constant 0 : i32
          %dma_wait3A_321 = tpu.memref_slice %arg24[%dma_wait3A_320] : memref<10240xf32, #tpu.memory_space<vmem_shared>> -> memref<10240xf32, #tpu.memory_space<vmem_shared>>
          tpu.wait_indirect_dma semaphore(%arg33 : memref<!tpu.dma_semaphore, #tpu.memory_space<semaphore_mem>>) src(%arg17 : memref<80xf32, #tpu.memory_space<vmem>>) dst(%dma_wait3A_321 : memref<10240xf32, #tpu.memory_space<vmem_shared>>)
          %dma_wait3A_322 = arith.constant 0 : i32
          %dma_wait3A_323 = tpu.memref_slice %arg8[%scan3A_138, %dma_wait3A_322] : memref<2x80xi32, #tpu.memory_space<vmem>> -> memref<1x80xi32, #tpu.memory_space<vmem>>
          %dma_wait3A_324 = tpu.memref_squeeze %dma_wait3A_323 : memref<1x80xi32, #tpu.memory_space<vmem>> -> memref<80xi32, #tpu.memory_space<vmem>>
          %dma_wait3A_325 = arith.constant 0 : i32
          %dma_wait3A_326 = arith.constant 0 : i32
          %dma_wait3A_327 = tpu.memref_slice %arg23[%dma_wait3A_325, %dma_wait3A_326] : memref<10240x128xf32, #tpu.memory_space<vmem_shared>> -> memref<10240x128xf32, #tpu.memory_space<vmem_shared>>
          tpu.wait_indirect_dma semaphore(%arg33 : memref<!tpu.dma_semaphore, #tpu.memory_space<semaphore_mem>>) src(%arg20 : memref<80x128xf32, #tpu.memory_space<vmem>>) dst(%dma_wait3A_327 : memref<10240x128xf32, #tpu.memory_space<vmem_shared>>)
        } else {
        }
        %add3A_294 = arith.constant 2 : i32
        %add3A_295 = arith.addi %add3A_247, %add3A_294 : i32
        %mul3A_296 = arith.constant 80 : i32
        %mul3A_297 = arith.muli %add3A_295, %mul3A_296 : i32
        %add3A_298 = arith.addi %mul3A_48, %mul3A_297 : i32
        %dma_start3A_299 = arith.constant 0 : i32
        %dma_start3A_300 = tpu.memref_slice %arg8[%scan3A_137, %dma_start3A_299] : memref<2x80xi32, #tpu.memory_space<vmem>> -> memref<1x80xi32, #tpu.memory_space<vmem>>
        %dma_start3A_301 = tpu.memref_squeeze %dma_start3A_300 : memref<1x80xi32, #tpu.memory_space<vmem>> -> memref<80xi32, #tpu.memory_space<vmem>>
        %dma_start3A_302 = tpu.memref_slice %arg2[%add3A_298] : memref<640000xi32, #tpu.memory_space<hbm>> -> memref<80xi32, #tpu.memory_space<hbm>>
        %dma_start3A_303 = arith.constant 0 : i32
        %dma_start3A_304 = tpu.memref_slice %arg8[%scan3A_137, %dma_start3A_303] : memref<2x80xi32, #tpu.memory_space<vmem>> -> memref<1x80xi32, #tpu.memory_space<vmem>>
        %dma_start3A_305 = tpu.memref_squeeze %dma_start3A_304 : memref<1x80xi32, #tpu.memory_space<vmem>> -> memref<80xi32, #tpu.memory_space<vmem>>
        %dma_start3A_306 = tpu.memref_slice %arg2[%add3A_298] : memref<640000xi32, #tpu.memory_space<hbm>> -> memref<80xi32, #tpu.memory_space<hbm>>
        tpu.enqueue_dma source(%dma_start3A_306 : memref<80xi32, #tpu.memory_space<hbm>>) target(%dma_start3A_305 : memref<80xi32, #tpu.memory_space<vmem>>) target_semaphore(%arg27 : memref<!tpu.dma_semaphore, #tpu.memory_space<semaphore_mem>>)
        %add3A_307 = arith.constant 320000 : i32
        %add3A_308 = arith.addi %add3A_307, %add3A_298 : i32
        %dma_start3A_309 = arith.constant 0 : i32
        %dma_start3A_310 = tpu.memref_slice %arg8[%scan3A_138, %dma_start3A_309] : memref<2x80xi32, #tpu.memory_space<vmem>> -> memref<1x80xi32, #tpu.memory_space<vmem>>
        %dma_start3A_311 = tpu.memref_squeeze %dma_start3A_310 : memref<1x80xi32, #tpu.memory_space<vmem>> -> memref<80xi32, #tpu.memory_space<vmem>>
        %dma_start3A_312 = tpu.memref_slice %arg2[%add3A_308] : memref<640000xi32, #tpu.memory_space<hbm>> -> memref<80xi32, #tpu.memory_space<hbm>>
        %dma_start3A_313 = arith.constant 0 : i32
        %dma_start3A_314 = tpu.memref_slice %arg8[%scan3A_138, %dma_start3A_313] : memref<2x80xi32, #tpu.memory_space<vmem>> -> memref<1x80xi32, #tpu.memory_space<vmem>>
        %dma_start3A_315 = tpu.memref_squeeze %dma_start3A_314 : memref<1x80xi32, #tpu.memory_space<vmem>> -> memref<80xi32, #tpu.memory_space<vmem>>
        %dma_start3A_316 = tpu.memref_slice %arg2[%add3A_308] : memref<640000xi32, #tpu.memory_space<hbm>> -> memref<80xi32, #tpu.memory_space<hbm>>
        tpu.enqueue_dma source(%dma_start3A_316 : memref<80xi32, #tpu.memory_space<hbm>>) target(%dma_start3A_315 : memref<80xi32, #tpu.memory_space<vmem>>) target_semaphore(%arg27 : memref<!tpu.dma_semaphore, #tpu.memory_space<semaphore_mem>>)
      } else {
      }
      %add3A_255 = arith.constant 1 : i32
      %add3A_256 = arith.addi %add3A_247, %add3A_255 : i32
      %le3A_257 = arith.constant 124 : i32
      %le3A_258 = arith.cmpi sle, %add3A_256, %le3A_257 : i32
      %convert_element_type3A_259 = arith.extui %le3A_258 : i1 to i32
      %cond3A_260 = arith.constant 0 : i32
      %cond3A_261 = arith.cmpi ne, %convert_element_type3A_259, %cond3A_260 : i32
      scf.if %cond3A_261 {
        %dma_wait3A_290 = arith.constant 0 : i32
        %dma_wait3A_291 = tpu.memref_slice %arg10[%scan3A_134, %dma_wait3A_290] : memref<2x80xi32, #tpu.memory_space<vmem>> -> memref<1x80xi32, #tpu.memory_space<vmem>>
        %dma_wait3A_292 = tpu.memref_squeeze %dma_wait3A_291 : memref<1x80xi32, #tpu.memory_space<vmem>> -> memref<80xi32, #tpu.memory_space<vmem>>
        %dma_wait3A_293 = arith.constant 0 : i32
        %dma_wait3A_294 = tpu.memref_slice %arg2[%dma_wait3A_293] : memref<640000xi32, #tpu.memory_space<hbm>> -> memref<80xi32, #tpu.memory_space<hbm>>
        %dma_wait3A_295 = arith.constant 0 : i32
        %dma_wait3A_296 = tpu.memref_slice %arg10[%scan3A_134, %dma_wait3A_295] : memref<2x80xi32, #tpu.memory_space<vmem>> -> memref<1x80xi32, #tpu.memory_space<vmem>>
        %dma_wait3A_297 = tpu.memref_squeeze %dma_wait3A_296 : memref<1x80xi32, #tpu.memory_space<vmem>> -> memref<80xi32, #tpu.memory_space<vmem>>
        %dma_wait3A_298 = arith.constant 0 : i32
        %dma_wait3A_299 = tpu.memref_slice %arg2[%dma_wait3A_298] : memref<640000xi32, #tpu.memory_space<hbm>> -> memref<80xi32, #tpu.memory_space<hbm>>
        tpu.wait_dma2 semaphore(%arg29 : memref<!tpu.dma_semaphore, #tpu.memory_space<semaphore_mem>>) src(%dma_wait3A_299 : memref<80xi32, #tpu.memory_space<hbm>>) dst(%dma_wait3A_297 : memref<80xi32, #tpu.memory_space<vmem>>)
        %dma_wait3A_300 = arith.constant 0 : i32
        %dma_wait3A_301 = tpu.memref_slice %arg10[%scan3A_133, %dma_wait3A_300] : memref<2x80xi32, #tpu.memory_space<vmem>> -> memref<1x80xi32, #tpu.memory_space<vmem>>
        %dma_wait3A_302 = tpu.memref_squeeze %dma_wait3A_301 : memref<1x80xi32, #tpu.memory_space<vmem>> -> memref<80xi32, #tpu.memory_space<vmem>>
        %dma_wait3A_303 = arith.constant 0 : i32
        %dma_wait3A_304 = tpu.memref_slice %arg2[%dma_wait3A_303] : memref<640000xi32, #tpu.memory_space<hbm>> -> memref<80xi32, #tpu.memory_space<hbm>>
        %dma_wait3A_305 = arith.constant 0 : i32
        %dma_wait3A_306 = tpu.memref_slice %arg10[%scan3A_133, %dma_wait3A_305] : memref<2x80xi32, #tpu.memory_space<vmem>> -> memref<1x80xi32, #tpu.memory_space<vmem>>
        %dma_wait3A_307 = tpu.memref_squeeze %dma_wait3A_306 : memref<1x80xi32, #tpu.memory_space<vmem>> -> memref<80xi32, #tpu.memory_space<vmem>>
        %dma_wait3A_308 = arith.constant 0 : i32
        %dma_wait3A_309 = tpu.memref_slice %arg2[%dma_wait3A_308] : memref<640000xi32, #tpu.memory_space<hbm>> -> memref<80xi32, #tpu.memory_space<hbm>>
        tpu.wait_dma2 semaphore(%arg29 : memref<!tpu.dma_semaphore, #tpu.memory_space<semaphore_mem>>) src(%dma_wait3A_309 : memref<80xi32, #tpu.memory_space<hbm>>) dst(%dma_wait3A_307 : memref<80xi32, #tpu.memory_space<vmem>>)
        %dma_start3A_310 = arith.constant 0 : i32
        %dma_start3A_311 = tpu.memref_slice %arg10[%scan3A_134, %dma_start3A_310] : memref<2x80xi32, #tpu.memory_space<vmem>> -> memref<1x80xi32, #tpu.memory_space<vmem>>
        %dma_start3A_312 = tpu.memref_squeeze %dma_start3A_311 : memref<1x80xi32, #tpu.memory_space<vmem>> -> memref<80xi32, #tpu.memory_space<vmem>>
        %dma_start3A_313 = arith.constant 0 : i32
        %dma_start3A_314 = arith.constant 0 : i32
        %dma_start3A_315 = tpu.memref_slice %arg5[%dma_start3A_313, %dma_start3A_314] : memref<10000x128xf32, #tpu.memory_space<hbm>> -> memref<10000x128xf32, #tpu.memory_space<hbm>>
        tpu.enqueue_indirect_dma source(%dma_start3A_315 : memref<10000x128xf32, #tpu.memory_space<hbm>>) target(%arg22 : memref<80x128xf32, #tpu.memory_space<vmem>>) offsets(%dma_start3A_312 : memref<80xi32, #tpu.memory_space<vmem>>) semaphore(%arg32 : memref<!tpu.dma_semaphore, #tpu.memory_space<semaphore_mem>>)
        %dma_start3A_316 = arith.constant 0 : i32
        %dma_start3A_317 = tpu.memref_slice %arg10[%scan3A_133, %dma_start3A_316] : memref<2x80xi32, #tpu.memory_space<vmem>> -> memref<1x80xi32, #tpu.memory_space<vmem>>
        %dma_start3A_318 = tpu.memref_squeeze %dma_start3A_317 : memref<1x80xi32, #tpu.memory_space<vmem>> -> memref<80xi32, #tpu.memory_space<vmem>>
        %dma_start3A_319 = arith.constant 0 : i32
        %dma_start3A_320 = tpu.memref_slice %arg3[%dma_start3A_319] : memref<10000xf32, #tpu.memory_space<hbm>> -> memref<10000xf32, #tpu.memory_space<hbm>>
        tpu.enqueue_indirect_dma source(%dma_start3A_320 : memref<10000xf32, #tpu.memory_space<hbm>>) target(%arg13 : memref<80xf32, #tpu.memory_space<vmem>>) offsets(%dma_start3A_318 : memref<80xi32, #tpu.memory_space<vmem>>) semaphore(%arg32 : memref<!tpu.dma_semaphore, #tpu.memory_space<semaphore_mem>>)
        %dma_start3A_321 = arith.constant 0 : i32
        %dma_start3A_322 = tpu.memref_slice %arg10[%scan3A_134, %dma_start3A_321] : memref<2x80xi32, #tpu.memory_space<vmem>> -> memref<1x80xi32, #tpu.memory_space<vmem>>
        %dma_start3A_323 = tpu.memref_squeeze %dma_start3A_322 : memref<1x80xi32, #tpu.memory_space<vmem>> -> memref<80xi32, #tpu.memory_space<vmem>>
        %dma_start3A_324 = arith.constant 0 : i32
        %dma_start3A_325 = tpu.memref_slice %arg4[%dma_start3A_324] : memref<10000xf32, #tpu.memory_space<hbm>> -> memref<10000xf32, #tpu.memory_space<hbm>>
        tpu.enqueue_indirect_dma source(%dma_start3A_325 : memref<10000xf32, #tpu.memory_space<hbm>>) target(%arg16 : memref<80xf32, #tpu.memory_space<vmem>>) offsets(%dma_start3A_323 : memref<80xi32, #tpu.memory_space<vmem>>) semaphore(%arg32 : memref<!tpu.dma_semaphore, #tpu.memory_space<semaphore_mem>>)
      } else {
      }
      %le3A_262 = arith.constant 124 : i32
      %le3A_263 = arith.cmpi sle, %add3A_247, %le3A_262 : i32
      %convert_element_type3A_264 = arith.extui %le3A_263 : i1 to i32
      %cond3A_265 = arith.constant 0 : i32
      %cond3A_266 = arith.cmpi ne, %convert_element_type3A_264, %cond3A_265 : i32
      scf.if %cond3A_266 {
        %dma_wait3A_290 = arith.constant 0 : i32
        %dma_wait3A_291 = tpu.memref_slice %arg9[%scan3A_135, %dma_wait3A_290] : memref<2x80xi32, #tpu.memory_space<vmem>> -> memref<1x80xi32, #tpu.memory_space<vmem>>
        %dma_wait3A_292 = tpu.memref_squeeze %dma_wait3A_291 : memref<1x80xi32, #tpu.memory_space<vmem>> -> memref<80xi32, #tpu.memory_space<vmem>>
        %dma_wait3A_293 = arith.constant 0 : i32
        %dma_wait3A_294 = arith.constant 0 : i32
        %dma_wait3A_295 = tpu.memref_slice %arg5[%dma_wait3A_293, %dma_wait3A_294] : memref<10000x128xf32, #tpu.memory_space<hbm>> -> memref<10000x128xf32, #tpu.memory_space<hbm>>
        tpu.wait_indirect_dma semaphore(%arg31 : memref<!tpu.dma_semaphore, #tpu.memory_space<semaphore_mem>>) src(%dma_wait3A_295 : memref<10000x128xf32, #tpu.memory_space<hbm>>) dst(%arg21 : memref<80x128xf32, #tpu.memory_space<vmem>>)
        %dma_wait3A_296 = arith.constant 0 : i32
        %dma_wait3A_297 = tpu.memref_slice %arg9[%scan3A_136, %dma_wait3A_296] : memref<2x80xi32, #tpu.memory_space<vmem>> -> memref<1x80xi32, #tpu.memory_space<vmem>>
        %dma_wait3A_298 = tpu.memref_squeeze %dma_wait3A_297 : memref<1x80xi32, #tpu.memory_space<vmem>> -> memref<80xi32, #tpu.memory_space<vmem>>
        %dma_wait3A_299 = arith.constant 0 : i32
        %dma_wait3A_300 = tpu.memref_slice %arg3[%dma_wait3A_299] : memref<10000xf32, #tpu.memory_space<hbm>> -> memref<10000xf32, #tpu.memory_space<hbm>>
        tpu.wait_indirect_dma semaphore(%arg31 : memref<!tpu.dma_semaphore, #tpu.memory_space<semaphore_mem>>) src(%dma_wait3A_300 : memref<10000xf32, #tpu.memory_space<hbm>>) dst(%arg12 : memref<80xf32, #tpu.memory_space<vmem>>)
        %dma_wait3A_301 = arith.constant 0 : i32
        %dma_wait3A_302 = tpu.memref_slice %arg9[%scan3A_135, %dma_wait3A_301] : memref<2x80xi32, #tpu.memory_space<vmem>> -> memref<1x80xi32, #tpu.memory_space<vmem>>
        %dma_wait3A_303 = tpu.memref_squeeze %dma_wait3A_302 : memref<1x80xi32, #tpu.memory_space<vmem>> -> memref<80xi32, #tpu.memory_space<vmem>>
        %dma_wait3A_304 = arith.constant 0 : i32
        %dma_wait3A_305 = tpu.memref_slice %arg4[%dma_wait3A_304] : memref<10000xf32, #tpu.memory_space<hbm>> -> memref<10000xf32, #tpu.memory_space<hbm>>
        tpu.wait_indirect_dma semaphore(%arg31 : memref<!tpu.dma_semaphore, #tpu.memory_space<semaphore_mem>>) src(%dma_wait3A_305 : memref<10000xf32, #tpu.memory_space<hbm>>) dst(%arg15 : memref<80xf32, #tpu.memory_space<vmem>>)
        %get3A = arith.constant 0 : index
        %get3A_306 = tpu.vector_load %arg12[%get3A] {strides = array<i32>} : memref<80xf32, #tpu.memory_space<vmem>>, vector<16xf32>,
        %get3A_307 = arith.constant 0 : index
        %get3A_308 = tpu.vector_load %arg15[%get3A_307] {strides = array<i32>} : memref<80xf32, #tpu.memory_space<vmem>>, vector<16xf32>,
        %add3A_309 = arith.addf %get3A_306, %get3A_308 : vector<16xf32>
        %gt3A = arith.constant 0.000000e+00 : f32
        %gt3A_310 = vector.broadcast %gt3A : f32 to vector<16xf32>
        %gt3A_311 = arith.cmpf ogt, %add3A_309, %gt3A_310 : vector<16xf32>
        %mul3A_312 = arith.constant 0.00999999977 : f32
        %mul3A_313 = vector.broadcast %mul3A_312 : f32 to vector<16xf32>
        %mul3A_314 = arith.mulf %add3A_309, %mul3A_313 : vector<16xf32>
        %select_n3A_315 = arith.select %gt3A_311, %add3A_309, %mul3A_314 : vector<16xi1>, vector<16xf32>
        %exp3A = math.exp %select_n3A_315 : vector<16xf32>
        %swap3A = arith.constant 0 : index
        %swap3A_316 = tpu.vector_load %arg18[%swap3A] {strides = array<i32>} : memref<80xf32, #tpu.memory_space<vmem>>, vector<16xf32>,
        tpu.vector_store %arg18[%swap3A], %exp3A {strides = array<i32>} : memref<80xf32, #tpu.memory_space<vmem>>, vector<16xf32>,
        %get3A_317 = arith.constant 16 : index
        %get3A_318 = tpu.vector_load %arg12[%get3A_317] {strides = array<i32>} : memref<80xf32, #tpu.memory_space<vmem>>, vector<16xf32>,
        %get3A_319 = arith.constant 16 : index
        %get3A_320 = tpu.vector_load %arg15[%get3A_319] {strides = array<i32>} : memref<80xf32, #tpu.memory_space<vmem>>, vector<16xf32>,
        %add3A_321 = arith.addf %get3A_318, %get3A_320 : vector<16xf32>
        %gt3A_322 = arith.constant 0.000000e+00 : f32
        %gt3A_323 = vector.broadcast %gt3A_322 : f32 to vector<16xf32>
        %gt3A_324 = arith.cmpf ogt, %add3A_321, %gt3A_323 : vector<16xf32>
        %mul3A_325 = arith.constant 0.00999999977 : f32
        %mul3A_326 = vector.broadcast %mul3A_325 : f32 to vector<16xf32>
        %mul3A_327 = arith.mulf %add3A_321, %mul3A_326 : vector<16xf32>
        %select_n3A_328 = arith.select %gt3A_324, %add3A_321, %mul3A_327 : vector<16xi1>, vector<16xf32>
        %exp3A_329 = math.exp %select_n3A_328 : vector<16xf32>
        %swap3A_330 = arith.constant 16 : index
        %swap3A_331 = tpu.vector_load %arg18[%swap3A_330] {strides = array<i32>} : memref<80xf32, #tpu.memory_space<vmem>>, vector<16xf32>,
        tpu.vector_store %arg18[%swap3A_330], %exp3A_329 {strides = array<i32>} : memref<80xf32, #tpu.memory_space<vmem>>, vector<16xf32>,
        %get3A_332 = arith.constant 32 : index
        %get3A_333 = tpu.vector_load %arg12[%get3A_332] {strides = array<i32>} : memref<80xf32, #tpu.memory_space<vmem>>, vector<16xf32>,
        %get3A_334 = arith.constant 32 : index
        %get3A_335 = tpu.vector_load %arg15[%get3A_334] {strides = array<i32>} : memref<80xf32, #tpu.memory_space<vmem>>, vector<16xf32>,
        %add3A_336 = arith.addf %get3A_333, %get3A_335 : vector<16xf32>
        %gt3A_337 = arith.constant 0.000000e+00 : f32
        %gt3A_338 = vector.broadcast %gt3A_337 : f32 to vector<16xf32>
        %gt3A_339 = arith.cmpf ogt, %add3A_336, %gt3A_338 : vector<16xf32>
        %mul3A_340 = arith.constant 0.00999999977 : f32
        %mul3A_341 = vector.broadcast %mul3A_340 : f32 to vector<16xf32>
        %mul3A_342 = arith.mulf %add3A_336, %mul3A_341 : vector<16xf32>
        %select_n3A_343 = arith.select %gt3A_339, %add3A_336, %mul3A_342 : vector<16xi1>, vector<16xf32>
        %exp3A_344 = math.exp %select_n3A_343 : vector<16xf32>
        %swap3A_345 = arith.constant 32 : index
        %swap3A_346 = tpu.vector_load %arg18[%swap3A_345] {strides = array<i32>} : memref<80xf32, #tpu.memory_space<vmem>>, vector<16xf32>,
        tpu.vector_store %arg18[%swap3A_345], %exp3A_344 {strides = array<i32>} : memref<80xf32, #tpu.memory_space<vmem>>, vector<16xf32>,
        %get3A_347 = arith.constant 48 : index
        %get3A_348 = tpu.vector_load %arg12[%get3A_347] {strides = array<i32>} : memref<80xf32, #tpu.memory_space<vmem>>, vector<16xf32>,
        %get3A_349 = arith.constant 48 : index
        %get3A_350 = tpu.vector_load %arg15[%get3A_349] {strides = array<i32>} : memref<80xf32, #tpu.memory_space<vmem>>, vector<16xf32>,
        %add3A_351 = arith.addf %get3A_348, %get3A_350 : vector<16xf32>
        %gt3A_352 = arith.constant 0.000000e+00 : f32
        %gt3A_353 = vector.broadcast %gt3A_352 : f32 to vector<16xf32>
        %gt3A_354 = arith.cmpf ogt, %add3A_351, %gt3A_353 : vector<16xf32>
        %mul3A_355 = arith.constant 0.00999999977 : f32
        %mul3A_356 = vector.broadcast %mul3A_355 : f32 to vector<16xf32>
        %mul3A_357 = arith.mulf %add3A_351, %mul3A_356 : vector<16xf32>
        %select_n3A_358 = arith.select %gt3A_354, %add3A_351, %mul3A_357 : vector<16xi1>, vector<16xf32>
        %exp3A_359 = math.exp %select_n3A_358 : vector<16xf32>
        %swap3A_360 = arith.constant 48 : index
        %swap3A_361 = tpu.vector_load %arg18[%swap3A_360] {strides = array<i32>} : memref<80xf32, #tpu.memory_space<vmem>>, vector<16xf32>,
        tpu.vector_store %arg18[%swap3A_360], %exp3A_359 {strides = array<i32>} : memref<80xf32, #tpu.memory_space<vmem>>, vector<16xf32>,
        %get3A_362 = arith.constant 64 : index
        %get3A_363 = tpu.vector_load %arg12[%get3A_362] {strides = array<i32>} : memref<80xf32, #tpu.memory_space<vmem>>, vector<16xf32>,
        %get3A_364 = arith.constant 64 : index
        %get3A_365 = tpu.vector_load %arg15[%get3A_364] {strides = array<i32>} : memref<80xf32, #tpu.memory_space<vmem>>, vector<16xf32>,
        %add3A_366 = arith.addf %get3A_363, %get3A_365 : vector<16xf32>
        %gt3A_367 = arith.constant 0.000000e+00 : f32
        %gt3A_368 = vector.broadcast %gt3A_367 : f32 to vector<16xf32>
        %gt3A_369 = arith.cmpf ogt, %add3A_366, %gt3A_368 : vector<16xf32>
        %mul3A_370 = arith.constant 0.00999999977 : f32
        %mul3A_371 = vector.broadcast %mul3A_370 : f32 to vector<16xf32>
        %mul3A_372 = arith.mulf %add3A_366, %mul3A_371 : vector<16xf32>
        %select_n3A_373 = arith.select %gt3A_369, %add3A_366, %mul3A_372 : vector<16xi1>, vector<16xf32>
        %exp3A_374 = math.exp %select_n3A_373 : vector<16xf32>
        %swap3A_375 = arith.constant 64 : index
        %swap3A_376 = tpu.vector_load %arg18[%swap3A_375] {strides = array<i32>} : memref<80xf32, #tpu.memory_space<vmem>>, vector<16xf32>,
        tpu.vector_store %arg18[%swap3A_375], %exp3A_374 {strides = array<i32>} : memref<80xf32, #tpu.memory_space<vmem>>, vector<16xf32>,
        %parallel_loop3A = arith.constant 0 : i32
        %parallel_loop3A_377 = arith.constant 80 : i32
        %parallel_loop3A_378 = arith.constant 1 : i32
        scf.for %parallel_loop3A_390 = %parallel_loop3A to %parallel_loop3A_377 step %parallel_loop3A_378  : i32 {
          %parallel_loop3A_391 = vector.broadcast %parallel_loop3A_390 : i32 to vector<16xi32>
          %parallel_loop3A_392 = tpu.vector_load_idx %arg18[%parallel_loop3A_391] : memref<80xf32, #tpu.memory_space<vmem>>[vector<16xi32>], vector<16xf32>,
          %parallel_loop3A_393 = arith.index_cast %parallel_loop3A_390 : i32 to index
          %parallel_loop3A_394 = arith.constant 0 : index
          %parallel_loop3A_395 = tpu.vector_load %arg21[%parallel_loop3A_393, %parallel_loop3A_394] {strides = array<i32>} : memref<80x128xf32, #tpu.memory_space<vmem>>, vector<16xf32>,
          %parallel_loop3A_396 = arith.mulf %parallel_loop3A_395, %parallel_loop3A_392 : vector<16xf32>
          %parallel_loop3A_397 = arith.index_cast %parallel_loop3A_390 : i32 to index
          %parallel_loop3A_398 = arith.constant 0 : index
          %parallel_loop3A_399 = tpu.vector_load %arg21[%parallel_loop3A_397, %parallel_loop3A_398] {strides = array<i32>} : memref<80x128xf32, #tpu.memory_space<vmem>>, vector<16xf32>,
          tpu.vector_store %arg21[%parallel_loop3A_397, %parallel_loop3A_398], %parallel_loop3A_396 {strides = array<i32>} : memref<80x128xf32, #tpu.memory_space<vmem>>, vector<16xf32>,
          %parallel_loop3A_400 = arith.index_cast %parallel_loop3A_390 : i32 to index
          %parallel_loop3A_401 = arith.constant 16 : index
          %parallel_loop3A_402 = tpu.vector_load %arg21[%parallel_loop3A_400, %parallel_loop3A_401] {strides = array<i32>} : memref<80x128xf32, #tpu.memory_space<vmem>>, vector<16xf32>,
          %parallel_loop3A_403 = arith.mulf %parallel_loop3A_402, %parallel_loop3A_392 : vector<16xf32>
          %parallel_loop3A_404 = arith.index_cast %parallel_loop3A_390 : i32 to index
          %parallel_loop3A_405 = arith.constant 16 : index
          %parallel_loop3A_406 = tpu.vector_load %arg21[%parallel_loop3A_404, %parallel_loop3A_405] {strides = array<i32>} : memref<80x128xf32, #tpu.memory_space<vmem>>, vector<16xf32>,
          tpu.vector_store %arg21[%parallel_loop3A_404, %parallel_loop3A_405], %parallel_loop3A_403 {strides = array<i32>} : memref<80x128xf32, #tpu.memory_space<vmem>>, vector<16xf32>,
          %parallel_loop3A_407 = arith.index_cast %parallel_loop3A_390 : i32 to index
          %parallel_loop3A_408 = arith.constant 32 : index
          %parallel_loop3A_409 = tpu.vector_load %arg21[%parallel_loop3A_407, %parallel_loop3A_408] {strides = array<i32>} : memref<80x128xf32, #tpu.memory_space<vmem>>, vector<16xf32>,
          %parallel_loop3A_410 = arith.mulf %parallel_loop3A_409, %parallel_loop3A_392 : vector<16xf32>
          %parallel_loop3A_411 = arith.index_cast %parallel_loop3A_390 : i32 to index
          %parallel_loop3A_412 = arith.constant 32 : index
          %parallel_loop3A_413 = tpu.vector_load %arg21[%parallel_loop3A_411, %parallel_loop3A_412] {strides = array<i32>} : memref<80x128xf32, #tpu.memory_space<vmem>>, vector<16xf32>,
          tpu.vector_store %arg21[%parallel_loop3A_411, %parallel_loop3A_412], %parallel_loop3A_410 {strides = array<i32>} : memref<80x128xf32, #tpu.memory_space<vmem>>, vector<16xf32>,
          %parallel_loop3A_414 = arith.index_cast %parallel_loop3A_390 : i32 to index
          %parallel_loop3A_415 = arith.constant 48 : index
          %parallel_loop3A_416 = tpu.vector_load %arg21[%parallel_loop3A_414, %parallel_loop3A_415] {strides = array<i32>} : memref<80x128xf32, #tpu.memory_space<vmem>>, vector<16xf32>,
          %parallel_loop3A_417 = arith.mulf %parallel_loop3A_416, %parallel_loop3A_392 : vector<16xf32>
          %parallel_loop3A_418 = arith.index_cast %parallel_loop3A_390 : i32 to index
          %parallel_loop3A_419 = arith.constant 48 : index
          %parallel_loop3A_420 = tpu.vector_load %arg21[%parallel_loop3A_418, %parallel_loop3A_419] {strides = array<i32>} : memref<80x128xf32, #tpu.memory_space<vmem>>, vector<16xf32>,
          tpu.vector_store %arg21[%parallel_loop3A_418, %parallel_loop3A_419], %parallel_loop3A_417 {strides = array<i32>} : memref<80x128xf32, #tpu.memory_space<vmem>>, vector<16xf32>,
          %parallel_loop3A_421 = arith.index_cast %parallel_loop3A_390 : i32 to index
          %parallel_loop3A_422 = arith.constant 64 : index
          %parallel_loop3A_423 = tpu.vector_load %arg21[%parallel_loop3A_421, %parallel_loop3A_422] {strides = array<i32>} : memref<80x128xf32, #tpu.memory_space<vmem>>, vector<16xf32>,
          %parallel_loop3A_424 = arith.mulf %parallel_loop3A_423, %parallel_loop3A_392 : vector<16xf32>
          %parallel_loop3A_425 = arith.index_cast %parallel_loop3A_390 : i32 to index
          %parallel_loop3A_426 = arith.constant 64 : index
          %parallel_loop3A_427 = tpu.vector_load %arg21[%parallel_loop3A_425, %parallel_loop3A_426] {strides = array<i32>} : memref<80x128xf32, #tpu.memory_space<vmem>>, vector<16xf32>,
          tpu.vector_store %arg21[%parallel_loop3A_425, %parallel_loop3A_426], %parallel_loop3A_424 {strides = array<i32>} : memref<80x128xf32, #tpu.memory_space<vmem>>, vector<16xf32>,
          %parallel_loop3A_428 = arith.index_cast %parallel_loop3A_390 : i32 to index
          %parallel_loop3A_429 = arith.constant 80 : index
          %parallel_loop3A_430 = tpu.vector_load %arg21[%parallel_loop3A_428, %parallel_loop3A_429] {strides = array<i32>} : memref<80x128xf32, #tpu.memory_space<vmem>>, vector<16xf32>,
          %parallel_loop3A_431 = arith.mulf %parallel_loop3A_430, %parallel_loop3A_392 : vector<16xf32>
          %parallel_loop3A_432 = arith.index_cast %parallel_loop3A_390 : i32 to index
          %parallel_loop3A_433 = arith.constant 80 : index
          %parallel_loop3A_434 = tpu.vector_load %arg21[%parallel_loop3A_432, %parallel_loop3A_433] {strides = array<i32>} : memref<80x128xf32, #tpu.memory_space<vmem>>, vector<16xf32>,
          tpu.vector_store %arg21[%parallel_loop3A_432, %parallel_loop3A_433], %parallel_loop3A_431 {strides = array<i32>} : memref<80x128xf32, #tpu.memory_space<vmem>>, vector<16xf32>,
          %parallel_loop3A_435 = arith.index_cast %parallel_loop3A_390 : i32 to index
          %parallel_loop3A_436 = arith.constant 96 : index
          %parallel_loop3A_437 = tpu.vector_load %arg21[%parallel_loop3A_435, %parallel_loop3A_436] {strides = array<i32>} : memref<80x128xf32, #tpu.memory_space<vmem>>, vector<16xf32>,
          %parallel_loop3A_438 = arith.mulf %parallel_loop3A_437, %parallel_loop3A_392 : vector<16xf32>
          %parallel_loop3A_439 = arith.index_cast %parallel_loop3A_390 : i32 to index
          %parallel_loop3A_440 = arith.constant 96 : index
          %parallel_loop3A_441 = tpu.vector_load %arg21[%parallel_loop3A_439, %parallel_loop3A_440] {strides = array<i32>} : memref<80x128xf32, #tpu.memory_space<vmem>>, vector<16xf32>,
          tpu.vector_store %arg21[%parallel_loop3A_439, %parallel_loop3A_440], %parallel_loop3A_438 {strides = array<i32>} : memref<80x128xf32, #tpu.memory_space<vmem>>, vector<16xf32>,
          %parallel_loop3A_442 = arith.index_cast %parallel_loop3A_390 : i32 to index
          %parallel_loop3A_443 = arith.constant 112 : index
          %parallel_loop3A_444 = tpu.vector_load %arg21[%parallel_loop3A_442, %parallel_loop3A_443] {strides = array<i32>} : memref<80x128xf32, #tpu.memory_space<vmem>>, vector<16xf32>,
          %parallel_loop3A_445 = arith.mulf %parallel_loop3A_444, %parallel_loop3A_392 : vector<16xf32>
          %parallel_loop3A_446 = arith.index_cast %parallel_loop3A_390 : i32 to index
          %parallel_loop3A_447 = arith.constant 112 : index
          %parallel_loop3A_448 = tpu.vector_load %arg21[%parallel_loop3A_446, %parallel_loop3A_447] {strides = array<i32>} : memref<80x128xf32, #tpu.memory_space<vmem>>, vector<16xf32>,
          tpu.vector_store %arg21[%parallel_loop3A_446, %parallel_loop3A_447], %parallel_loop3A_445 {strides = array<i32>} : memref<80x128xf32, #tpu.memory_space<vmem>>, vector<16xf32>,
        } {sc.loop_unroll_factor = 8 : i64, sc.parallel_access}
        %dma_start3A_379 = arith.constant 0 : i32
        %dma_start3A_380 = tpu.memref_slice %arg9[%scan3A_136, %dma_start3A_379] : memref<2x80xi32, #tpu.memory_space<vmem>> -> memref<1x80xi32, #tpu.memory_space<vmem>>
        %dma_start3A_381 = tpu.memref_squeeze %dma_start3A_380 : memref<1x80xi32, #tpu.memory_space<vmem>> -> memref<80xi32, #tpu.memory_space<vmem>>
        %dma_start3A_382 = arith.constant 0 : i32
        %dma_start3A_383 = tpu.memref_slice %arg24[%dma_start3A_382] : memref<10240xf32, #tpu.memory_space<vmem_shared>> -> memref<10240xf32, #tpu.memory_space<vmem_shared>>
        tpu.enqueue_indirect_dma source(%arg18 : memref<80xf32, #tpu.memory_space<vmem>>) target(%dma_start3A_383 : memref<10240xf32, #tpu.memory_space<vmem_shared>>) offsets(%dma_start3A_381 : memref<80xi32, #tpu.memory_space<vmem>>) semaphore(%arg34 : memref<!tpu.dma_semaphore, #tpu.memory_space<semaphore_mem>>) {add = true}
        %dma_start3A_384 = arith.constant 0 : i32
        %dma_start3A_385 = tpu.memref_slice %arg9[%scan3A_136, %dma_start3A_384] : memref<2x80xi32, #tpu.memory_space<vmem>> -> memref<1x80xi32, #tpu.memory_space<vmem>>
        %dma_start3A_386 = tpu.memref_squeeze %dma_start3A_385 : memref<1x80xi32, #tpu.memory_space<vmem>> -> memref<80xi32, #tpu.memory_space<vmem>>
        %dma_start3A_387 = arith.constant 0 : i32
        %dma_start3A_388 = arith.constant 0 : i32
        %dma_start3A_389 = tpu.memref_slice %arg23[%dma_start3A_387, %dma_start3A_388] : memref<10240x128xf32, #tpu.memory_space<vmem_shared>> -> memref<10240x128xf32, #tpu.memory_space<vmem_shared>>
        tpu.enqueue_indirect_dma source(%arg21 : memref<80x128xf32, #tpu.memory_space<vmem>>) target(%dma_start3A_389 : memref<10240x128xf32, #tpu.memory_space<vmem_shared>>) offsets(%dma_start3A_386 : memref<80xi32, #tpu.memory_space<vmem>>) semaphore(%arg34 : memref<!tpu.dma_semaphore, #tpu.memory_space<semaphore_mem>>) {add = true}
      } else {
      }
      %mul3A_267 = arith.constant 3 : i32
      %mul3A_268 = arith.muli %mul3A_267, %scan3A_223 : i32
      %add3A_269 = arith.constant 2 : i32
      %add3A_270 = arith.addi %mul3A_268, %add3A_269 : i32
      %add3A_271 = arith.constant 2 : i32
      %add3A_272 = arith.addi %add3A_270, %add3A_271 : i32
      %le3A_273 = arith.constant 124 : i32
      %le3A_274 = arith.cmpi sle, %add3A_272, %le3A_273 : i32
      %convert_element_type3A_275 = arith.extui %le3A_274 : i1 to i32
      %cond3A_276 = arith.constant 0 : i32
      %cond3A_277 = arith.cmpi ne, %convert_element_type3A_275, %cond3A_276 : i32
      scf.if %cond3A_277 {
        %ge3A = arith.constant 1 : i32
        %ge3A_290 = arith.cmpi sge, %add3A_270, %ge3A : i32
        %convert_element_type3A_291 = arith.extui %ge3A_290 : i1 to i32
        %cond3A_292 = arith.constant 0 : i32
        %cond3A_293 = arith.cmpi ne, %convert_element_type3A_291, %cond3A_292 : i32
        scf.if %cond3A_293 {
          %dma_wait3A_317 = arith.constant 0 : i32
          %dma_wait3A_318 = tpu.memref_slice %arg9[%scan3A_136, %dma_wait3A_317] : memref<2x80xi32, #tpu.memory_space<vmem>> -> memref<1x80xi32, #tpu.memory_space<vmem>>
          %dma_wait3A_319 = tpu.memref_squeeze %dma_wait3A_318 : memref<1x80xi32, #tpu.memory_space<vmem>> -> memref<80xi32, #tpu.memory_space<vmem>>
          %dma_wait3A_320 = arith.constant 0 : i32
          %dma_wait3A_321 = tpu.memref_slice %arg24[%dma_wait3A_320] : memref<10240xf32, #tpu.memory_space<vmem_shared>> -> memref<10240xf32, #tpu.memory_space<vmem_shared>>
          tpu.wait_indirect_dma semaphore(%arg34 : memref<!tpu.dma_semaphore, #tpu.memory_space<semaphore_mem>>) src(%arg18 : memref<80xf32, #tpu.memory_space<vmem>>) dst(%dma_wait3A_321 : memref<10240xf32, #tpu.memory_space<vmem_shared>>)
          %dma_wait3A_322 = arith.constant 0 : i32
          %dma_wait3A_323 = tpu.memref_slice %arg9[%scan3A_136, %dma_wait3A_322] : memref<2x80xi32, #tpu.memory_space<vmem>> -> memref<1x80xi32, #tpu.memory_space<vmem>>
          %dma_wait3A_324 = tpu.memref_squeeze %dma_wait3A_323 : memref<1x80xi32, #tpu.memory_space<vmem>> -> memref<80xi32, #tpu.memory_space<vmem>>
          %dma_wait3A_325 = arith.constant 0 : i32
          %dma_wait3A_326 = arith.constant 0 : i32
          %dma_wait3A_327 = tpu.memref_slice %arg23[%dma_wait3A_325, %dma_wait3A_326] : memref<10240x128xf32, #tpu.memory_space<vmem_shared>> -> memref<10240x128xf32, #tpu.memory_space<vmem_shared>>
          tpu.wait_indirect_dma semaphore(%arg34 : memref<!tpu.dma_semaphore, #tpu.memory_space<semaphore_mem>>) src(%arg21 : memref<80x128xf32, #tpu.memory_space<vmem>>) dst(%dma_wait3A_327 : memref<10240x128xf32, #tpu.memory_space<vmem_shared>>)
        } else {
        }
        %add3A_294 = arith.constant 2 : i32
        %add3A_295 = arith.addi %add3A_270, %add3A_294 : i32
        %mul3A_296 = arith.constant 80 : i32
        %mul3A_297 = arith.muli %add3A_295, %mul3A_296 : i32
        %add3A_298 = arith.addi %mul3A_48, %mul3A_297 : i32
        %dma_start3A_299 = arith.constant 0 : i32
        %dma_start3A_300 = tpu.memref_slice %arg9[%scan3A_135, %dma_start3A_299] : memref<2x80xi32, #tpu.memory_space<vmem>> -> memref<1x80xi32, #tpu.memory_space<vmem>>
        %dma_start3A_301 = tpu.memref_squeeze %dma_start3A_300 : memref<1x80xi32, #tpu.memory_space<vmem>> -> memref<80xi32, #tpu.memory_space<vmem>>
        %dma_start3A_302 = tpu.memref_slice %arg2[%add3A_298] : memref<640000xi32, #tpu.memory_space<hbm>> -> memref<80xi32, #tpu.memory_space<hbm>>
        %dma_start3A_303 = arith.constant 0 : i32
        %dma_start3A_304 = tpu.memref_slice %arg9[%scan3A_135, %dma_start3A_303] : memref<2x80xi32, #tpu.memory_space<vmem>> -> memref<1x80xi32, #tpu.memory_space<vmem>>
        %dma_start3A_305 = tpu.memref_squeeze %dma_start3A_304 : memref<1x80xi32, #tpu.memory_space<vmem>> -> memref<80xi32, #tpu.memory_space<vmem>>
        %dma_start3A_306 = tpu.memref_slice %arg2[%add3A_298] : memref<640000xi32, #tpu.memory_space<hbm>> -> memref<80xi32, #tpu.memory_space<hbm>>
        tpu.enqueue_dma source(%dma_start3A_306 : memref<80xi32, #tpu.memory_space<hbm>>) target(%dma_start3A_305 : memref<80xi32, #tpu.memory_space<vmem>>) target_semaphore(%arg28 : memref<!tpu.dma_semaphore, #tpu.memory_space<semaphore_mem>>)
        %add3A_307 = arith.constant 320000 : i32
        %add3A_308 = arith.addi %add3A_307, %add3A_298 : i32
        %dma_start3A_309 = arith.constant 0 : i32
        %dma_start3A_310 = tpu.memref_slice %arg9[%scan3A_136, %dma_start3A_309] : memref<2x80xi32, #tpu.memory_space<vmem>> -> memref<1x80xi32, #tpu.memory_space<vmem>>
        %dma_start3A_311 = tpu.memref_squeeze %dma_start3A_310 : memref<1x80xi32, #tpu.memory_space<vmem>> -> memref<80xi32, #tpu.memory_space<vmem>>
        %dma_start3A_312 = tpu.memref_slice %arg2[%add3A_308] : memref<640000xi32, #tpu.memory_space<hbm>> -> memref<80xi32, #tpu.memory_space<hbm>>
        %dma_start3A_313 = arith.constant 0 : i32
        %dma_start3A_314 = tpu.memref_slice %arg9[%scan3A_136, %dma_start3A_313] : memref<2x80xi32, #tpu.memory_space<vmem>> -> memref<1x80xi32, #tpu.memory_space<vmem>>
        %dma_start3A_315 = tpu.memref_squeeze %dma_start3A_314 : memref<1x80xi32, #tpu.memory_space<vmem>> -> memref<80xi32, #tpu.memory_space<vmem>>
        %dma_start3A_316 = tpu.memref_slice %arg2[%add3A_308] : memref<640000xi32, #tpu.memory_space<hbm>> -> memref<80xi32, #tpu.memory_space<hbm>>
        tpu.enqueue_dma source(%dma_start3A_316 : memref<80xi32, #tpu.memory_space<hbm>>) target(%dma_start3A_315 : memref<80xi32, #tpu.memory_space<vmem>>) target_semaphore(%arg28 : memref<!tpu.dma_semaphore, #tpu.memory_space<semaphore_mem>>)
      } else {
      }
      %add3A_278 = arith.constant 1 : i32
      %add3A_279 = arith.addi %add3A_270, %add3A_278 : i32
      %le3A_280 = arith.constant 124 : i32
      %le3A_281 = arith.cmpi sle, %add3A_279, %le3A_280 : i32
      %convert_element_type3A_282 = arith.extui %le3A_281 : i1 to i32
      %cond3A_283 = arith.constant 0 : i32
      %cond3A_284 = arith.cmpi ne, %convert_element_type3A_282, %cond3A_283 : i32
      scf.if %cond3A_284 {
        %dma_wait3A_290 = arith.constant 0 : i32
        %dma_wait3A_291 = tpu.memref_slice %arg8[%scan3A_137, %dma_wait3A_290] : memref<2x80xi32, #tpu.memory_space<vmem>> -> memref<1x80xi32, #tpu.memory_space<vmem>>
        %dma_wait3A_292 = tpu.memref_squeeze %dma_wait3A_291 : memref<1x80xi32, #tpu.memory_space<vmem>> -> memref<80xi32, #tpu.memory_space<vmem>>
        %dma_wait3A_293 = arith.constant 0 : i32
        %dma_wait3A_294 = tpu.memref_slice %arg2[%dma_wait3A_293] : memref<640000xi32, #tpu.memory_space<hbm>> -> memref<80xi32, #tpu.memory_space<hbm>>
        %dma_wait3A_295 = arith.constant 0 : i32
        %dma_wait3A_296 = tpu.memref_slice %arg8[%scan3A_137, %dma_wait3A_295] : memref<2x80xi32, #tpu.memory_space<vmem>> -> memref<1x80xi32, #tpu.memory_space<vmem>>
        %dma_wait3A_297 = tpu.memref_squeeze %dma_wait3A_296 : memref<1x80xi32, #tpu.memory_space<vmem>> -> memref<80xi32, #tpu.memory_space<vmem>>
        %dma_wait3A_298 = arith.constant 0 : i32
        %dma_wait3A_299 = tpu.memref_slice %arg2[%dma_wait3A_298] : memref<640000xi32, #tpu.memory_space<hbm>> -> memref<80xi32, #tpu.memory_space<hbm>>
        tpu.wait_dma2 semaphore(%arg27 : memref<!tpu.dma_semaphore, #tpu.memory_space<semaphore_mem>>) src(%dma_wait3A_299 : memref<80xi32, #tpu.memory_space<hbm>>) dst(%dma_wait3A_297 : memref<80xi32, #tpu.memory_space<vmem>>)
        %dma_wait3A_300 = arith.constant 0 : i32
        %dma_wait3A_301 = tpu.memref_slice %arg8[%scan3A_138, %dma_wait3A_300] : memref<2x80xi32, #tpu.memory_space<vmem>> -> memref<1x80xi32, #tpu.memory_space<vmem>>
        %dma_wait3A_302 = tpu.memref_squeeze %dma_wait3A_301 : memref<1x80xi32, #tpu.memory_space<vmem>> -> memref<80xi32, #tpu.memory_space<vmem>>
        %dma_wait3A_303 = arith.constant 0 : i32
        %dma_wait3A_304 = tpu.memref_slice %arg2[%dma_wait3A_303] : memref<640000xi32, #tpu.memory_space<hbm>> -> memref<80xi32, #tpu.memory_space<hbm>>
        %dma_wait3A_305 = arith.constant 0 : i32
        %dma_wait3A_306 = tpu.memref_slice %arg8[%scan3A_138, %dma_wait3A_305] : memref<2x80xi32, #tpu.memory_space<vmem>> -> memref<1x80xi32, #tpu.memory_space<vmem>>
        %dma_wait3A_307 = tpu.memref_squeeze %dma_wait3A_306 : memref<1x80xi32, #tpu.memory_space<vmem>> -> memref<80xi32, #tpu.memory_space<vmem>>
        %dma_wait3A_308 = arith.constant 0 : i32
        %dma_wait3A_309 = tpu.memref_slice %arg2[%dma_wait3A_308] : memref<640000xi32, #tpu.memory_space<hbm>> -> memref<80xi32, #tpu.memory_space<hbm>>
        tpu.wait_dma2 semaphore(%arg27 : memref<!tpu.dma_semaphore, #tpu.memory_space<semaphore_mem>>) src(%dma_wait3A_309 : memref<80xi32, #tpu.memory_space<hbm>>) dst(%dma_wait3A_307 : memref<80xi32, #tpu.memory_space<vmem>>)
        %dma_start3A_310 = arith.constant 0 : i32
        %dma_start3A_311 = tpu.memref_slice %arg8[%scan3A_137, %dma_start3A_310] : memref<2x80xi32, #tpu.memory_space<vmem>> -> memref<1x80xi32, #tpu.memory_space<vmem>>
        %dma_start3A_312 = tpu.memref_squeeze %dma_start3A_311 : memref<1x80xi32, #tpu.memory_space<vmem>> -> memref<80xi32, #tpu.memory_space<vmem>>
        %dma_start3A_313 = arith.constant 0 : i32
        %dma_start3A_314 = arith.constant 0 : i32
        %dma_start3A_315 = tpu.memref_slice %arg5[%dma_start3A_313, %dma_start3A_314] : memref<10000x128xf32, #tpu.memory_space<hbm>> -> memref<10000x128xf32, #tpu.memory_space<hbm>>
        tpu.enqueue_indirect_dma source(%dma_start3A_315 : memref<10000x128xf32, #tpu.memory_space<hbm>>) target(%arg20 : memref<80x128xf32, #tpu.memory_space<vmem>>) offsets(%dma_start3A_312 : memref<80xi32, #tpu.memory_space<vmem>>) semaphore(%arg30 : memref<!tpu.dma_semaphore, #tpu.memory_space<semaphore_mem>>)
        %dma_start3A_316 = arith.constant 0 : i32
        %dma_start3A_317 = tpu.memref_slice %arg8[%scan3A_138, %dma_start3A_316] : memref<2x80xi32, #tpu.memory_space<vmem>> -> memref<1x80xi32, #tpu.memory_space<vmem>>
        %dma_start3A_318 = tpu.memref_squeeze %dma_start3A_317 : memref<1x80xi32, #tpu.memory_space<vmem>> -> memref<80xi32, #tpu.memory_space<vmem>>
        %dma_start3A_319 = arith.constant 0 : i32
        %dma_start3A_320 = tpu.memref_slice %arg3[%dma_start3A_319] : memref<10000xf32, #tpu.memory_space<hbm>> -> memref<10000xf32, #tpu.memory_space<hbm>>
        tpu.enqueue_indirect_dma source(%dma_start3A_320 : memref<10000xf32, #tpu.memory_space<hbm>>) target(%arg11 : memref<80xf32, #tpu.memory_space<vmem>>) offsets(%dma_start3A_318 : memref<80xi32, #tpu.memory_space<vmem>>) semaphore(%arg30 : memref<!tpu.dma_semaphore, #tpu.memory_space<semaphore_mem>>)
        %dma_start3A_321 = arith.constant 0 : i32
        %dma_start3A_322 = tpu.memref_slice %arg8[%scan3A_137, %dma_start3A_321] : memref<2x80xi32, #tpu.memory_space<vmem>> -> memref<1x80xi32, #tpu.memory_space<vmem>>
        %dma_start3A_323 = tpu.memref_squeeze %dma_start3A_322 : memref<1x80xi32, #tpu.memory_space<vmem>> -> memref<80xi32, #tpu.memory_space<vmem>>
        %dma_start3A_324 = arith.constant 0 : i32
        %dma_start3A_325 = tpu.memref_slice %arg4[%dma_start3A_324] : memref<10000xf32, #tpu.memory_space<hbm>> -> memref<10000xf32, #tpu.memory_space<hbm>>
        tpu.enqueue_indirect_dma source(%dma_start3A_325 : memref<10000xf32, #tpu.memory_space<hbm>>) target(%arg14 : memref<80xf32, #tpu.memory_space<vmem>>) offsets(%dma_start3A_323 : memref<80xi32, #tpu.memory_space<vmem>>) semaphore(%arg30 : memref<!tpu.dma_semaphore, #tpu.memory_space<semaphore_mem>>)
      } else {
      }
      %le3A_285 = arith.constant 124 : i32
      %le3A_286 = arith.cmpi sle, %add3A_270, %le3A_285 : i32
      %convert_element_type3A_287 = arith.extui %le3A_286 : i1 to i32
      %cond3A_288 = arith.constant 0 : i32
      %cond3A_289 = arith.cmpi ne, %convert_element_type3A_287, %cond3A_288 : i32
      scf.if %cond3A_289 {
        %dma_wait3A_290 = arith.constant 0 : i32
        %dma_wait3A_291 = tpu.memref_slice %arg10[%scan3A_134, %dma_wait3A_290] : memref<2x80xi32, #tpu.memory_space<vmem>> -> memref<1x80xi32, #tpu.memory_space<vmem>>
        %dma_wait3A_292 = tpu.memref_squeeze %dma_wait3A_291 : memref<1x80xi32, #tpu.memory_space<vmem>> -> memref<80xi32, #tpu.memory_space<vmem>>
        %dma_wait3A_293 = arith.constant 0 : i32
        %dma_wait3A_294 = arith.constant 0 : i32
        %dma_wait3A_295 = tpu.memref_slice %arg5[%dma_wait3A_293, %dma_wait3A_294] : memref<10000x128xf32, #tpu.memory_space<hbm>> -> memref<10000x128xf32, #tpu.memory_space<hbm>>
        tpu.wait_indirect_dma semaphore(%arg32 : memref<!tpu.dma_semaphore, #tpu.memory_space<semaphore_mem>>) src(%dma_wait3A_295 : memref<10000x128xf32, #tpu.memory_space<hbm>>) dst(%arg22 : memref<80x128xf32, #tpu.memory_space<vmem>>)
        %dma_wait3A_296 = arith.constant 0 : i32
        %dma_wait3A_297 = tpu.memref_slice %arg10[%scan3A_133, %dma_wait3A_296] : memref<2x80xi32, #tpu.memory_space<vmem>> -> memref<1x80xi32, #tpu.memory_space<vmem>>
        %dma_wait3A_298 = tpu.memref_squeeze %dma_wait3A_297 : memref<1x80xi32, #tpu.memory_space<vmem>> -> memref<80xi32, #tpu.memory_space<vmem>>
        %dma_wait3A_299 = arith.constant 0 : i32
        %dma_wait3A_300 = tpu.memref_slice %arg3[%dma_wait3A_299] : memref<10000xf32, #tpu.memory_space<hbm>> -> memref<10000xf32, #tpu.memory_space<hbm>>
        tpu.wait_indirect_dma semaphore(%arg32 : memref<!tpu.dma_semaphore, #tpu.memory_space<semaphore_mem>>) src(%dma_wait3A_300 : memref<10000xf32, #tpu.memory_space<hbm>>) dst(%arg13 : memref<80xf32, #tpu.memory_space<vmem>>)
        %dma_wait3A_301 = arith.constant 0 : i32
        %dma_wait3A_302 = tpu.memref_slice %arg10[%scan3A_134, %dma_wait3A_301] : memref<2x80xi32, #tpu.memory_space<vmem>> -> memref<1x80xi32, #tpu.memory_space<vmem>>
        %dma_wait3A_303 = tpu.memref_squeeze %dma_wait3A_302 : memref<1x80xi32, #tpu.memory_space<vmem>> -> memref<80xi32, #tpu.memory_space<vmem>>
        %dma_wait3A_304 = arith.constant 0 : i32
        %dma_wait3A_305 = tpu.memref_slice %arg4[%dma_wait3A_304] : memref<10000xf32, #tpu.memory_space<hbm>> -> memref<10000xf32, #tpu.memory_space<hbm>>
        tpu.wait_indirect_dma semaphore(%arg32 : memref<!tpu.dma_semaphore, #tpu.memory_space<semaphore_mem>>) src(%dma_wait3A_305 : memref<10000xf32, #tpu.memory_space<hbm>>) dst(%arg16 : memref<80xf32, #tpu.memory_space<vmem>>)
        %get3A = arith.constant 0 : index
        %get3A_306 = tpu.vector_load %arg13[%get3A] {strides = array<i32>} : memref<80xf32, #tpu.memory_space<vmem>>, vector<16xf32>,
        %get3A_307 = arith.constant 0 : index
        %get3A_308 = tpu.vector_load %arg16[%get3A_307] {strides = array<i32>} : memref<80xf32, #tpu.memory_space<vmem>>, vector<16xf32>,
        %add3A_309 = arith.addf %get3A_306, %get3A_308 : vector<16xf32>
        %gt3A = arith.constant 0.000000e+00 : f32
        %gt3A_310 = vector.broadcast %gt3A : f32 to vector<16xf32>
        %gt3A_311 = arith.cmpf ogt, %add3A_309, %gt3A_310 : vector<16xf32>
        %mul3A_312 = arith.constant 0.00999999977 : f32
        %mul3A_313 = vector.broadcast %mul3A_312 : f32 to vector<16xf32>
        %mul3A_314 = arith.mulf %add3A_309, %mul3A_313 : vector<16xf32>
        %select_n3A_315 = arith.select %gt3A_311, %add3A_309, %mul3A_314 : vector<16xi1>, vector<16xf32>
        %exp3A = math.exp %select_n3A_315 : vector<16xf32>
        %swap3A = arith.constant 0 : index
        %swap3A_316 = tpu.vector_load %arg19[%swap3A] {strides = array<i32>} : memref<80xf32, #tpu.memory_space<vmem>>, vector<16xf32>,
        tpu.vector_store %arg19[%swap3A], %exp3A {strides = array<i32>} : memref<80xf32, #tpu.memory_space<vmem>>, vector<16xf32>,
        %get3A_317 = arith.constant 16 : index
        %get3A_318 = tpu.vector_load %arg13[%get3A_317] {strides = array<i32>} : memref<80xf32, #tpu.memory_space<vmem>>, vector<16xf32>,
        %get3A_319 = arith.constant 16 : index
        %get3A_320 = tpu.vector_load %arg16[%get3A_319] {strides = array<i32>} : memref<80xf32, #tpu.memory_space<vmem>>, vector<16xf32>,
        %add3A_321 = arith.addf %get3A_318, %get3A_320 : vector<16xf32>
        %gt3A_322 = arith.constant 0.000000e+00 : f32
        %gt3A_323 = vector.broadcast %gt3A_322 : f32 to vector<16xf32>
        %gt3A_324 = arith.cmpf ogt, %add3A_321, %gt3A_323 : vector<16xf32>
        %mul3A_325 = arith.constant 0.00999999977 : f32
        %mul3A_326 = vector.broadcast %mul3A_325 : f32 to vector<16xf32>
        %mul3A_327 = arith.mulf %add3A_321, %mul3A_326 : vector<16xf32>
        %select_n3A_328 = arith.select %gt3A_324, %add3A_321, %mul3A_327 : vector<16xi1>, vector<16xf32>
        %exp3A_329 = math.exp %select_n3A_328 : vector<16xf32>
        %swap3A_330 = arith.constant 16 : index
        %swap3A_331 = tpu.vector_load %arg19[%swap3A_330] {strides = array<i32>} : memref<80xf32, #tpu.memory_space<vmem>>, vector<16xf32>,
        tpu.vector_store %arg19[%swap3A_330], %exp3A_329 {strides = array<i32>} : memref<80xf32, #tpu.memory_space<vmem>>, vector<16xf32>,
        %get3A_332 = arith.constant 32 : index
        %get3A_333 = tpu.vector_load %arg13[%get3A_332] {strides = array<i32>} : memref<80xf32, #tpu.memory_space<vmem>>, vector<16xf32>,
        %get3A_334 = arith.constant 32 : index
        %get3A_335 = tpu.vector_load %arg16[%get3A_334] {strides = array<i32>} : memref<80xf32, #tpu.memory_space<vmem>>, vector<16xf32>,
        %add3A_336 = arith.addf %get3A_333, %get3A_335 : vector<16xf32>
        %gt3A_337 = arith.constant 0.000000e+00 : f32
        %gt3A_338 = vector.broadcast %gt3A_337 : f32 to vector<16xf32>
        %gt3A_339 = arith.cmpf ogt, %add3A_336, %gt3A_338 : vector<16xf32>
        %mul3A_340 = arith.constant 0.00999999977 : f32
        %mul3A_341 = vector.broadcast %mul3A_340 : f32 to vector<16xf32>
        %mul3A_342 = arith.mulf %add3A_336, %mul3A_341 : vector<16xf32>
        %select_n3A_343 = arith.select %gt3A_339, %add3A_336, %mul3A_342 : vector<16xi1>, vector<16xf32>
        %exp3A_344 = math.exp %select_n3A_343 : vector<16xf32>
        %swap3A_345 = arith.constant 32 : index
        %swap3A_346 = tpu.vector_load %arg19[%swap3A_345] {strides = array<i32>} : memref<80xf32, #tpu.memory_space<vmem>>, vector<16xf32>,
        tpu.vector_store %arg19[%swap3A_345], %exp3A_344 {strides = array<i32>} : memref<80xf32, #tpu.memory_space<vmem>>, vector<16xf32>,
        %get3A_347 = arith.constant 48 : index
        %get3A_348 = tpu.vector_load %arg13[%get3A_347] {strides = array<i32>} : memref<80xf32, #tpu.memory_space<vmem>>, vector<16xf32>,
        %get3A_349 = arith.constant 48 : index
        %get3A_350 = tpu.vector_load %arg16[%get3A_349] {strides = array<i32>} : memref<80xf32, #tpu.memory_space<vmem>>, vector<16xf32>,
        %add3A_351 = arith.addf %get3A_348, %get3A_350 : vector<16xf32>
        %gt3A_352 = arith.constant 0.000000e+00 : f32
        %gt3A_353 = vector.broadcast %gt3A_352 : f32 to vector<16xf32>
        %gt3A_354 = arith.cmpf ogt, %add3A_351, %gt3A_353 : vector<16xf32>
        %mul3A_355 = arith.constant 0.00999999977 : f32
        %mul3A_356 = vector.broadcast %mul3A_355 : f32 to vector<16xf32>
        %mul3A_357 = arith.mulf %add3A_351, %mul3A_356 : vector<16xf32>
        %select_n3A_358 = arith.select %gt3A_354, %add3A_351, %mul3A_357 : vector<16xi1>, vector<16xf32>
        %exp3A_359 = math.exp %select_n3A_358 : vector<16xf32>
        %swap3A_360 = arith.constant 48 : index
        %swap3A_361 = tpu.vector_load %arg19[%swap3A_360] {strides = array<i32>} : memref<80xf32, #tpu.memory_space<vmem>>, vector<16xf32>,
        tpu.vector_store %arg19[%swap3A_360], %exp3A_359 {strides = array<i32>} : memref<80xf32, #tpu.memory_space<vmem>>, vector<16xf32>,
        %get3A_362 = arith.constant 64 : index
        %get3A_363 = tpu.vector_load %arg13[%get3A_362] {strides = array<i32>} : memref<80xf32, #tpu.memory_space<vmem>>, vector<16xf32>,
        %get3A_364 = arith.constant 64 : index
        %get3A_365 = tpu.vector_load %arg16[%get3A_364] {strides = array<i32>} : memref<80xf32, #tpu.memory_space<vmem>>, vector<16xf32>,
        %add3A_366 = arith.addf %get3A_363, %get3A_365 : vector<16xf32>
        %gt3A_367 = arith.constant 0.000000e+00 : f32
        %gt3A_368 = vector.broadcast %gt3A_367 : f32 to vector<16xf32>
        %gt3A_369 = arith.cmpf ogt, %add3A_366, %gt3A_368 : vector<16xf32>
        %mul3A_370 = arith.constant 0.00999999977 : f32
        %mul3A_371 = vector.broadcast %mul3A_370 : f32 to vector<16xf32>
        %mul3A_372 = arith.mulf %add3A_366, %mul3A_371 : vector<16xf32>
        %select_n3A_373 = arith.select %gt3A_369, %add3A_366, %mul3A_372 : vector<16xi1>, vector<16xf32>
        %exp3A_374 = math.exp %select_n3A_373 : vector<16xf32>
        %swap3A_375 = arith.constant 64 : index
        %swap3A_376 = tpu.vector_load %arg19[%swap3A_375] {strides = array<i32>} : memref<80xf32, #tpu.memory_space<vmem>>, vector<16xf32>,
        tpu.vector_store %arg19[%swap3A_375], %exp3A_374 {strides = array<i32>} : memref<80xf32, #tpu.memory_space<vmem>>, vector<16xf32>,
        %parallel_loop3A = arith.constant 0 : i32
        %parallel_loop3A_377 = arith.constant 80 : i32
        %parallel_loop3A_378 = arith.constant 1 : i32
        scf.for %parallel_loop3A_390 = %parallel_loop3A to %parallel_loop3A_377 step %parallel_loop3A_378  : i32 {
          %parallel_loop3A_391 = vector.broadcast %parallel_loop3A_390 : i32 to vector<16xi32>
          %parallel_loop3A_392 = tpu.vector_load_idx %arg19[%parallel_loop3A_391] : memref<80xf32, #tpu.memory_space<vmem>>[vector<16xi32>], vector<16xf32>,
          %parallel_loop3A_393 = arith.index_cast %parallel_loop3A_390 : i32 to index
          %parallel_loop3A_394 = arith.constant 0 : index
          %parallel_loop3A_395 = tpu.vector_load %arg22[%parallel_loop3A_393, %parallel_loop3A_394] {strides = array<i32>} : memref<80x128xf32, #tpu.memory_space<vmem>>, vector<16xf32>,
          %parallel_loop3A_396 = arith.mulf %parallel_loop3A_395, %parallel_loop3A_392 : vector<16xf32>
          %parallel_loop3A_397 = arith.index_cast %parallel_loop3A_390 : i32 to index
          %parallel_loop3A_398 = arith.constant 0 : index
          %parallel_loop3A_399 = tpu.vector_load %arg22[%parallel_loop3A_397, %parallel_loop3A_398] {strides = array<i32>} : memref<80x128xf32, #tpu.memory_space<vmem>>, vector<16xf32>,
          tpu.vector_store %arg22[%parallel_loop3A_397, %parallel_loop3A_398], %parallel_loop3A_396 {strides = array<i32>} : memref<80x128xf32, #tpu.memory_space<vmem>>, vector<16xf32>,
          %parallel_loop3A_400 = arith.index_cast %parallel_loop3A_390 : i32 to index
          %parallel_loop3A_401 = arith.constant 16 : index
          %parallel_loop3A_402 = tpu.vector_load %arg22[%parallel_loop3A_400, %parallel_loop3A_401] {strides = array<i32>} : memref<80x128xf32, #tpu.memory_space<vmem>>, vector<16xf32>,
          %parallel_loop3A_403 = arith.mulf %parallel_loop3A_402, %parallel_loop3A_392 : vector<16xf32>
          %parallel_loop3A_404 = arith.index_cast %parallel_loop3A_390 : i32 to index
          %parallel_loop3A_405 = arith.constant 16 : index
          %parallel_loop3A_406 = tpu.vector_load %arg22[%parallel_loop3A_404, %parallel_loop3A_405] {strides = array<i32>} : memref<80x128xf32, #tpu.memory_space<vmem>>, vector<16xf32>,
          tpu.vector_store %arg22[%parallel_loop3A_404, %parallel_loop3A_405], %parallel_loop3A_403 {strides = array<i32>} : memref<80x128xf32, #tpu.memory_space<vmem>>, vector<16xf32>,
          %parallel_loop3A_407 = arith.index_cast %parallel_loop3A_390 : i32 to index
          %parallel_loop3A_408 = arith.constant 32 : index
          %parallel_loop3A_409 = tpu.vector_load %arg22[%parallel_loop3A_407, %parallel_loop3A_408] {strides = array<i32>} : memref<80x128xf32, #tpu.memory_space<vmem>>, vector<16xf32>,
          %parallel_loop3A_410 = arith.mulf %parallel_loop3A_409, %parallel_loop3A_392 : vector<16xf32>
          %parallel_loop3A_411 = arith.index_cast %parallel_loop3A_390 : i32 to index
          %parallel_loop3A_412 = arith.constant 32 : index
          %parallel_loop3A_413 = tpu.vector_load %arg22[%parallel_loop3A_411, %parallel_loop3A_412] {strides = array<i32>} : memref<80x128xf32, #tpu.memory_space<vmem>>, vector<16xf32>,
          tpu.vector_store %arg22[%parallel_loop3A_411, %parallel_loop3A_412], %parallel_loop3A_410 {strides = array<i32>} : memref<80x128xf32, #tpu.memory_space<vmem>>, vector<16xf32>,
          %parallel_loop3A_414 = arith.index_cast %parallel_loop3A_390 : i32 to index
          %parallel_loop3A_415 = arith.constant 48 : index
          %parallel_loop3A_416 = tpu.vector_load %arg22[%parallel_loop3A_414, %parallel_loop3A_415] {strides = array<i32>} : memref<80x128xf32, #tpu.memory_space<vmem>>, vector<16xf32>,
          %parallel_loop3A_417 = arith.mulf %parallel_loop3A_416, %parallel_loop3A_392 : vector<16xf32>
          %parallel_loop3A_418 = arith.index_cast %parallel_loop3A_390 : i32 to index
          %parallel_loop3A_419 = arith.constant 48 : index
          %parallel_loop3A_420 = tpu.vector_load %arg22[%parallel_loop3A_418, %parallel_loop3A_419] {strides = array<i32>} : memref<80x128xf32, #tpu.memory_space<vmem>>, vector<16xf32>,
          tpu.vector_store %arg22[%parallel_loop3A_418, %parallel_loop3A_419], %parallel_loop3A_417 {strides = array<i32>} : memref<80x128xf32, #tpu.memory_space<vmem>>, vector<16xf32>,
          %parallel_loop3A_421 = arith.index_cast %parallel_loop3A_390 : i32 to index
          %parallel_loop3A_422 = arith.constant 64 : index
          %parallel_loop3A_423 = tpu.vector_load %arg22[%parallel_loop3A_421, %parallel_loop3A_422] {strides = array<i32>} : memref<80x128xf32, #tpu.memory_space<vmem>>, vector<16xf32>,
          %parallel_loop3A_424 = arith.mulf %parallel_loop3A_423, %parallel_loop3A_392 : vector<16xf32>
          %parallel_loop3A_425 = arith.index_cast %parallel_loop3A_390 : i32 to index
          %parallel_loop3A_426 = arith.constant 64 : index
          %parallel_loop3A_427 = tpu.vector_load %arg22[%parallel_loop3A_425, %parallel_loop3A_426] {strides = array<i32>} : memref<80x128xf32, #tpu.memory_space<vmem>>, vector<16xf32>,
          tpu.vector_store %arg22[%parallel_loop3A_425, %parallel_loop3A_426], %parallel_loop3A_424 {strides = array<i32>} : memref<80x128xf32, #tpu.memory_space<vmem>>, vector<16xf32>,
          %parallel_loop3A_428 = arith.index_cast %parallel_loop3A_390 : i32 to index
          %parallel_loop3A_429 = arith.constant 80 : index
          %parallel_loop3A_430 = tpu.vector_load %arg22[%parallel_loop3A_428, %parallel_loop3A_429] {strides = array<i32>} : memref<80x128xf32, #tpu.memory_space<vmem>>, vector<16xf32>,
          %parallel_loop3A_431 = arith.mulf %parallel_loop3A_430, %parallel_loop3A_392 : vector<16xf32>
          %parallel_loop3A_432 = arith.index_cast %parallel_loop3A_390 : i32 to index
          %parallel_loop3A_433 = arith.constant 80 : index
          %parallel_loop3A_434 = tpu.vector_load %arg22[%parallel_loop3A_432, %parallel_loop3A_433] {strides = array<i32>} : memref<80x128xf32, #tpu.memory_space<vmem>>, vector<16xf32>,
          tpu.vector_store %arg22[%parallel_loop3A_432, %parallel_loop3A_433], %parallel_loop3A_431 {strides = array<i32>} : memref<80x128xf32, #tpu.memory_space<vmem>>, vector<16xf32>,
          %parallel_loop3A_435 = arith.index_cast %parallel_loop3A_390 : i32 to index
          %parallel_loop3A_436 = arith.constant 96 : index
          %parallel_loop3A_437 = tpu.vector_load %arg22[%parallel_loop3A_435, %parallel_loop3A_436] {strides = array<i32>} : memref<80x128xf32, #tpu.memory_space<vmem>>, vector<16xf32>,
          %parallel_loop3A_438 = arith.mulf %parallel_loop3A_437, %parallel_loop3A_392 : vector<16xf32>
          %parallel_loop3A_439 = arith.index_cast %parallel_loop3A_390 : i32 to index
          %parallel_loop3A_440 = arith.constant 96 : index
          %parallel_loop3A_441 = tpu.vector_load %arg22[%parallel_loop3A_439, %parallel_loop3A_440] {strides = array<i32>} : memref<80x128xf32, #tpu.memory_space<vmem>>, vector<16xf32>,
          tpu.vector_store %arg22[%parallel_loop3A_439, %parallel_loop3A_440], %parallel_loop3A_438 {strides = array<i32>} : memref<80x128xf32, #tpu.memory_space<vmem>>, vector<16xf32>,
          %parallel_loop3A_442 = arith.index_cast %parallel_loop3A_390 : i32 to index
          %parallel_loop3A_443 = arith.constant 112 : index
          %parallel_loop3A_444 = tpu.vector_load %arg22[%parallel_loop3A_442, %parallel_loop3A_443] {strides = array<i32>} : memref<80x128xf32, #tpu.memory_space<vmem>>, vector<16xf32>,
          %parallel_loop3A_445 = arith.mulf %parallel_loop3A_444, %parallel_loop3A_392 : vector<16xf32>
          %parallel_loop3A_446 = arith.index_cast %parallel_loop3A_390 : i32 to index
          %parallel_loop3A_447 = arith.constant 112 : index
          %parallel_loop3A_448 = tpu.vector_load %arg22[%parallel_loop3A_446, %parallel_loop3A_447] {strides = array<i32>} : memref<80x128xf32, #tpu.memory_space<vmem>>, vector<16xf32>,
          tpu.vector_store %arg22[%parallel_loop3A_446, %parallel_loop3A_447], %parallel_loop3A_445 {strides = array<i32>} : memref<80x128xf32, #tpu.memory_space<vmem>>, vector<16xf32>,
        } {sc.loop_unroll_factor = 8 : i64, sc.parallel_access}
        %dma_start3A_379 = arith.constant 0 : i32
        %dma_start3A_380 = tpu.memref_slice %arg10[%scan3A_133, %dma_start3A_379] : memref<2x80xi32, #tpu.memory_space<vmem>> -> memref<1x80xi32, #tpu.memory_space<vmem>>
        %dma_start3A_381 = tpu.memref_squeeze %dma_start3A_380 : memref<1x80xi32, #tpu.memory_space<vmem>> -> memref<80xi32, #tpu.memory_space<vmem>>
        %dma_start3A_382 = arith.constant 0 : i32
        %dma_start3A_383 = tpu.memref_slice %arg24[%dma_start3A_382] : memref<10240xf32, #tpu.memory_space<vmem_shared>> -> memref<10240xf32, #tpu.memory_space<vmem_shared>>
        tpu.enqueue_indirect_dma source(%arg19 : memref<80xf32, #tpu.memory_space<vmem>>) target(%dma_start3A_383 : memref<10240xf32, #tpu.memory_space<vmem_shared>>) offsets(%dma_start3A_381 : memref<80xi32, #tpu.memory_space<vmem>>) semaphore(%arg35 : memref<!tpu.dma_semaphore, #tpu.memory_space<semaphore_mem>>) {add = true}
        %dma_start3A_384 = arith.constant 0 : i32
        %dma_start3A_385 = tpu.memref_slice %arg10[%scan3A_133, %dma_start3A_384] : memref<2x80xi32, #tpu.memory_space<vmem>> -> memref<1x80xi32, #tpu.memory_space<vmem>>
        %dma_start3A_386 = tpu.memref_squeeze %dma_start3A_385 : memref<1x80xi32, #tpu.memory_space<vmem>> -> memref<80xi32, #tpu.memory_space<vmem>>
        %dma_start3A_387 = arith.constant 0 : i32
        %dma_start3A_388 = arith.constant 0 : i32
        %dma_start3A_389 = tpu.memref_slice %arg23[%dma_start3A_387, %dma_start3A_388] : memref<10240x128xf32, #tpu.memory_space<vmem_shared>> -> memref<10240x128xf32, #tpu.memory_space<vmem_shared>>
        tpu.enqueue_indirect_dma source(%arg22 : memref<80x128xf32, #tpu.memory_space<vmem>>) target(%dma_start3A_389 : memref<10240x128xf32, #tpu.memory_space<vmem_shared>>) offsets(%dma_start3A_386 : memref<80xi32, #tpu.memory_space<vmem>>) semaphore(%arg35 : memref<!tpu.dma_semaphore, #tpu.memory_space<semaphore_mem>>) {add = true}
      } else {
      }
    }
    %scan3A_143 = arith.constant 42 : i32
    %dma_wait3A_144 = arith.constant 1 : i32
    %dma_wait3A_145 = arith.constant 0 : i32
    %dma_wait3A_146 = tpu.memref_slice %arg8[%dma_wait3A_144, %dma_wait3A_145] : memref<2x80xi32, #tpu.memory_space<vmem>> -> memref<1x80xi32, #tpu.memory_space<vmem>>
    %dma_wait3A_147 = tpu.memref_squeeze %dma_wait3A_146 : memref<1x80xi32, #tpu.memory_space<vmem>> -> memref<80xi32, #tpu.memory_space<vmem>>
    %dma_wait3A_148 = arith.constant 0 : i32
    %dma_wait3A_149 = tpu.memref_slice %arg24[%dma_wait3A_148] : memref<10240xf32, #tpu.memory_space<vmem_shared>> -> memref<10240xf32, #tpu.memory_space<vmem_shared>>
    tpu.wait_indirect_dma semaphore(%arg33 : memref<!tpu.dma_semaphore, #tpu.memory_space<semaphore_mem>>) src(%arg17 : memref<80xf32, #tpu.memory_space<vmem>>) dst(%dma_wait3A_149 : memref<10240xf32, #tpu.memory_space<vmem_shared>>)
    %dma_wait3A_150 = arith.constant 1 : i32
    %dma_wait3A_151 = arith.constant 0 : i32
    %dma_wait3A_152 = tpu.memref_slice %arg8[%dma_wait3A_150, %dma_wait3A_151] : memref<2x80xi32, #tpu.memory_space<vmem>> -> memref<1x80xi32, #tpu.memory_space<vmem>>
    %dma_wait3A_153 = tpu.memref_squeeze %dma_wait3A_152 : memref<1x80xi32, #tpu.memory_space<vmem>> -> memref<80xi32, #tpu.memory_space<vmem>>
    %dma_wait3A_154 = arith.constant 0 : i32
    %dma_wait3A_155 = arith.constant 0 : i32
    %dma_wait3A_156 = tpu.memref_slice %arg23[%dma_wait3A_154, %dma_wait3A_155] : memref<10240x128xf32, #tpu.memory_space<vmem_shared>> -> memref<10240x128xf32, #tpu.memory_space<vmem_shared>>
    tpu.wait_indirect_dma semaphore(%arg33 : memref<!tpu.dma_semaphore, #tpu.memory_space<semaphore_mem>>) src(%arg20 : memref<80x128xf32, #tpu.memory_space<vmem>>) dst(%dma_wait3A_156 : memref<10240x128xf32, #tpu.memory_space<vmem_shared>>)
    %dma_wait3A_157 = arith.constant 1 : i32
    %dma_wait3A_158 = arith.constant 0 : i32
    %dma_wait3A_159 = tpu.memref_slice %arg9[%dma_wait3A_157, %dma_wait3A_158] : memref<2x80xi32, #tpu.memory_space<vmem>> -> memref<1x80xi32, #tpu.memory_space<vmem>>
    %dma_wait3A_160 = tpu.memref_squeeze %dma_wait3A_159 : memref<1x80xi32, #tpu.memory_space<vmem>> -> memref<80xi32, #tpu.memory_space<vmem>>
    %dma_wait3A_161 = arith.constant 0 : i32
    %dma_wait3A_162 = tpu.memref_slice %arg24[%dma_wait3A_161] : memref<10240xf32, #tpu.memory_space<vmem_shared>> -> memref<10240xf32, #tpu.memory_space<vmem_shared>>
    tpu.wait_indirect_dma semaphore(%arg34 : memref<!tpu.dma_semaphore, #tpu.memory_space<semaphore_mem>>) src(%arg18 : memref<80xf32, #tpu.memory_space<vmem>>) dst(%dma_wait3A_162 : memref<10240xf32, #tpu.memory_space<vmem_shared>>)
    %dma_wait3A_163 = arith.constant 1 : i32
    %dma_wait3A_164 = arith.constant 0 : i32
    %dma_wait3A_165 = tpu.memref_slice %arg9[%dma_wait3A_163, %dma_wait3A_164] : memref<2x80xi32, #tpu.memory_space<vmem>> -> memref<1x80xi32, #tpu.memory_space<vmem>>
    %dma_wait3A_166 = tpu.memref_squeeze %dma_wait3A_165 : memref<1x80xi32, #tpu.memory_space<vmem>> -> memref<80xi32, #tpu.memory_space<vmem>>
    %dma_wait3A_167 = arith.constant 0 : i32
    %dma_wait3A_168 = arith.constant 0 : i32
    %dma_wait3A_169 = tpu.memref_slice %arg23[%dma_wait3A_167, %dma_wait3A_168] : memref<10240x128xf32, #tpu.memory_space<vmem_shared>> -> memref<10240x128xf32, #tpu.memory_space<vmem_shared>>
    tpu.wait_indirect_dma semaphore(%arg34 : memref<!tpu.dma_semaphore, #tpu.memory_space<semaphore_mem>>) src(%arg21 : memref<80x128xf32, #tpu.memory_space<vmem>>) dst(%dma_wait3A_169 : memref<10240x128xf32, #tpu.memory_space<vmem_shared>>)
    %dma_wait3A_170 = arith.constant 1 : i32
    %dma_wait3A_171 = arith.constant 0 : i32
    %dma_wait3A_172 = tpu.memref_slice %arg10[%dma_wait3A_170, %dma_wait3A_171] : memref<2x80xi32, #tpu.memory_space<vmem>> -> memref<1x80xi32, #tpu.memory_space<vmem>>
    %dma_wait3A_173 = tpu.memref_squeeze %dma_wait3A_172 : memref<1x80xi32, #tpu.memory_space<vmem>> -> memref<80xi32, #tpu.memory_space<vmem>>
    %dma_wait3A_174 = arith.constant 0 : i32
    %dma_wait3A_175 = tpu.memref_slice %arg24[%dma_wait3A_174] : memref<10240xf32, #tpu.memory_space<vmem_shared>> -> memref<10240xf32, #tpu.memory_space<vmem_shared>>
    tpu.wait_indirect_dma semaphore(%arg35 : memref<!tpu.dma_semaphore, #tpu.memory_space<semaphore_mem>>) src(%arg19 : memref<80xf32, #tpu.memory_space<vmem>>) dst(%dma_wait3A_175 : memref<10240xf32, #tpu.memory_space<vmem_shared>>)
    %dma_wait3A_176 = arith.constant 1 : i32
    %dma_wait3A_177 = arith.constant 0 : i32
    %dma_wait3A_178 = tpu.memref_slice %arg10[%dma_wait3A_176, %dma_wait3A_177] : memref<2x80xi32, #tpu.memory_space<vmem>> -> memref<1x80xi32, #tpu.memory_space<vmem>>
    %dma_wait3A_179 = tpu.memref_squeeze %dma_wait3A_178 : memref<1x80xi32, #tpu.memory_space<vmem>> -> memref<80xi32, #tpu.memory_space<vmem>>
    %dma_wait3A_180 = arith.constant 0 : i32
    %dma_wait3A_181 = arith.constant 0 : i32
    %dma_wait3A_182 = tpu.memref_slice %arg23[%dma_wait3A_180, %dma_wait3A_181] : memref<10240x128xf32, #tpu.memory_space<vmem_shared>> -> memref<10240x128xf32, #tpu.memory_space<vmem_shared>>
    tpu.wait_indirect_dma semaphore(%arg35 : memref<!tpu.dma_semaphore, #tpu.memory_space<semaphore_mem>>) src(%arg22 : memref<80x128xf32, #tpu.memory_space<vmem>>) dst(%dma_wait3A_182 : memref<10240x128xf32, #tpu.memory_space<vmem_shared>>)
    %barrier3A_183 = arith.constant 0 : index
    tpu.barrier barrier_id(%barrier3A_183)
    %mul3A_184 = arith.constant 640 : i32
    %mul3A_185 = arith.muli %arg1, %mul3A_184 : i32
    %mul3A_186 = arith.constant 640 : i32
    %mul3A_187 = arith.muli %arg1, %mul3A_186 : i32
    "tpu.region"() ({
      %run_scoped3A = tpu.sem_alloc : memref<!tpu.dma_semaphore, #tpu.memory_space<semaphore_mem>>
      %dma_start3A_223 = arith.constant 0 : i32
      %dma_start3A_224 = tpu.memref_slice %arg6[%arg0, %mul3A_187, %dma_start3A_223] : memref<2x10240x128xf32, #tpu.memory_space<hbm>> -> memref<1x640x128xf32, #tpu.memory_space<hbm>>
      %dma_start3A_225 = tpu.memref_squeeze %dma_start3A_224 : memref<1x640x128xf32, #tpu.memory_space<hbm>> -> memref<640x128xf32, #tpu.memory_space<hbm>>
      %dma_start3A_226 = arith.constant 0 : i32
      %dma_start3A_227 = tpu.memref_slice %arg23[%mul3A_185, %dma_start3A_226] : memref<10240x128xf32, #tpu.memory_space<vmem_shared>> -> memref<640x128xf32, #tpu.memory_space<vmem_shared>>
      tpu.enqueue_dma source(%dma_start3A_227 : memref<640x128xf32, #tpu.memory_space<vmem_shared>>) target(%dma_start3A_225 : memref<640x128xf32, #tpu.memory_space<hbm>>) target_semaphore(%run_scoped3A : memref<!tpu.dma_semaphore, #tpu.memory_space<semaphore_mem>>)
      %dma_wait3A_228 = arith.constant 0 : i32
      %dma_wait3A_229 = tpu.memref_slice %arg6[%arg0, %mul3A_187, %dma_wait3A_228] : memref<2x10240x128xf32, #tpu.memory_space<hbm>> -> memref<1x640x128xf32, #tpu.memory_space<hbm>>
      %dma_wait3A_230 = tpu.memref_squeeze %dma_wait3A_229 : memref<1x640x128xf32, #tpu.memory_space<hbm>> -> memref<640x128xf32, #tpu.memory_space<hbm>>
      %dma_wait3A_231 = arith.constant 0 : i32
      %dma_wait3A_232 = tpu.memref_slice %arg23[%mul3A_185, %dma_wait3A_231] : memref<10240x128xf32, #tpu.memory_space<vmem_shared>> -> memref<640x128xf32, #tpu.memory_space<vmem_shared>>
      tpu.wait_dma2 semaphore(%run_scoped3A : memref<!tpu.dma_semaphore, #tpu.memory_space<semaphore_mem>>) src(%dma_wait3A_232 : memref<640x128xf32, #tpu.memory_space<vmem_shared>>) dst(%dma_wait3A_230 : memref<640x128xf32, #tpu.memory_space<hbm>>)
      tpu.yield
    }) : () -> ()
    %mul3A_188 = arith.constant 640 : i32
    %mul3A_189 = arith.muli %arg1, %mul3A_188 : i32
    "tpu.region"() ({
      %run_scoped3A = tpu.sem_alloc : memref<!tpu.dma_semaphore, #tpu.memory_space<semaphore_mem>>
      %dma_start3A_223 = tpu.memref_slice %arg24[%mul3A_189] : memref<10240xf32, #tpu.memory_space<vmem_shared>> -> memref<640xf32, #tpu.memory_space<vmem_shared>>
      %dma_start3A_224 = tpu.memref_slice %arg24[%mul3A_189] : memref<10240xf32, #tpu.memory_space<vmem_shared>> -> memref<640xf32, #tpu.memory_space<vmem_shared>>
      tpu.enqueue_dma source(%dma_start3A_224 : memref<640xf32, #tpu.memory_space<vmem_shared>>) target(%arg25 : memref<640xf32, #tpu.memory_space<vmem>>) target_semaphore(%run_scoped3A : memref<!tpu.dma_semaphore, #tpu.memory_space<semaphore_mem>>)
      %dma_wait3A_225 = tpu.memref_slice %arg24[%mul3A_189] : memref<10240xf32, #tpu.memory_space<vmem_shared>> -> memref<640xf32, #tpu.memory_space<vmem_shared>>
      %dma_wait3A_226 = tpu.memref_slice %arg24[%mul3A_189] : memref<10240xf32, #tpu.memory_space<vmem_shared>> -> memref<640xf32, #tpu.memory_space<vmem_shared>>
      tpu.wait_dma2 semaphore(%run_scoped3A : memref<!tpu.dma_semaphore, #tpu.memory_space<semaphore_mem>>) src(%dma_wait3A_226 : memref<640xf32, #tpu.memory_space<vmem_shared>>) dst(%arg25 : memref<640xf32, #tpu.memory_space<vmem>>)
      tpu.yield
    }) : () -> ()
    %iota3A = tpu.iota {dimensions = array<i32: 0>} : vector<16xi32>
    %jit3A = arith.constant 8 : i32
    %div3A = vector.broadcast %jit3A : i32 to vector<16xi32>
    %div3A_190 = arith.divsi %iota3A, %div3A : vector<16xi32>
    %sign3A = arith.constant 0 : i32
    %sign3A_191 = vector.broadcast %sign3A : i32 to vector<16xi32>
    %sign3A_192 = arith.cmpi sgt, %iota3A, %sign3A_191 : vector<16xi32>
    %sign3A_193 = arith.extui %sign3A_192 : vector<16xi1> to vector<16xi32>
    %sign3A_194 = arith.constant 0 : i32
    %sign3A_195 = vector.broadcast %sign3A_194 : i32 to vector<16xi32>
    %sign3A_196 = arith.cmpi slt, %iota3A, %sign3A_195 : vector<16xi32>
    %sign3A_197 = arith.extui %sign3A_196 : vector<16xi1> to vector<16xi32>
    %sign3A_198 = arith.subi %sign3A_193, %sign3A_197 : vector<16xi32>
    %sign3A_199 = arith.constant 0 : i32
    %sign3A_200 = arith.cmpi sgt, %jit3A, %sign3A_199 : i32
    %sign3A_201 = arith.extui %sign3A_200 : i1 to i32
    %sign3A_202 = arith.constant 0 : i32
    %sign3A_203 = arith.cmpi slt, %jit3A, %sign3A_202 : i32
    %sign3A_204 = arith.extui %sign3A_203 : i1 to i32
    %sign3A_205 = arith.subi %sign3A_201, %sign3A_204 : i32
    %ne3A = vector.broadcast %sign3A_205 : i32 to vector<16xi32>
    %ne3A_206 = arith.cmpi ne, %sign3A_198, %ne3A : vector<16xi32>
    %rem3A = vector.broadcast %jit3A : i32 to vector<16xi32>
    %rem3A_207 = arith.remsi %iota3A, %rem3A : vector<16xi32>
    %ne3A_208 = arith.constant 0 : i32
    %ne3A_209 = vector.broadcast %ne3A_208 : i32 to vector<16xi32>
    %ne3A_210 = arith.cmpi ne, %rem3A_207, %ne3A_209 : vector<16xi32>
    %and3A = arith.andi %ne3A_206, %ne3A_210 : vector<16xi1>
    %sub3A = arith.constant 1 : i32
    %sub3A_211 = vector.broadcast %sub3A : i32 to vector<16xi32>
    %sub3A_212 = arith.subi %div3A_190, %sub3A_211 : vector<16xi32>
    %select_n3A = arith.select %and3A, %sub3A_212, %div3A_190 : vector<16xi1>, vector<16xi32>
    %scan3A_213 = arith.constant 0 : i32
    %scan3A_214 = arith.constant 0 : i32
    %scan3A_215 = arith.constant 320 : i32
    %scan3A_216 = arith.addi %scan3A_214, %scan3A_215 : i32
    %scan3A_217 = arith.constant 1 : i32
    scf.for %scan3A_223 = %scan3A_214 to %scan3A_216 step %scan3A_217  : i32 {
      %mul3A_224 = arith.constant 2 : i32
      %mul3A_225 = arith.muli %mul3A_224, %scan3A_223 : i32
      %add3A_226 = vector.broadcast %mul3A_225 : i32 to vector<16xi32>
      %add3A_227 = arith.addi %add3A_226, %select_n3A : vector<16xi32>
      %gather3A = tpu.vector_load_idx %arg25[%add3A_227] : memref<640xf32, #tpu.memory_space<vmem>>[vector<16xi32>], vector<16xf32>,
      %mul3A_228 = arith.constant 16 : i32
      %mul3A_229 = arith.muli %scan3A_223, %mul3A_228 : i32
      %swap3A = arith.index_cast %mul3A_229 : i32 to index
      %swap3A_230 = tpu.vector_load %arg26[%swap3A] {strides = array<i32>} : memref<5120xf32, #tpu.memory_space<vmem>>, vector<16xf32>,
      tpu.vector_store %arg26[%swap3A], %gather3A {strides = array<i32>} : memref<5120xf32, #tpu.memory_space<vmem>>, vector<16xf32>,
    }
    %scan3A_218 = arith.constant 320 : i32
    %mul3A_219 = arith.constant 640 : i32
    %mul3A_220 = arith.muli %add3A, %mul3A_219 : i32
    %mul3A_221 = arith.constant 8 : i32
    %mul3A_222 = arith.muli %mul3A_220, %mul3A_221 : i32
    "tpu.region"() ({
      %run_scoped3A = tpu.sem_alloc : memref<!tpu.dma_semaphore, #tpu.memory_space<semaphore_mem>>
      %dma_start3A_223 = tpu.memref_slice %arg7[%mul3A_222] : memref<163840xf32, #tpu.memory_space<hbm>> -> memref<5120xf32, #tpu.memory_space<hbm>>
      %dma_start3A_224 = tpu.memref_slice %arg7[%mul3A_222] : memref<163840xf32, #tpu.memory_space<hbm>> -> memref<5120xf32, #tpu.memory_space<hbm>>
      tpu.enqueue_dma source(%arg26 : memref<5120xf32, #tpu.memory_space<vmem>>) target(%dma_start3A_224 : memref<5120xf32, #tpu.memory_space<hbm>>) target_semaphore(%run_scoped3A : memref<!tpu.dma_semaphore, #tpu.memory_space<semaphore_mem>>)
      %dma_wait3A_225 = tpu.memref_slice %arg7[%mul3A_222] : memref<163840xf32, #tpu.memory_space<hbm>> -> memref<5120xf32, #tpu.memory_space<hbm>>
      %dma_wait3A_226 = tpu.memref_slice %arg7[%mul3A_222] : memref<163840xf32, #tpu.memory_space<hbm>> -> memref<5120xf32, #tpu.memory_space<hbm>>
      tpu.wait_dma2 semaphore(%run_scoped3A : memref<!tpu.dma_semaphore, #tpu.memory_space<semaphore_mem>>) src(%arg26 : memref<5120xf32, #tpu.memory_space<vmem>>) dst(%dma_wait3A_226 : memref<5120xf32, #tpu.memory_space<hbm>>)
      tpu.yield
    }) : () -> ()
    return
  }
}

module attributes {stable_mosaic.version = 14 : i64} {
  func.func @_k1_body(%arg0: i32, %arg1: memref<2000x128xf32, #tpu.memory_space<vmem>>, %arg2: memref<128x128xf32, #tpu.memory_space<vmem>>, %arg3: memref<1x128xf32, #tpu.memory_space<vmem>>, %arg4: memref<384x128xf32, #tpu.memory_space<vmem>>, %arg5: memref<1x384xf32, #tpu.memory_space<vmem>>, %arg6: memref<128x2xf32, #tpu.memory_space<vmem>>, %arg7: memref<1x2xf32, #tpu.memory_space<vmem>>, %arg8: memref<2000x128xf32, #tpu.memory_space<vmem>>, %arg9: memref<2000x384xf32, #tpu.memory_space<vmem>>, %arg10: memref<2000x2xf32, #tpu.memory_space<vmem>>) attributes {dimension_semantics = [#tpu.dimension_semantics<arbitrary>], iteration_bounds = array<i64: 5>, scalar_prefetch = 0 : i64, scratch_operands = 0 : i64, tpu.core_type = #tpu.core_type<tc>, window_params = [{transform_indices = @transform_0, window_bounds = array<i64: 2000, 128>}, {pipeline_mode = #tpu.pipeline_mode<synchronous>, transform_indices = @transform_1, window_bounds = array<i64: 128, 128>}, {pipeline_mode = #tpu.pipeline_mode<synchronous>, transform_indices = @transform_2, window_bounds = array<i64: 1, 128>}, {pipeline_mode = #tpu.pipeline_mode<synchronous>, transform_indices = @transform_3, window_bounds = array<i64: 384, 128>}, {pipeline_mode = #tpu.pipeline_mode<synchronous>, transform_indices = @transform_4, window_bounds = array<i64: 1, 384>}, {pipeline_mode = #tpu.pipeline_mode<synchronous>, transform_indices = @transform_5, window_bounds = array<i64: 128, 2>}, {pipeline_mode = #tpu.pipeline_mode<synchronous>, transform_indices = @transform_6, window_bounds = array<i64: 1, 2>}, {transform_indices = @transform_7, window_bounds = array<i64: 2000, 128>}, {transform_indices = @transform_8, window_bounds = array<i64: 2000, 384>}, {transform_indices = @transform_9, window_bounds = array<i64: 2000, 2>}]} {
    %get3A = arith.constant 0 : index
    %get3A_0 = arith.constant 0 : index
    %get3A_1 = vector.load %arg1[%get3A, %get3A_0] : memref<2000x128xf32, #tpu.memory_space<vmem>>, vector<2000x128xf32>
    %get3A_2 = arith.constant 0 : index
    %get3A_3 = arith.constant 0 : index
    %get3A_4 = vector.load %arg2[%get3A_2, %get3A_3] : memref<128x128xf32, #tpu.memory_space<vmem>>, vector<128x128xf32>
    %dot_general3A = arith.constant dense<0.000000e+00> : vector<2000x128xf32>
    %dot_general3A_5 = tpu.matmul %get3A_1, %get3A_4, %dot_general3A {dimension_numbers = #tpu.dot_dimension_numbers<[1], [0], [0], [1], [0, 0, 1, 1], [], []>, transpose_lhs_hint = false} : vector<2000x128xf32>, vector<128x128xf32>, vector<2000x128xf32> -> vector<2000x128xf32>
    %get3A_6 = arith.constant 0 : index
    %get3A_7 = arith.constant 0 : index
    %get3A_8 = vector.load %arg3[%get3A_6, %get3A_7] : memref<1x128xf32, #tpu.memory_space<vmem>>, vector<1x128xf32>
    %add3A = vector.broadcast %get3A_8 : vector<1x128xf32> to vector<2000x128xf32>
    %add3A_9 = arith.addf %dot_general3A_5, %add3A : vector<2000x128xf32>
    %swap3A = arith.constant 0 : index
    %swap3A_10 = arith.constant 0 : index
    %swap3A_11 = vector.load %arg8[%swap3A, %swap3A_10] : memref<2000x128xf32, #tpu.memory_space<vmem>>, vector<2000x128xf32>
    tpu.vector_store %arg8[%swap3A, %swap3A_10], %add3A_9 {strides = array<i32>} : memref<2000x128xf32, #tpu.memory_space<vmem>>, vector<2000x128xf32>,
    %get3A_12 = arith.constant 0 : index
    %get3A_13 = arith.constant 0 : index
    %get3A_14 = vector.load %arg4[%get3A_12, %get3A_13] : memref<384x128xf32, #tpu.memory_space<vmem>>, vector<384x128xf32>
    %dot_general3A_15 = arith.constant dense<0.000000e+00> : vector<2000x384xf32>
    %dot_general3A_16 = tpu.matmul %get3A_1, %get3A_14, %dot_general3A_15 {dimension_numbers = #tpu.dot_dimension_numbers<[1], [1], [0], [0], [0, 0, 1, 0], [], []>, transpose_lhs_hint = false} : vector<2000x128xf32>, vector<384x128xf32>, vector<2000x384xf32> -> vector<2000x384xf32>
    %get3A_17 = arith.constant 0 : index
    %get3A_18 = arith.constant 0 : index
    %get3A_19 = vector.load %arg5[%get3A_17, %get3A_18] : memref<1x384xf32, #tpu.memory_space<vmem>>, vector<1x384xf32>
    %add3A_20 = vector.broadcast %get3A_19 : vector<1x384xf32> to vector<2000x384xf32>
    %add3A_21 = arith.addf %dot_general3A_16, %add3A_20 : vector<2000x384xf32>
    %swap3A_22 = arith.constant 0 : index
    %swap3A_23 = arith.constant 0 : index
    %swap3A_24 = vector.load %arg9[%swap3A_22, %swap3A_23] : memref<2000x384xf32, #tpu.memory_space<vmem>>, vector<2000x384xf32>
    tpu.vector_store %arg9[%swap3A_22, %swap3A_23], %add3A_21 {strides = array<i32>} : memref<2000x384xf32, #tpu.memory_space<vmem>>, vector<2000x384xf32>,
    %get3A_25 = arith.constant 0 : index
    %get3A_26 = arith.constant 0 : index
    %get3A_27 = vector.load %arg6[%get3A_25, %get3A_26] : memref<128x2xf32, #tpu.memory_space<vmem>>, vector<128x2xf32>
    %dot_general3A_28 = arith.constant dense<0.000000e+00> : vector<2000x2xf32>
    %dot_general3A_29 = tpu.matmul %get3A_1, %get3A_27, %dot_general3A_28 {dimension_numbers = #tpu.dot_dimension_numbers<[1], [0], [0], [1], [0, 0, 1, 1], [], []>, transpose_lhs_hint = false} : vector<2000x128xf32>, vector<128x2xf32>, vector<2000x2xf32> -> vector<2000x2xf32>
    %get3A_30 = arith.constant 0 : index
    %get3A_31 = arith.constant 0 : index
    %get3A_32 = vector.load %arg7[%get3A_30, %get3A_31] : memref<1x2xf32, #tpu.memory_space<vmem>>, vector<1x2xf32>
    %add3A_33 = vector.broadcast %get3A_32 : vector<1x2xf32> to vector<2000x2xf32>
    %add3A_34 = arith.addf %dot_general3A_29, %add3A_33 : vector<2000x2xf32>
    %swap3A_35 = arith.constant 0 : index
    %swap3A_36 = arith.constant 0 : index
    %swap3A_37 = vector.load %arg10[%swap3A_35, %swap3A_36] : memref<2000x2xf32, #tpu.memory_space<vmem>>, vector<2000x2xf32>
    tpu.vector_store %arg10[%swap3A_35, %swap3A_36], %add3A_34 {strides = array<i32>} : memref<2000x2xf32, #tpu.memory_space<vmem>>, vector<2000x2xf32>,
    return
  }
  func.func @transform_0(%arg0: i32) -> (i32, i32) {
    %c0_i32 = arith.constant 0 : i32
    %c0_i32_0 = arith.constant 0 : i32
    return %arg0, %c0_i32 : i32, i32
  }
  func.func @transform_1(%arg0: i32) -> (i32, i32) {
    %c0_i32 = arith.constant 0 : i32
    %c0_i32_0 = arith.constant 0 : i32
    %c0_i32_1 = arith.constant 0 : i32
    return %c0_i32, %c0_i32_0 : i32, i32
  }
  func.func @transform_2(%arg0: i32) -> (i32, i32) {
    %c0_i32 = arith.constant 0 : i32
    %c0_i32_0 = arith.constant 0 : i32
    %c0_i32_1 = arith.constant 0 : i32
    return %c0_i32, %c0_i32_0 : i32, i32
  }
  func.func @transform_3(%arg0: i32) -> (i32, i32) {
    %c0_i32 = arith.constant 0 : i32
    %c0_i32_0 = arith.constant 0 : i32
    %c0_i32_1 = arith.constant 0 : i32
    return %c0_i32, %c0_i32_0 : i32, i32
  }
  func.func @transform_4(%arg0: i32) -> (i32, i32) {
    %c0_i32 = arith.constant 0 : i32
    %c0_i32_0 = arith.constant 0 : i32
    %c0_i32_1 = arith.constant 0 : i32
    return %c0_i32, %c0_i32_0 : i32, i32
  }
  func.func @transform_5(%arg0: i32) -> (i32, i32) {
    %c0_i32 = arith.constant 0 : i32
    %c0_i32_0 = arith.constant 0 : i32
    %c0_i32_1 = arith.constant 0 : i32
    return %c0_i32, %c0_i32_0 : i32, i32
  }
  func.func @transform_6(%arg0: i32) -> (i32, i32) {
    %c0_i32 = arith.constant 0 : i32
    %c0_i32_0 = arith.constant 0 : i32
    %c0_i32_1 = arith.constant 0 : i32
    return %c0_i32, %c0_i32_0 : i32, i32
  }
  func.func @transform_7(%arg0: i32) -> (i32, i32) {
    %c0_i32 = arith.constant 0 : i32
    %c0_i32_0 = arith.constant 0 : i32
    return %arg0, %c0_i32 : i32, i32
  }
  func.func @transform_8(%arg0: i32) -> (i32, i32) {
    %c0_i32 = arith.constant 0 : i32
    %c0_i32_0 = arith.constant 0 : i32
    return %arg0, %c0_i32 : i32, i32
  }
  func.func @transform_9(%arg0: i32) -> (i32, i32) {
    %c0_i32 = arith.constant 0 : i32
    %c0_i32_0 = arith.constant 0 : i32
    return %arg0, %c0_i32 : i32, i32
  }
}

module attributes {stable_mosaic.version = 14 : i64} {
  func.func @_k3_body(%arg0: i32, %arg1: memref<1x2000x128xf32, #tpu.memory_space<vmem>>, %arg2: memref<1x2000x128xf32, #tpu.memory_space<vmem>>, %arg3: memref<1x2000x8xf32, #tpu.memory_space<vmem>>, %arg4: memref<1x2000x8xf32, #tpu.memory_space<vmem>>, %arg5: memref<2000x128xf32, #tpu.memory_space<vmem>>, %arg6: memref<2000x384xf32, #tpu.memory_space<vmem>>, %arg7: memref<384x128xf32, #tpu.memory_space<vmem>>, %arg8: memref<1x384xf32, #tpu.memory_space<vmem>>, %arg9: memref<2000x128xf32, #tpu.memory_space<vmem>>) attributes {dimension_semantics = [#tpu.dimension_semantics<arbitrary>], iteration_bounds = array<i64: 5>, scalar_prefetch = 0 : i64, scratch_operands = 0 : i64, tpu.core_type = #tpu.core_type<tc>, window_params = [{transform_indices = @transform_0, window_bounds = array<i64: 1, 2000, 128>}, {transform_indices = @transform_1, window_bounds = array<i64: 1, 2000, 128>}, {transform_indices = @transform_2, window_bounds = array<i64: 1, 2000, 8>}, {transform_indices = @transform_3, window_bounds = array<i64: 1, 2000, 8>}, {transform_indices = @transform_4, window_bounds = array<i64: 2000, 128>}, {transform_indices = @transform_5, window_bounds = array<i64: 2000, 384>}, {pipeline_mode = #tpu.pipeline_mode<synchronous>, transform_indices = @transform_6, window_bounds = array<i64: 384, 128>}, {pipeline_mode = #tpu.pipeline_mode<synchronous>, transform_indices = @transform_7, window_bounds = array<i64: 1, 384>}, {transform_indices = @transform_8, window_bounds = array<i64: 2000, 128>}]} {
    %get3A = arith.constant 0 : index
    %get3A_0 = arith.constant 0 : index
    %get3A_1 = arith.constant 0 : index
    %get3A_2 = vector.load %arg1[%get3A, %get3A_0, %get3A_1] : memref<1x2000x128xf32, #tpu.memory_space<vmem>>, vector<1x2000x128xf32>
    %get3A_3 = vector.shape_cast %get3A_2 : vector<1x2000x128xf32> to vector<2000x128xf32>
    %get3A_4 = arith.constant 0 : index
    %get3A_5 = arith.constant 0 : index
    %get3A_6 = arith.constant 0 : index
    %get3A_7 = vector.load %arg2[%get3A_4, %get3A_5, %get3A_6] : memref<1x2000x128xf32, #tpu.memory_space<vmem>>, vector<1x2000x128xf32>
    %get3A_8 = vector.shape_cast %get3A_7 : vector<1x2000x128xf32> to vector<2000x128xf32>
    %add3A = arith.addf %get3A_3, %get3A_8 : vector<2000x128xf32>
    %get3A_9 = arith.constant 0 : index
    %get3A_10 = arith.constant 0 : index
    %get3A_11 = arith.constant 0 : index
    %get3A_12 = vector.load %arg3[%get3A_9, %get3A_10, %get3A_11] : memref<1x2000x8xf32, #tpu.memory_space<vmem>>, vector<1x2000x8xf32>
    %get3A_13 = vector.shape_cast %get3A_12 : vector<1x2000x8xf32> to vector<2000x8xf32>
    %slice3A = vector.extract_strided_slice %get3A_13 {offsets = [0, 0], sizes = [2000, 1], strides = [1, 1]} : vector<2000x8xf32> to vector<2000x1xf32>
    %get3A_14 = arith.constant 0 : index
    %get3A_15 = arith.constant 0 : index
    %get3A_16 = arith.constant 0 : index
    %get3A_17 = vector.load %arg4[%get3A_14, %get3A_15, %get3A_16] : memref<1x2000x8xf32, #tpu.memory_space<vmem>>, vector<1x2000x8xf32>
    %get3A_18 = vector.shape_cast %get3A_17 : vector<1x2000x8xf32> to vector<2000x8xf32>
    %slice3A_19 = vector.extract_strided_slice %get3A_18 {offsets = [0, 0], sizes = [2000, 1], strides = [1, 1]} : vector<2000x8xf32> to vector<2000x1xf32>
    %add3A_20 = arith.addf %slice3A, %slice3A_19 : vector<2000x1xf32>
    %add3A_21 = arith.constant 9.99999996E-13 : f32
    %add3A_22 = vector.broadcast %add3A_21 : f32 to vector<2000x1xf32>
    %add3A_23 = arith.addf %add3A_20, %add3A_22 : vector<2000x1xf32>
    %div3A = vector.broadcast %add3A_23 : vector<2000x1xf32> to vector<2000x128xf32>
    %div3A_24 = arith.divf %add3A, %div3A : vector<2000x128xf32>
    %gt3A = arith.constant 0.000000e+00 : f32
    %gt3A_25 = vector.broadcast %gt3A : f32 to vector<2000x128xf32>
    %gt3A_26 = arith.cmpf ogt, %div3A_24, %gt3A_25 : vector<2000x128xf32>
    %exp3A = math.exp %div3A_24 : vector<2000x128xf32>
    %sub3A = arith.constant 1.000000e+00 : f32
    %sub3A_27 = vector.broadcast %sub3A : f32 to vector<2000x128xf32>
    %sub3A_28 = arith.subf %exp3A, %sub3A_27 : vector<2000x128xf32>
    %select_n3A = arith.select %gt3A_26, %div3A_24, %sub3A_28 : vector<2000x128xi1>, vector<2000x128xf32>
    %get3A_29 = arith.constant 0 : index
    %get3A_30 = arith.constant 0 : index
    %get3A_31 = vector.load %arg7[%get3A_29, %get3A_30] : memref<384x128xf32, #tpu.memory_space<vmem>>, vector<384x128xf32>
    %dot_general3A = arith.constant dense<0.000000e+00> : vector<2000x384xf32>
    %dot_general3A_32 = tpu.matmul %select_n3A, %get3A_31, %dot_general3A {dimension_numbers = #tpu.dot_dimension_numbers<[1], [1], [0], [0], [0, 0, 1, 0], [], []>, transpose_lhs_hint = false} : vector<2000x128xf32>, vector<384x128xf32>, vector<2000x384xf32> -> vector<2000x384xf32>
    %get3A_33 = arith.constant 0 : index
    %get3A_34 = arith.constant 0 : index
    %get3A_35 = vector.load %arg8[%get3A_33, %get3A_34] : memref<1x384xf32, #tpu.memory_space<vmem>>, vector<1x384xf32>
    %add3A_36 = vector.broadcast %get3A_35 : vector<1x384xf32> to vector<2000x384xf32>
    %add3A_37 = arith.addf %dot_general3A_32, %add3A_36 : vector<2000x384xf32>
    %get3A_38 = arith.constant 0 : index
    %get3A_39 = arith.constant 0 : index
    %get3A_40 = vector.load %arg6[%get3A_38, %get3A_39] : memref<2000x384xf32, #tpu.memory_space<vmem>>, vector<2000x384xf32>
    %get3A_41 = arith.constant 0 : index
    %get3A_42 = arith.constant 0 : index
    %get3A_43 = vector.load %arg5[%get3A_41, %get3A_42] : memref<2000x128xf32, #tpu.memory_space<vmem>>, vector<2000x128xf32>
    %slice3A_44 = vector.extract_strided_slice %add3A_37 {offsets = [0, 0], sizes = [2000, 128], strides = [1, 1]} : vector<2000x384xf32> to vector<2000x128xf32>
    %slice3A_45 = vector.extract_strided_slice %get3A_40 {offsets = [0, 0], sizes = [2000, 128], strides = [1, 1]} : vector<2000x384xf32> to vector<2000x128xf32>
    %add3A_46 = arith.addf %slice3A_44, %slice3A_45 : vector<2000x128xf32>
    %logistic3A = arith.negf %add3A_46 : vector<2000x128xf32>
    %logistic3A_47 = math.exp %logistic3A : vector<2000x128xf32>
    %logistic3A_48 = arith.constant 1.000000e+00 : f32
    %logistic3A_49 = vector.broadcast %logistic3A_48 : f32 to vector<2000x128xf32>
    %logistic3A_50 = arith.addf %logistic3A_49, %logistic3A_47 : vector<2000x128xf32>
    %logistic3A_51 = arith.divf %logistic3A_49, %logistic3A_50 : vector<2000x128xf32>
    %slice3A_52 = vector.extract_strided_slice %add3A_37 {offsets = [0, 128], sizes = [2000, 128], strides = [1, 1]} : vector<2000x384xf32> to vector<2000x128xf32>
    %slice3A_53 = vector.extract_strided_slice %get3A_40 {offsets = [0, 128], sizes = [2000, 128], strides = [1, 1]} : vector<2000x384xf32> to vector<2000x128xf32>
    %add3A_54 = arith.addf %slice3A_52, %slice3A_53 : vector<2000x128xf32>
    %logistic3A_55 = arith.negf %add3A_54 : vector<2000x128xf32>
    %logistic3A_56 = math.exp %logistic3A_55 : vector<2000x128xf32>
    %logistic3A_57 = arith.constant 1.000000e+00 : f32
    %logistic3A_58 = vector.broadcast %logistic3A_57 : f32 to vector<2000x128xf32>
    %logistic3A_59 = arith.addf %logistic3A_58, %logistic3A_56 : vector<2000x128xf32>
    %logistic3A_60 = arith.divf %logistic3A_58, %logistic3A_59 : vector<2000x128xf32>
    %slice3A_61 = vector.extract_strided_slice %add3A_37 {offsets = [0, 256], sizes = [2000, 128], strides = [1, 1]} : vector<2000x384xf32> to vector<2000x128xf32>
    %slice3A_62 = vector.extract_strided_slice %get3A_40 {offsets = [0, 256], sizes = [2000, 128], strides = [1, 1]} : vector<2000x384xf32> to vector<2000x128xf32>
    %mul3A = arith.mulf %logistic3A_51, %slice3A_62 : vector<2000x128xf32>
    %add3A_63 = arith.addf %slice3A_61, %mul3A : vector<2000x128xf32>
    %tanh3A = math.tanh %add3A_63 : vector<2000x128xf32>
    %sub3A_64 = arith.constant 1.000000e+00 : f32
    %sub3A_65 = vector.broadcast %sub3A_64 : f32 to vector<2000x128xf32>
    %sub3A_66 = arith.subf %sub3A_65, %logistic3A_60 : vector<2000x128xf32>
    %mul3A_67 = arith.mulf %sub3A_66, %tanh3A : vector<2000x128xf32>
    %mul3A_68 = arith.mulf %logistic3A_60, %get3A_43 : vector<2000x128xf32>
    %add3A_69 = arith.addf %mul3A_67, %mul3A_68 : vector<2000x128xf32>
    %max3A = arith.constant 0.000000e+00 : f32
    %max3A_70 = vector.broadcast %max3A : f32 to vector<2000x128xf32>
    %max3A_71 = arith.maximumf %add3A_69, %max3A_70 : vector<2000x128xf32>
    %swap3A = arith.constant 0 : index
    %swap3A_72 = arith.constant 0 : index
    %swap3A_73 = vector.load %arg9[%swap3A, %swap3A_72] : memref<2000x128xf32, #tpu.memory_space<vmem>>, vector<2000x128xf32>
    tpu.vector_store %arg9[%swap3A, %swap3A_72], %max3A_71 {strides = array<i32>} : memref<2000x128xf32, #tpu.memory_space<vmem>>, vector<2000x128xf32>,
    return
  }
  func.func @transform_0(%arg0: i32) -> (i32, i32, i32) {
    %c0_i32 = arith.constant 0 : i32
    %c0_i32_0 = arith.constant 0 : i32
    %c0_i32_1 = arith.constant 0 : i32
    return %c0_i32, %arg0, %c0_i32_0 : i32, i32, i32
  }
  func.func @transform_1(%arg0: i32) -> (i32, i32, i32) {
    %c1_i32 = arith.constant 1 : i32
    %c0_i32 = arith.constant 0 : i32
    %c0_i32_0 = arith.constant 0 : i32
    return %c1_i32, %arg0, %c0_i32 : i32, i32, i32
  }
  func.func @transform_2(%arg0: i32) -> (i32, i32, i32) {
    %c0_i32 = arith.constant 0 : i32
    %c0_i32_0 = arith.constant 0 : i32
    %c0_i32_1 = arith.constant 0 : i32
    return %c0_i32, %arg0, %c0_i32_0 : i32, i32, i32
  }
  func.func @transform_3(%arg0: i32) -> (i32, i32, i32) {
    %c1_i32 = arith.constant 1 : i32
    %c0_i32 = arith.constant 0 : i32
    %c0_i32_0 = arith.constant 0 : i32
    return %c1_i32, %arg0, %c0_i32 : i32, i32, i32
  }
  func.func @transform_4(%arg0: i32) -> (i32, i32) {
    %c0_i32 = arith.constant 0 : i32
    %c0_i32_0 = arith.constant 0 : i32
    return %arg0, %c0_i32 : i32, i32
  }
  func.func @transform_5(%arg0: i32) -> (i32, i32) {
    %c0_i32 = arith.constant 0 : i32
    %c0_i32_0 = arith.constant 0 : i32
    return %arg0, %c0_i32 : i32, i32
  }
  func.func @transform_6(%arg0: i32) -> (i32, i32) {
    %c0_i32 = arith.constant 0 : i32
    %c0_i32_0 = arith.constant 0 : i32
    %c0_i32_1 = arith.constant 0 : i32
    return %c0_i32, %c0_i32_0 : i32, i32
  }
  func.func @transform_7(%arg0: i32) -> (i32, i32) {
    %c0_i32 = arith.constant 0 : i32
    %c0_i32_0 = arith.constant 0 : i32
    %c0_i32_1 = arith.constant 0 : i32
    return %c0_i32, %c0_i32_0 : i32, i32
  }
  func.func @transform_8(%arg0: i32) -> (i32, i32) {
    %c0_i32 = arith.constant 0 : i32
    %c0_i32_0 = arith.constant 0 : i32
    return %arg0, %c0_i32 : i32, i32
  }
}

</mosaic_0001>

<sc_bundles>
// kernel: kernel.5.cloned.1.call-start
scs
__scs_entry_jumppad:
0x0: {  	(pc) =	sbr.rel $0x88, $3  }
0x1: {  	(tag) =	ssettag $0x0;
	lr =	simm.s32 $0x1  }
0x2: {  	[smem:$0x3F97] =	sst lr;
	_ =	strace $0xD0000000  }
0x3: {  	_ = 	snop  }
0x4: {  	_ = 	snop  }
0x5: {  	_ = 	snop  }
0x6: {  	_ = 	snop  }
0x7: {  	_ = 	snop  }
__scs_overlays_trampoline_lowered:
0x8: {  	[smem:$0x3FA6] =	sst s0  }
0x9: {  	[smem:$0x3FA7] =	sst s1  }
0xa: {  	[smem:$0x3FA8] =	sst s2  }
0xb: {  	[smem:$0x3FA9] =	sst s3  }
0xc: {  	[smem:$0x3FAA] =	sst s4  }
0xd: {  	[smem:$0x3FAB] =	sst s5  }
0xe: {  	[smem:$0x3FAC] =	sst s6  }
0xf: {  	[smem:$0x3FAD] =	sst s7  }
0x10: {  	[smem:$0x3FAE] =	sst s8  }
0x11: {  	[smem:$0x3FAF] =	sst s9;
	s0 =	simm.s32 @!p0 $0x0  }
0x12: {  	s1 =	sld [smem:$0x3F95];
	s0 =	simm.s32 @p0 $0x1  }
0x13: {  	[smem:$0x3FB0] =	sst s0;
	s0 =	simm.s32 @!p1 $0x0  }
0x14: {  	s2 =	sld [smem:$0x3F94];
	s0 =	simm.s32 @p1 $0x1  }
0x15: {  	[smem:$0x3FB1] =	sst s0;
	s0 =	simm.s32 @!p2 $0x0  }
0x16: {  	s3 =	sld [smem:$0x3FDB];
	s0 =	simm.s32 @p2 $0x1  }
0x17: {  	s4 =	simm.s32 $0x1BF5;
	[smem:$0x3FB3] =	sst s0  }
0x18: {  	s0 =	sld [smem:$0x3F96];
	_ =	swait.ge [sflag:s4], $0x0  }
0x19: {  	s7 =	sld [smem:$0x3F97]  }
0x1a: {  	s8 =	sadd.s32 $0xFFFFE003, lr  }
0x1b: {  	s9 =	sadd.s32 $0xFFFFFEF7, lr;
	s5 =	simm.s32 $0xFFFFFFFF;
	p2 =	slt.u32 s8, $0xFFFFF086  }
0x1c: {  	p1 =	slt.u32 s9, $0xF7A;
	s5 =	simm.s32 @!p2 $0x0  }
0x1d: {  	s5 =	simm.s32 @p1 $0x1;
	p0 =	seq.s32 s7, s2  }
0x1e: {  	s7 =	smul.u32 @!p0 $0xF7A, s2;
	p2 =	seq.s32 @!p0 s5, $0x0  }
0x1f: {  	s9 =	smul.u32 $0xF7A, s1;
	s8 =	simm.s32 @!p0 $0x1BF5;
	p2 =	por !p2, p0  }
0x20: {  	[sflag:s8] =	ssyncset.s32 @!p0 $0xFFFFF086;
	s6 =	sadd.s32 @!p0 s3, s7;
	s7 =	simm.s32 @!p0 $0x108  }
0x21: {  	s3 =	sadd.s32 s3, s9;
	s6 =	sadd.s32 @!p0 $0x88, s6;
	s7 =	simm.s32 @p2 $0x1082  }
0x22: {  	[simem:s7], [sflag:s8] =	dma.local @!p0 [hbm:s6], $0xF7A  }
0x23: {  	s9 =	sor.u32 $0xD0000000, s2;
	s6 =	simm.s32 $0x108;
	_ =	swait.ge @!p0 [sflag:s8], $0x0  }
0x24: {  	s3 =	sadd.s32 $0x88, s3;
	s6 =	simm.s32 @!p1 $0x1082;
	[sflag:s4] =	ssyncset.s32 $0xFFFFF086  }
0x25: {  	[simem:s6], [sflag:s4] =	dma.local [hbm:s3], $0xF7A  }
0x26: {  	[smem:$0x3F97] =	sst s1;
	(tag) =	ssettag s2;
	_ =	strace s9  }
0x27: {  	s1 =	sld [smem:$0x3FA7]  }
0x28: {  	s2 =	sld [smem:$0x3FA8]  }
0x29: {  	s4 =	sld [smem:$0x3FAA]  }
0x2a: {  	p0 =	seq.s32 s5, $0x0;
	s5 =	sld [smem:$0x3FAB]  }
0x2b: {  	s6 =	sld [smem:$0x3FAC]  }
0x2c: {  	s7 =	sld [smem:$0x3FAD]  }
0x2d: {  	s3 =	simm.s32 $0x108;
	s8 =	sld [smem:$0x3FAE]  }
0x2e: {  	s3 =	simm.s32 @!p0 $0x1082;
	s9 =	sld [smem:$0x3FAF]  }
0x2f: {  	lr =	sadd.s32 s0, s3;
	s0 =	sld [smem:$0x3FA6]  }
0x30: {  	s3 =	sld [smem:$0x3FA9]  }
0x31: {  	[smem:$0x3FB2] =	sst s10  }
0x32: {  	s10 =	sld [smem:$0x3FB0];
	_ =	sdelay $0x3  }
0x33: {  	p0 =	seq.s32 s10, $0x1;
	s10 =	sld [smem:$0x3FB2];
	_ =	sdelay $0x3  }
0x34: {  	[smem:$0x3FB2] =	sst s10  }
0x35: {  	s10 =	sld [smem:$0x3FB1];
	_ =	sdelay $0x3  }
0x36: {  	p1 =	seq.s32 s10, $0x1;
	s10 =	sld [smem:$0x3FB2];
	_ =	sdelay $0x3  }
0x37: {  	[smem:$0x3FB2] =	sst s10  }
0x38: {  	s10 =	sld [smem:$0x3FB3]  }
0x39: {  	_ = 	snop;
	(pc) =	sbr.ind lr, $3  }
0x3a: {  	_ = 	snop  }
0x3b: {  	_ = 	snop  }
0x3c: {  	p2 =	seq.s32 s10, $0x1;
	s10 =	sld [smem:$0x3FB2]  }
0x3d: {  	_ =	shalt  }
0x3e: {  	_ =	shalt  }
0x3f: {  	_ =	shalt  }
0x40: {  	_ =	shalt  }
0x41: {  	_ =	shalt  }
0x42: {  	_ =	shalt  }
0x43: {  	_ =	shalt  }
0x44: {  	_ =	shalt  }
0x45: {  	_ =	shalt  }
0x46: {  	_ =	shalt  }
0x47: {  	_ =	shalt  }
0x48: {  	_ =	shalt  }
0x49: {  	_ =	shalt  }
0x4a: {  	_ =	shalt  }
0x4b: {  	_ =	shalt  }
0x4c: {  	_ =	shalt  }
0x4d: {  	_ =	shalt  }
0x4e: {  	_ =	shalt  }
0x4f: {  	_ =	shalt  }
0x50: {  	_ =	shalt  }
0x51: {  	_ =	shalt  }
0x52: {  	_ =	shalt  }
0x53: {  	_ =	shalt  }
0x54: {  	_ =	shalt  }
0x55: {  	_ =	shalt  }
0x56: {  	_ =	shalt  }
0x57: {  	_ =	shalt  }
0x58: {  	_ =	shalt  }
0x59: {  	_ =	shalt  }
0x5a: {  	_ =	shalt  }
0x5b: {  	_ =	shalt  }
0x5c: {  	_ =	shalt  }
0x5d: {  	_ =	shalt  }
0x5e: {  	_ =	shalt  }
0x5f: {  	_ =	shalt  }
0x60: {  	_ =	shalt  }
0x61: {  	_ =	shalt  }
0x62: {  	_ =	shalt  }
0x63: {  	_ =	shalt  }
0x64: {  	_ =	shalt  }
0x65: {  	_ =	shalt  }
0x66: {  	_ =	shalt  }
0x67: {  	_ =	shalt  }
0x68: {  	_ =	shalt  }
0x69: {  	_ =	shalt  }
0x6a: {  	_ =	shalt  }
0x6b: {  	_ =	shalt  }
0x6c: {  	_ =	shalt  }
0x6d: {  	_ =	shalt  }
0x6e: {  	_ =	shalt  }
0x6f: {  	_ =	shalt  }
0x70: {  	_ =	shalt  }
0x71: {  	_ =	shalt  }
0x72: {  	_ =	shalt  }
0x73: {  	_ =	shalt  }
0x74: {  	_ =	shalt  }
0x75: {  	_ =	shalt  }
0x76: {  	_ =	shalt  }
0x77: {  	_ =	shalt  }
0x78: {  	_ =	shalt  }
0x79: {  	_ =	shalt  }
0x7a: {  	_ =	shalt  }
0x7b: {  	_ =	shalt  }
0x7c: {  	_ =	shalt  }
0x7d: {  	_ =	shalt  }
0x7e: {  	_ =	shalt  }
0x7f: {  	_ =	shalt  }
0x80: {  	_ =	shalt  }
0x81: {  	_ =	shalt  }
0x82: {  	_ =	shalt  }
0x83: {  	_ =	shalt  }
0x84: {  	_ =	shalt  }
0x85: {  	_ =	shalt  }
0x86: {  	_ =	shalt  }
0x87: {  	_ =	shalt  }
.Lfunc_end0:
.L_simem_size_0:
called_computation_lowered:
.L_overlay_start_0:
0x88: {  	s2 =	sld [smem:$0x3FD9]  }
0x89: {  	s3 =	sld [smem:$0x3FFE];
	_ =	sdelay $0x1  }
0x8a: {  	s1 =	srdreg.scid  }
0x8b: {  	s0 =	sand.u32 $0x1, s1  }
0x8c: {  	s17 =	sshll.u32 s0, $0xA;
	s2 =	sadd.s32 s3, s2  }
0x8d: {  	s2 =	sadd.s32 s2, s17  }
0x8e: {  	[smem:$0x3FBE] =	sst s2  }
0x8f: {  	_ = 	snop  }
0x90: {  	s2 =	sld [smem:$0x3FD0];
	(tm) =	ssettm $0x1  }
0x91: {  	s18 =	sld [smem:$0x3FFB];
	_ =	sdelay $0x3  }
0x92: {  	_ =	strace s18  }
0x93: {  	s3 =	sld [smem:$0x3FFC];
	_ =	sdelay $0x3  }
0x94: {  	_ =	strace s3  }
0x95: {  	s3 =	sld [smem:$0x3FFD];
	_ =	sdelay $0x3  }
0x96: {  	_ =	strace s3  }
0x97: {  	_ =	strace $0x8FFFFFFF  }
0x98: {  	s19 =	sld [smem:$0x3FDB];
	_ =	sdelay $0x1  }
0x99: {  	s4 =	simm.s32 $_scs_section_size  }
0x9a: {  	s5 =	simm.s32 $_size__tile_overlayer_lowered;
	s6 =	simm.s32 $_tile_overlayer_lowered  }
0x9b: {  	s22 =	simm.s32 $0x1BFF;
	s21 =	sshll.u32 s6, $0x1;
	s3 =	sadd.s32 s4, s19  }
0x9c: {  	s7 =	simm.s32 $0x0;
	s20 =	sshll.u32 s5, $0x1;
	s5 =	sadd.s32 s21, s3  }
0x9d: {  	[timem:s7], [sflag:s22] =	dma.local [hbm:s5], s20  }
0x9e: {  	_ =	swait.ge [sflag:s22], s20  }
0x9f: {  	s4 =	ssub.s32 $0x0, s20;
	[sflag:s22] =	ssyncset.done $0x0  }
0xa0: {  	[sflag:s22] =	ssyncadd.s32 s4;
	_ =	sdelay $0x1  }
0xa1: {  	s23 =	simm.s32 $0x1B8B  }
0xa2: {  	_ =	swait.ge [sflag:s23], $0x1  }
0xa3: {  	[sflag:s23] =	ssyncset.done $0x0  }
0xa4: {  	s25 =	simm.s32 $0x1B8E;
	s24 =	sld [smem:$0x3FFE];
	[sflag:s23] =	ssyncadd.s32 $0xFFFFFFFF  }
0xa5: {  	s26 =	simm.s32 $execute0_lowered;
	[smem:$0x3FD2] =	sst s25  }
0xa6: {  	s5 =	sshll.u32 s26, $0x1;
	_ =	strace $0x80000046;
	[dreg:$0x1] =	wrdreg $0xFFFFFFFF  }
0xa7: {  	s28 =	simm.s32 $_size_execute0_lowered;
	s3 =	sadd.s32 s3, s5;
	[dreg:$0x0] =	wrdreg $0x0  }
0xa8: {  	s5 =	sshll.u32 s28, $0x1;
	[dreg:$0x2] =	wrdreg s3  }
0xa9: {  	[dreg:$0x3] =	wrdreg s5  }
0xaa: {  	[dreg:$0x4] =	wrdreg $0xC0  }
0xab: {  	_ =	task [dreg:s7], $0x5FFFF  }
0xac: {  	[dreg:$0x1] =	wrdreg $0xFFFFFFFF  }
0xad: {  	[dreg:$0x0] =	wrdreg $0x60  }
0xae: {  	[dreg:$0x2] =	wrdreg s24  }
0xaf: {  	[dreg:$0x3] =	wrdreg s2  }
0xb0: {  	[dreg:$0x4] =	wrdreg $0x7F800  }
0xb1: {  	[dreg:$0x5] =	wrdreg $0x1BF800  }
0xb2: {  	[dreg:$0x6] =	wrdreg $0x9  }
0xb3: {  	_ =	task.clear_ibuf [dreg:s7], $0x7FFFF;
	_ =	strace $0x90000046  }
0xb4: {  	s29 =	simm.s32 $0x9;
	_ =	strace $0x80000048  }
0xb5: {  	_ =	swait.ge [sflag:s29], $0x1  }
0xb6: {  	[sflag:s29] =	ssyncadd.s32 $0xFFFFFFFF  }
0xb7: {  	_ =	strace $0x90000048  }
0xb8: {  	_ =	sfence  }
0xb9: {  	s30 =	sld [smem:$0x0];
	_ =	sdelay $0x2  }
0xba: {  	s31 =	sshll.u32 s1, $0xD;
	s1 =	sshrl.u32 s1, $0x2  }
0xbb: {  	s3 =	sand.u32 $0x4000, s31;
	s1 =	sadd.s32 s1, s30  }
0xbc: {  	s0 =	sor.u32 s3, s0;
	s1 =	sshll.u32 s1, $0x11  }
0xbd: {  	s0 =	sor.u32 s1, s0  }
0xbe: {  	s0 =	sadd.s32 $0x8F2B, s0  }
0xbf: {  	[sflag:s0] =	ssyncadd.remote.s32 $0x1  }
0xc0: {  	_ =	sfence.sel $0xFFFF  }
0xc1: {  	[dreg:$0x0] =	wrdreg $0xFFFFFFFF;
	(pc) =	sbr.abs _section_cstart, $3  }
0xc2: {  	[dreg:$0x1] =	wrdreg $0xFFFFFFFF  }
0xc3: {  	_ =	task.clear_ibuf [dreg:s7], $0x2FFFF;
	_ =	strace $0x9FFFFFFF  }
0xc4: {  	(tm) =	ssettm $0x7FFFFFFF  }
0xc5: {  	_ =	shalt  }
tec
execute0_lowered:
.L_overlay_start_1:
0x0: {  	(tag) =	ssettag $0x1  }
0x1: {  	s0 =	rddreg [dreg:$0x0]  }
0x2: {  	s1 =	rddreg [dreg:$0x1]  }
0x3: {  	s2 =	rddreg [dreg:$0x2]  }
0x4: {  	s3 =	rddreg [dreg:$0x3];
	s5 =	simm.s32 $0x0;
	s26 =	stileid.u32  }
0x5: {  	s4 =	srdreg.scid;
	s29 =	simm.s32 $0x780;
	s9 =	smul.u32 $0x14000, s26  }
0x6: {  	s31 =	simm.s32 $0x1C200;
	s28 =	simm.s32 $0x600;
	s11 =	smul.u32 $0x50000, s26  }
0x7: {  	[smem:$0x7FF] =	sst s5;
	s4 =	sand.u32 $0x1, s4;
	s15 =	smul.u32 $0xA00, s26  }
0x8: {  	s6 =	sadd.s32 $0x1400, s0;
	s7 =	sadd.s32 $0x8A800, s0;
	s8 =	smul.u32 $0x140000, s4  }
0x9: {  	_ =	strace $0x80000047;
	s10 =	sshll.u32 s4, $0x4;
	s4 =	ssub.s32 $0x2, s4  }
0xa: {  	s10 =	sor.u32 s26, s10;
	s11 =	sshrl.u32 s11, $0x2;
	s30 =	sshrl.u32 s4, $0x1  }
0xb: {  	s9 =	sadd.s32 s9, s8;
	s8 =	sadd.s32 $0x8A200, s0;
	s12 =	smul.u32 $0x280, s10  }
0xc: {  	s13 =	sadd.s32 s11, s2;
	s4 =	ssub.s32 s4, s30;
	s10 =	smul.u32 $0x2710, s10  }
0xd: {  	s9 =	sshrl.u32 s9, $0x3;
	s11 =	sadd.s32 $0x2800, s13;
	[dreg:$0x5] =	wrdreg s13  }
0xe: {  	s14 =	sadd.s32 $0x7800, s13;
	s16 =	sadd.s32 $0xA000, s13;
	[dreg:$0x6] =	wrdreg s11  }
0xf: {  	s17 =	sadd.s32 $0xC800, s13;
	s19 =	sadd.s32 $0xF000, s13;
	[dreg:$0x8] =	wrdreg s14  }
0x10: {  	s22 =	sadd.s32 $0x11800, s13;
	s25 =	smax.u32 s4, $0x1;
	[dreg:$0x9] =	wrdreg s16  }
0x11: {  	s4 =	simm.s32 $0x1;
	s9 =	sadd.s32 s9, s0;
	[dreg:$0xa] =	wrdreg s17  }
0x12: {  	s0 =	sadd.s32 s12, s0;
	s12 =	sadd.s32 $0x5000, s13;
	[dreg:$0xb] =	wrdreg s19  }
0x13: {  	s18 =	sshrl.u32 s10, $0x3;
	s11 =	sshrl.u32 s15, $0x2;
	[dreg:$0xd] =	wrdreg s22  }
0x14: {  	s24 =	sadd.s32 $0xA0, s10;
	s21 =	sadd.s32 $0xF0, s10;
	s10 =	sadd.s32 $0x140, s10  }
0x15: {  	[dreg:$0x14] =	wrdreg s25;
	s13 =	simm.s32 $0x100;
	s14 =	simm.s32 $0x180  }
0x16: {  	s17 =	simm.s32 $0x280;
	s19 =	simm.s32 $0x2;
	[dreg:$0x7] =	wrdreg s12  }
0x17: {  	s16 =	simm.s32 $0x5;
	s15 =	simm.s32 $0x9;
	[dreg:$0x10] =	wrdreg s24  }
0x18: {  	s22 =	simm.s32 $0x0;
	s11 =	sadd.s32 s11, s3;
	[dreg:$0x11] =	wrdreg s10  }
0x19: {  	s20 =	sadd.s32 s6, s18;
	s9 =	sadd.s32 $0x8FE00, s9;
	[dreg:$0xe] =	wrdreg s11  }
0x1a: {  	s0 =	sadd.s32 $0x8AE00, s0;
	s10 =	simm.s32 $0x50;
	[dreg:$0x12] =	wrdreg s9  }
0x1b: {  	s18 =	simm.s32 $0x680;
	s12 =	simm.s32 $0x700;
	[dreg:$0x13] =	wrdreg s0  }
0x1c: {  	s23 =	sadd.s32 $0x9C40, s20;
	s26 =	sadd.s32 $0xA, s20;
	[dreg:$0xc] =	wrdreg s20  }
0x1d: {  	s30 =	sadd.s32 $0x9C4A, s20;
	s0 =	simm.s32 $0x80;
	[dreg:$0xf] =	wrdreg s23  }
0x1e: {  	v1 =	vlaneseq.u32;
	s9 =	simm.s32 $0x8;
	s11 =	simm.s32 $0x6;
	[dreg:$0x15] =	wrdreg s26  }
0x1f: {  	v0 =	vimm.f32 $0.0e+00;
	v1 =	vshrl.u32 v1, $0x3;
	[dreg:$0x16] =	wrdreg s30;
	s23 =	simm.s32 $0x2F80;
	s26 =	simm.s32 $0x4  }
.LBB2_1:
0x20: {  	[dreg:$0x17] =	wrdreg s22;
	s24 =	simm.s32 $0x0;
	s25 =	simm.s32 $0x200  }
.LBB2_2:
0x21: {  	p0 =	sne.s32 s25, $0x9E00;
	[tilespmem:s24+$0x7F0] =	vst v0  }
0x22: {  	[tilespmem:s24+$0x780] =	vst v0  }
0x23: {  	[tilespmem:s24+$0x790] =	vst v0  }
.Ltmp0:
0x24: {  	[tilespmem:s24+$0x7A0] =	vst v0;
	(pc) =	sbr.rel @p0 .LBB2_2-.Ltmp0, $4  }
0x25: {  	[tilespmem:s24+$0x7B0] =	vst v0  }
0x26: {  	[tilespmem:s24+$0x7C0] =	vst v0  }
0x27: {  	[tilespmem:s24+$0x7D0] =	vst v0  }
0x28: {  	[tilespmem:s24+$0x7E0] =	vst v0;
	s24 =	sshra.s32 s25, $0x2;
	s25 =	sadd.s32 $0x200, s25  }
0x29: {  	[tilespmem:s24+$0x7F0] =	vst v0  }
0x2a: {  	[tilespmem:s24+$0x780] =	vst v0  }
0x2b: {  	[tilespmem:s24+$0x790] =	vst v0  }
0x2c: {  	[tilespmem:s24+$0x7A0] =	vst v0  }
0x2d: {  	[tilespmem:s24+$0x7B0] =	vst v0  }
0x2e: {  	[tilespmem:s24+$0x7C0] =	vst v0  }
0x2f: {  	[tilespmem:s24+$0x7D0] =	vst v0  }
0x30: {  	[tilespmem:s24+$0x7E0] =	vst v0  }
0x31: {  	[tilespmem:$0x1C200] =	vst v0  }
0x32: {  	[tilespmem:$0x1C210] =	vst v0  }
0x33: {  	[tilespmem:$0x1C220] =	vst v0  }
0x34: {  	[tilespmem:$0x1C230] =	vst v0  }
0x35: {  	[tilespmem:$0x1C240] =	vst v0  }
0x36: {  	[tilespmem:$0x1C250] =	vst v0  }
0x37: {  	[tilespmem:$0x1C260] =	vst v0  }
0x38: {  	[tilespmem:$0x1C270] =	vst v0  }
0x39: {  	[tilespmem:$0x1C280] =	vst v0  }
0x3a: {  	[tilespmem:$0x1C290] =	vst v0  }
0x3b: {  	[tilespmem:$0x1C2A0] =	vst v0  }
0x3c: {  	[tilespmem:$0x1C2B0] =	vst v0  }
0x3d: {  	[tilespmem:$0x1C2C0] =	vst v0  }
0x3e: {  	[tilespmem:$0x1C2D0] =	vst v0  }
0x3f: {  	[tilespmem:$0x1C2E0] =	vst v0  }
0x40: {  	[tilespmem:$0x1C2F0] =	vst v0  }
0x41: {  	[tilespmem:$0x1C300] =	vst v0  }
0x42: {  	[tilespmem:$0x1C310] =	vst v0  }
0x43: {  	[tilespmem:$0x1C320] =	vst v0  }
0x44: {  	[tilespmem:$0x1C330] =	vst v0  }
0x45: {  	[tilespmem:$0x1C340] =	vst v0  }
0x46: {  	[tilespmem:$0x1C350] =	vst v0  }
0x47: {  	[tilespmem:$0x1C360] =	vst v0  }
0x48: {  	[tilespmem:$0x1C370] =	vst v0  }
0x49: {  	[tilespmem:$0x1C380] =	vst v0  }
0x4a: {  	[tilespmem:$0x1C390] =	vst v0  }
0x4b: {  	[tilespmem:$0x1C3A0] =	vst v0  }
0x4c: {  	[tilespmem:$0x1C3B0] =	vst v0  }
0x4d: {  	[tilespmem:$0x1C3C0] =	vst v0  }
0x4e: {  	[tilespmem:$0x1C3D0] =	vst v0  }
0x4f: {  	[tilespmem:$0x1C3E0] =	vst v0  }
0x50: {  	[tilespmem:$0x1C3F0] =	vst v0  }
0x51: {  	[tilespmem:$0x1C400] =	vst v0  }
0x52: {  	[tilespmem:$0x1C410] =	vst v0  }
0x53: {  	[tilespmem:$0x1C420] =	vst v0  }
0x54: {  	[tilespmem:$0x1C430] =	vst v0  }
0x55: {  	[tilespmem:$0x1C440] =	vst v0  }
0x56: {  	[tilespmem:$0x1C450] =	vst v0  }
0x57: {  	[tilespmem:$0x1C460] =	vst v0  }
0x58: {  	s5 =	rddreg [dreg:$0x5];
	s20 =	simm.s32 $0xA;
	[tilespmem:$0x1C470] =	vst v0  }
0x59: {  	[spmem:s5] =	stream.linear.scatter [tilespmem:s29], [sflag:$0xA], $0x2800, $0x38;
	[tilespmem:$0x1D880] =	vst v63  }
0x5a: {  	_ =	swait.ge [sflag:s20], $0x2800  }
0x5b: {  	[sflag:s20] =	ssyncset.done $0x0  }
0x5c: {  	s25 =	rddreg [dreg:$0x6];
	[sflag:s20] =	ssyncadd.s32 $0xFFFFD800  }
0x5d: {  	[spmem:s25] =	stream.linear.scatter [tilespmem:s29], [sflag:$0xA], $0x2800, $0x38;
	[tilespmem:$0x1D880] =	vst v63  }
0x5e: {  	_ =	swait.ge [sflag:s20], $0x2800  }
0x5f: {  	[sflag:s20] =	ssyncset.done $0x0  }
0x60: {  	s30 =	rddreg [dreg:$0x7];
	[sflag:s20] =	ssyncadd.s32 $0xFFFFD800  }
0x61: {  	[spmem:s30] =	stream.linear.scatter [tilespmem:s29], [sflag:$0xA], $0x2800, $0x38;
	[tilespmem:$0x1D880] =	vst v63  }
0x62: {  	_ =	swait.ge [sflag:s20], $0x2800  }
0x63: {  	[sflag:s20] =	ssyncset.done $0x0  }
0x64: {  	s22 =	rddreg [dreg:$0x8];
	[sflag:s20] =	ssyncadd.s32 $0xFFFFD800  }
0x65: {  	[spmem:s22] =	stream.linear.scatter [tilespmem:s29], [sflag:$0xA], $0x2800, $0x38;
	[tilespmem:$0x1D880] =	vst v63  }
0x66: {  	_ =	swait.ge [sflag:s20], $0x2800  }
0x67: {  	[sflag:s20] =	ssyncset.done $0x0  }
0x68: {  	s24 =	rddreg [dreg:$0x9];
	[sflag:s20] =	ssyncadd.s32 $0xFFFFD800  }
0x69: {  	[spmem:s24] =	stream.linear.scatter [tilespmem:s29], [sflag:$0xA], $0x2800, $0x38;
	[tilespmem:$0x1D880] =	vst v63  }
0x6a: {  	_ =	swait.ge [sflag:s20], $0x2800  }
0x6b: {  	[sflag:s20] =	ssyncset.done $0x0  }
0x6c: {  	s25 =	rddreg [dreg:$0xa];
	[sflag:s20] =	ssyncadd.s32 $0xFFFFD800  }
0x6d: {  	[spmem:s25] =	stream.linear.scatter [tilespmem:s29], [sflag:$0xA], $0x2800, $0x38;
	[tilespmem:$0x1D880] =	vst v63  }
0x6e: {  	_ =	swait.ge [sflag:s20], $0x2800  }
0x6f: {  	[sflag:s20] =	ssyncset.done $0x0  }
0x70: {  	s30 =	rddreg [dreg:$0xb];
	[sflag:s20] =	ssyncadd.s32 $0xFFFFD800  }
0x71: {  	[spmem:s30] =	stream.linear.scatter [tilespmem:s29], [sflag:$0xA], $0x2800, $0x38;
	[tilespmem:$0x1D880] =	vst v63  }
0x72: {  	_ =	swait.ge [sflag:s20], $0x2800  }
0x73: {  	[sflag:s20] =	ssyncset.done $0x0  }
0x74: {  	s22 =	rddreg [dreg:$0xd];
	[sflag:s20] =	ssyncadd.s32 $0xFFFFD800  }
0x75: {  	[spmem:s22] =	stream.linear.scatter [tilespmem:s29], [sflag:$0xA], $0x2800, $0x38;
	[tilespmem:$0x1D880] =	vst v63  }
0x76: {  	_ =	swait.ge [sflag:s20], $0x2800  }
0x77: {  	[sflag:s20] =	ssyncset.done $0x0  }
0x78: {  	s24 =	rddreg [dreg:$0xe];
	[sflag:s20] =	ssyncadd.s32 $0xFFFFD800  }
0x79: {  	[spmem:s24] =	stream.linear.scatter [tilespmem:s31], [sflag:$0xA], $0x280, $0x38;
	[tilespmem:$0x1D880] =	vst v63  }
0x7a: {  	_ =	swait.ge [sflag:s20], $0x280  }
0x7b: {  	[sflag:s20] =	ssyncset.done $0x0  }
0x7c: {  	[sflag:s20] =	ssyncadd.s32 $0xFFFFFD80  }
0x7d: {  	[bflag:$0x0] =	sbarrier.arrive $0xFFFF  }
0x7e: {  	s24 =	simm.s32 $0x0;
	s25 =	rddreg [dreg:$0xc]  }
0x7f: {  	[tilespmem:s24], [sflag:$0x1] =	stream.linear.gather [hbm4b:s25+s24], $0x50, $0x38;
	[tilespmem:$0x1D880] =	vst v63  }
0x80: {  	s30 =	rddreg [dreg:$0xf]  }
0x81: {  	[tilespmem:s0], [sflag:$0x1] =	stream.linear.gather [hbm4b:s30+s24], $0x50, $0x38;
	[tilespmem:$0x1D880] =	vst v63  }
0x82: {  	_ =	swait.ge [sflag:s4], $0x50  }
0x83: {  	[sflag:s4] =	ssyncset.done $0x0  }
0x84: {  	[sflag:s4] =	ssyncadd.s32 $0xFFFFFFB0  }
0x85: {  	_ =	swait.ge [sflag:s4], $0x50  }
0x86: {  	[sflag:s4] =	ssyncset.done $0x0  }
0x87: {  	[sflag:s4] =	ssyncadd.s32 $0xFFFFFFB0  }
0x88: {  	[tilespmem:s29], [sflag:$0x4] =	stream.indirect.gather [hbm4b:s1+s10], $0x80, s24, s10, $0xb8;
	[tilespmem:$0x1D880] =	vst v63  }
0x89: {  	s20 =	simm.s32 $0x300  }
0x8a: {  	[tilespmem:s20], [sflag:$0x4] =	stream.indirect.gather [hbm4b:s7+s10], $0x1, s0, s10, $0xb8;
	[tilespmem:$0x1D880] =	vst v63  }
0x8b: {  	s22 =	simm.s32 $0x480  }
0x8c: {  	[tilespmem:s22], [sflag:$0x4] =	stream.indirect.gather [hbm4b:s8+s10], $0x1, s24, s10, $0xb8;
	[tilespmem:$0x1D880] =	vst v63  }
0x8d: {  	s25 =	rddreg [dreg:$0x15]  }
0x8e: {  	[tilespmem:s13], [sflag:$0x2] =	stream.linear.gather [hbm4b:s25+s24], $0x50, $0x38;
	[tilespmem:$0x1D880] =	vst v63  }
0x8f: {  	s30 =	rddreg [dreg:$0x16]  }
0x90: {  	[tilespmem:s14], [sflag:$0x2] =	stream.linear.gather [hbm4b:s30+s24], $0x50, $0x38;
	[tilespmem:$0x1D880] =	vst v63  }
.LBB2_4:
0x91: {  	p0 =	seq.s32 s24, $0x0  }
.Ltmp1:
0x92: {  	_ = 	snop;
	(pc) =	sbr.rel @p0 .LBB2_7-.Ltmp1, $1  }
0x93: {  	_ =	sdelay $0x3  }
0x94: {  	p0 =	seq.s32 s24, $0x29  }
.Ltmp2:
0x95: {  	_ = 	snop;
	(pc) =	sbr.rel @p0 .LBB2_8-.Ltmp2, $1  }
0x96: {  	_ =	sdelay $0x3  }
0x97: {  	_ =	swait.ge [sflag:s15], $0x50  }
0x98: {  	[sflag:s15] =	ssyncset.done $0x0  }
0x99: {  	[sflag:s15] =	ssyncadd.s32 $0xFFFFFFB0  }
0x9a: {  	_ =	swait.ge [sflag:s15], $0x2800  }
0x9b: {  	[sflag:s15] =	ssyncset.done $0x0  }
0x9c: {  	[sflag:s15] =	ssyncadd.s32 $0xFFFFD800  }
.LBB2_7:
0x9d: {  	s20 =	smul.u32 $0xF0, s24  }
0x9e: {  	s5 =	rddreg [dreg:$0x10]  }
0x9f: {  	s20 =	sadd.s32 s20, s5  }
0xa0: {  	s20 =	sshrl.u32 s20, $0x3  }
0xa1: {  	s30 =	simm.s32 $0x0;
	s22 =	simm.s32 $0x200;
	s20 =	sadd.s32 s6, s20  }
0xa2: {  	[tilespmem:s22], [sflag:$0x3] =	stream.linear.gather [hbm4b:s20+s30], $0x50, $0x38;
	[tilespmem:$0x1D880] =	vst v63  }
0xa3: {  	s20 =	sadd.s32 $0x9C40, s20  }
0xa4: {  	[tilespmem:s17], [sflag:$0x3] =	stream.linear.gather [hbm4b:s20+s30], $0x50, $0x38;
	[tilespmem:$0x1D880] =	vst v63  }
.LBB2_8:
0xa5: {  	_ =	swait.ge [sflag:s19], $0x50  }
0xa6: {  	[sflag:s19] =	ssyncset.done $0x0  }
0xa7: {  	[sflag:s19] =	ssyncadd.s32 $0xFFFFFFB0  }
0xa8: {  	_ =	swait.ge [sflag:s19], $0x50  }
0xa9: {  	[sflag:s19] =	ssyncset.done $0x0  }
0xaa: {  	[sflag:s19] =	ssyncadd.s32 $0xFFFFFFB0  }
0xab: {  	[tilespmem:s23], [sflag:$0x5] =	stream.indirect.gather [hbm4b:s1+s10], $0x80, s13, s10, $0xb8;
	[tilespmem:$0x1D880] =	vst v63  }
0xac: {  	s5 =	simm.s32 $0x380  }
0xad: {  	[tilespmem:s5], [sflag:$0x5] =	stream.indirect.gather [hbm4b:s7+s10], $0x1, s14, s10, $0xb8;
	[tilespmem:$0x1D880] =	vst v63  }
0xae: {  	s25 =	simm.s32 $0x500  }
0xaf: {  	[tilespmem:s25], [sflag:$0x5] =	stream.indirect.gather [hbm4b:s8+s10], $0x1, s13, s10, $0xb8;
	[tilespmem:$0x1D880] =	vst v63  }
0xb0: {  	_ =	swait.ge [sflag:s26], $0x2800  }
0xb1: {  	[sflag:s26] =	ssyncset.done $0x0  }
0xb2: {  	[sflag:s26] =	ssyncadd.s32 $0xFFFFD800  }
0xb3: {  	_ =	swait.ge [sflag:s26], $0x50  }
0xb4: {  	[sflag:s26] =	ssyncset.done $0x0  }
0xb5: {  	[sflag:s26] =	ssyncadd.s32 $0xFFFFFFB0  }
0xb6: {  	_ =	swait.ge [sflag:s26], $0x50  }
0xb7: {  	[sflag:s26] =	ssyncset.done $0x0  }
0xb8: {  	[sflag:s26] =	ssyncadd.s32 $0xFFFFFFB0  }
0xb9: {  	v2 =	vld [tilespmem:$0x300]  }
0xba: {  	v3 =	vld [tilespmem:$0x480]  }
0xbb: {  	v4 =	vld [tilespmem:$0x310]  }
0xbc: {  	v5 =	vld [tilespmem:$0x490]  }
0xbd: {  	v6 =	vld [tilespmem:$0x320]  }
0xbe: {  	v7 =	vld [tilespmem:$0x4A0]  }
0xbf: {  	v8 =	vld [tilespmem:$0x4B0];
	v2 =	vadd.f32 v3, v2  }
0xc0: {  	v10 =	vld [tilespmem:$0x340]  }
0xc1: {  	v3 =	vld [tilespmem:$0x330];
	v9 =	vmul.f32 $9.999999770e-03, v2  }
0xc2: {  	v11 =	vld [tilespmem:$0x4C0];
	vm0 =	vgt.f32 v2, $0.0e+00  }
0xc3: {  	v4 =	vadd.f32 v5, v4;
	v2 =	vsel vm0, v2, v9  }
0xc4: {  	v2 =	vmul.f32 $1.442695020e+00, v2  }
0xc5: {  	v6 =	vadd.f32 v7, v6;
	v5 =	vmul.f32 $9.999999770e-03, v4  }
0xc6: {  	vm12 =	vgt.f32 v4, $0.0e+00;
	(erf) = vpow2.f32 v2;
	v2 =	vadd.f32 v8, v3  }
0xc7: {  	v3 =	vsel vm12, v4, v5;
	v4 =	vmul.f32 $9.999999770e-03, v6;
	v5 =	vadd.f32 v11, v10  }
0xc8: {  	vm13 =	vgt.f32 v6, $0.0e+00;
	v3 =	vmul.f32 $1.442695020e+00, v3;
	v7 =	vmul.f32 $9.999999770e-03, v2  }
0xc9: {  	v4 =	vsel vm13, v6, v4;
	vm14 =	vgt.f32 v2, $0.0e+00;
	v6 =	vmul.f32 $9.999999770e-03, v5  }
0xca: {  	vm15 =	vgt.f32 v5, $0.0e+00;
	v4 =	vmul.f32 $1.442695020e+00, v4;
	v2 =	vsel vm14, v2, v7  }
0xcb: {  	(erf) = vpow2.f32 v3;
	v3 =	vsel vm15, v5, v6;
	v2 =	vmul.f32 $1.442695020e+00, v2  }
0xcc: {  	(erf) = vpow2.f32 v4;
	v3 =	vmul.f32 $1.442695020e+00, v3  }
0xcd: {  	(erf) = vpow2.f32 v2  }
0xce: {  	(erf) = vpow2.f32 v3;
	_ =	sdelay $0x1  }
0xcf: {  	s20 =	simm.s32 $0x0  }
0xd0: {  	s5 =	simm.s32 $0x6;
	v2 =	vmov s20  }
0xd1: {  	v2 =	vand.u32 $0xFFFFFFF8, v2;
	v3 =	vmov s5  }
0xd2: {  	v4 =	vpop (erf);
	v2 =	vbroadcast v2, $0x0;
	v3 =	vand.u32 $0xFFFFFFFE, v3  }
0xd3: {  	[tilespmem:$0x600] =	vst v4;
	v3 =	vbroadcast v3, $0x0;
	v5 =	vpop (erf)  }
0xd4: {  	[tilespmem:$0x610] =	vst v5;
	v4 =	vpop (erf)  }
0xd5: {  	[tilespmem:$0x620] =	vst v4;
	v5 =	vpop (erf)  }
0xd6: {  	[tilespmem:$0x630] =	vst v5;
	v4 =	vpop (erf)  }
0xd7: {  	[tilespmem:$0x640] =	vst v4  }
0xd8: {  	v2 =	vld.idx.msk [tilespmem:v2+s28+$0x0], $0xffff  }
0xd9: {  	s25 =	simm.s32 $0x980;
	v3 =	vld.idx.msk [tilespmem:v3+s28+$0x0], $0xffff  }
0xda: {  	v5 =	vld [tilespmem:s25+$0x170]  }
0xdb: {  	v6 =	vld [tilespmem:s25+$0xFFFFFE00]  }
0xdc: {  	v7 =	vld [tilespmem:s25+$0xFFFFFE10]  }
0xdd: {  	v8 =	vld [tilespmem:s25+$0xFFFFFE20]  }
0xde: {  	s22 =	simm.s32 $0x1;
	v9 =	vld [tilespmem:s25+$0xFFFFFE30]  }
0xdf: {  	v4 =	vmov s22;
	v10 =	vld [tilespmem:s25+$0xFFFFFE40]  }
0xe0: {  	v4 =	vand.u32 $0xFFFFFFF9, v4;
	v11 =	vld [tilespmem:s25+$0xFFFFFE50]  }
0xe1: {  	v12 =	vld [tilespmem:s25+$0xFFFFFE60];
	v4 =	vbroadcast v4, $0x0  }
0xe2: {  	v13 =	vld [tilespmem:s25+$0xFFFFFE70]  }
0xe3: {  	v14 =	vld [tilespmem:s25+$0xFFFFFE80]  }
0xe4: {  	v15 =	vld [tilespmem:s25+$0xFFFFFE90]  }
0xe5: {  	v16 =	vld [tilespmem:s25+$0xFFFFFEA0];
	v6 =	vmul.f32 v6, v2  }
0xe6: {  	v17 =	vld [tilespmem:s25+$0xFFFFFEB0];
	v5 =	vmul.f32 v5, v3  }
0xe7: {  	v9 =	vmul.f32 v9, v2;
	v4 =	vld.idx.msk [tilespmem:v4+s28+$0x0], $0xffff;
	[tilespmem:s25+$0xFFFFFE00] =	vst v6  }
0xe8: {  	s5 =	simm.s32 $0x2;
	v10 =	vmul.f32 v10, v2;
	[tilespmem:s25+$0x170] =	vst v5;
	v5 =	vmul.f32 v8, v2;
	v8 =	vld [tilespmem:s25+$0xFFFFFEC0]  }
0xe9: {  	v7 =	vmul.f32 v7, v2;
	v6 =	vmov s5;
	[tilespmem:s25+$0xFFFFFE30] =	vst v9;
	v9 =	vmul.f32 v11, v2;
	v11 =	vld [tilespmem:s25+$0xFFFFFEF0]  }
0xea: {  	[tilespmem:s25+$0xFFFFFE40] =	vst v10;
	v10 =	vmul.f32 v12, v2;
	v12 =	vld [tilespmem:s25+$0xFFFFFF00];
	v6 =	vand.u32 $0xFFFFFFFA, v6  }
0xeb: {  	[tilespmem:s25+$0xFFFFFE10] =	vst v7;
	v2 =	vmul.f32 v13, v2;
	v13 =	vld [tilespmem:s25+$0xFFFFFF20];
	v6 =	vbroadcast v6, $0x0  }
0xec: {  	[tilespmem:s25+$0xFFFFFE20] =	vst v5;
	v5 =	vld [tilespmem:s25+$0xFFFFFEE0]  }
0xed: {  	[tilespmem:s25+$0xFFFFFE50] =	vst v9;
	v9 =	vld [tilespmem:s25+$0xFFFFFF10]  }
0xee: {  	[tilespmem:s25+$0xFFFFFE60] =	vst v10;
	v7 =	vmul.f32 v14, v4;
	v14 =	vld [tilespmem:s25+$0xFFFFFED0]  }
0xef: {  	[tilespmem:s25+$0xFFFFFE70] =	vst v2;
	v10 =	vmul.f32 v15, v4;
	v15 =	vld [tilespmem:s25+$0xFFFFFF30]  }
0xf0: {  	s22 =	simm.s32 $0x3;
	v2 =	vmul.f32 v16, v4;
	v16 =	vld [tilespmem:s25+$0xFFFFFF40];
	v8 =	vmul.f32 v8, v4;
	[tilespmem:s25+$0xFFFFFE80] =	vst v7  }
0xf1: {  	v7 =	vmov s22;
	[tilespmem:s25+$0xFFFFFE90] =	vst v10;
	v10 =	vmul.f32 v17, v4;
	v6 =	vld.idx.msk [tilespmem:v6+s28+$0x0], $0xffff  }
0xf2: {  	[tilespmem:s25+$0xFFFFFEC0] =	vst v8;
	v8 =	vld [tilespmem:s25+$0xFFFFFF70];
	v7 =	vand.u32 $0xFFFFFFFB, v7  }
0xf3: {  	v7 =	vbroadcast v7, $0x0;
	[tilespmem:s25+$0xFFFFFEB0] =	vst v10;
	v10 =	vld [tilespmem:s25+$0xFFFFFF60];
	v14 =	vmul.f32 v14, v4  }
0xf4: {  	[tilespmem:s25+$0xFFFFFEA0] =	vst v2;
	v5 =	vmul.f32 v5, v4;
	v4 =	vmul.f32 v11, v4;
	v11 =	vld [tilespmem:s25+$0xFFFFFF80]  }
0xf5: {  	[tilespmem:s25+$0xFFFFFED0] =	vst v14;
	v14 =	vld [tilespmem:s25+$0xFFFFFFB0]  }
0xf6: {  	[tilespmem:s25+$0xFFFFFEE0] =	vst v5;
	v2 =	vmul.f32 v12, v6;
	v12 =	vld [tilespmem:s25+$0xFFFFFF50]  }
0xf7: {  	[tilespmem:s25+$0xFFFFFEF0] =	vst v4;
	v5 =	vmul.f32 v9, v6;
	v9 =	vld [tilespmem:s25+$0xFFFFFF90]  }
0xf8: {  	s5 =	simm.s32 $0x4;
	v4 =	vmul.f32 v13, v6;
	v13 =	vld [tilespmem:s25+$0xFFFFFFA0];
	[tilespmem:s25+$0xFFFFFF00] =	vst v2  }
0xf9: {  	v10 =	vmul.f32 v10, v6;
	v7 =	vld.idx.msk [tilespmem:v7+s28+$0x0], $0xffff;
	v2 =	vmov s5;
	[tilespmem:s25+$0xFFFFFF10] =	vst v5  }
0xfa: {  	v5 =	vmul.f32 v15, v6;
	[tilespmem:s25+$0xFFFFFF20] =	vst v4;
	v4 =	vmul.f32 v16, v6;
	v15 =	vld [tilespmem:s25+$0xFFFFFFC0];
	v2 =	vand.u32 $0xFFFFFFFC, v2  }
0xfb: {  	[tilespmem:s25+$0xFFFFFF60] =	vst v10;
	v10 =	vld [tilespmem:s25+$0x0];
	v2 =	vbroadcast v2, $0x0  }
0xfc: {  	[tilespmem:s25+$0xFFFFFF40] =	vst v4;
	v4 =	vld [tilespmem:s25+$0xFFFFFFE0];
	v12 =	vmul.f32 v12, v6  }
0xfd: {  	[tilespmem:s25+$0xFFFFFF30] =	vst v5;
	v6 =	vmul.f32 v8, v6;
	v8 =	vld [tilespmem:s25+$0xFFFFFFF0]  }
0xfe: {  	v5 =	vmul.f32 v11, v7;
	v11 =	vld [tilespmem:s25+$0xFFFFFFD0];
	[tilespmem:s25+$0xFFFFFF50] =	vst v12  }
0xff: {  	v9 =	vmul.f32 v9, v7;
	[tilespmem:s25+$0xFFFFFF70] =	vst v6;
	v12 =	vld [tilespmem:s25+$0x10]  }
0x100: {  	s22 =	simm.s32 $0x5;
	v6 =	vmul.f32 v13, v7;
	v13 =	vld [tilespmem:s25+$0x20];
	[tilespmem:s25+$0xFFFFFF80] =	vst v5  }
0x101: {  	v5 =	vmov s22;
	[tilespmem:s25+$0xFFFFFF90] =	vst v9;
	v9 =	vmul.f32 v14, v7;
	v2 =	vld.idx.msk [tilespmem:v2+s28+$0x0], $0xffff  }
0x102: {  	[tilespmem:s25+$0xFFFFFFA0] =	vst v6;
	v6 =	vmul.f32 v15, v7;
	v14 =	vld [tilespmem:s25+$0x30];
	v5 =	vand.u32 $0xFFFFFFFD, v5  }
0x103: {  	v5 =	vbroadcast v5, $0x0;
	[tilespmem:s25+$0xFFFFFFB0] =	vst v9;
	v9 =	vmul.f32 v11, v7;
	v11 =	vld [tilespmem:s25+$0x40]  }
0x104: {  	v4 =	vmul.f32 v4, v7;
	[tilespmem:s25+$0xFFFFFFC0] =	vst v6;
	v7 =	vmul.f32 v8, v7;
	v8 =	vld [tilespmem:s25+$0x80]  }
0x105: {  	[tilespmem:s25+$0xFFFFFFD0] =	vst v9;
	v9 =	vld [tilespmem:s25+$0x60]  }
0x106: {  	[tilespmem:s25+$0xFFFFFFE0] =	vst v4;
	v6 =	vmul.f32 v10, v2;
	v10 =	vld [tilespmem:s25+$0x50]  }
0x107: {  	[tilespmem:s25+$0xFFFFFFF0] =	vst v7;
	v4 =	vmul.f32 v12, v2;
	v7 =	vmul.f32 v13, v2;
	v12 =	vld [tilespmem:s25+$0x90]  }
0x108: {  	[tilespmem:s25+$0x0] =	vst v6;
	v6 =	vld [tilespmem:s25+$0x70]  }
0x109: {  	v5 =	vld.idx.msk [tilespmem:v5+s28+$0x0], $0xffff;
	[tilespmem:s25+$0x20] =	vst v7;
	v7 =	vmul.f32 v11, v2  }
0x10a: {  	[tilespmem:s25+$0x10] =	vst v4;
	v4 =	vmul.f32 v14, v2;
	v11 =	vld [tilespmem:s25+$0xA0]  }
0x10b: {  	[tilespmem:s25+$0x40] =	vst v7;
	v7 =	vmul.f32 v9, v2;
	v9 =	vld [tilespmem:s25+$0xC0]  }
0x10c: {  	[tilespmem:s25+$0x30] =	vst v4;
	v4 =	vmul.f32 v10, v2;
	v10 =	vld [tilespmem:s25+$0xB0]  }
0x10d: {  	s5 =	simm.s32 $0x7;
	[tilespmem:s25+$0x60] =	vst v7;
	v7 =	vld [tilespmem:s25+$0xE0];
	v6 =	vmul.f32 v6, v2  }
0x10e: {  	v13 =	vmov s5;
	[tilespmem:s25+$0x50] =	vst v4;
	v4 =	vmul.f32 v8, v5;
	v8 =	vld [tilespmem:s25+$0xD0]  }
0x10f: {  	v12 =	vmul.f32 v12, v5;
	[tilespmem:s25+$0x70] =	vst v6;
	v6 =	vld [tilespmem:s25+$0xF0]  }
0x110: {  	[tilespmem:s25+$0x80] =	vst v4;
	v4 =	vmul.f32 v11, v5;
	v11 =	vld [tilespmem:s25+$0x100]  }
0x111: {  	[tilespmem:s25+$0x90] =	vst v12;
	v12 =	vld [tilespmem:s25+$0x150];
	v10 =	vmul.f32 v10, v5  }
0x112: {  	[tilespmem:s25+$0xA0] =	vst v4;
	v4 =	vmul.f32 v9, v5;
	v9 =	vld [tilespmem:s25+$0x110]  }
0x113: {  	v2 =	vld.idx.msk [tilespmem:v13+s28+$0x0], $0xffff;
	[tilespmem:s25+$0xB0] =	vst v10;
	v8 =	vmul.f32 v8, v5  }
0x114: {  	v10 =	vld [tilespmem:s25+$0x120];
	[tilespmem:s25+$0xC0] =	vst v4;
	v4 =	vmul.f32 v7, v5  }
0x115: {  	s30 =	simm.s32 $0x9;
	v7 =	vld [tilespmem:s25+$0x130];
	[tilespmem:s25+$0xD0] =	vst v8;
	v5 =	vmul.f32 v6, v5  }
0x116: {  	s22 =	simm.s32 $0x8;
	v13 =	vmov s30;
	v6 =	vld [tilespmem:s25+$0x140];
	v11 =	vmul.f32 v11, v3;
	[tilespmem:s25+$0xE0] =	vst v4  }
0x117: {  	s5 =	simm.s32 $0xF;
	v8 =	vmov s22;
	s22 =	simm.s32 $0xA;
	v12 =	vmul.f32 v12, v3;
	[tilespmem:s25+$0xF0] =	vst v5;
	v5 =	vmul.f32 v9, v3;
	v9 =	vld [tilespmem:s25+$0x160]  }
0x118: {  	s20 =	simm.s32 $0xB;
	v15 =	vld [tilespmem:s25+$0x180];
	v8 =	vand.u32 $0xFFFFFFF8, v8;
	v4 =	vmov s5;
	v14 =	vmov s22;
	s22 =	simm.s32 $0xC;
	[tilespmem:s25+$0x100] =	vst v11  }
0x119: {  	v18 =	vld [tilespmem:s25+$0x190];
	v11 =	vmov s20;
	v16 =	vmov s22;
	s22 =	simm.s32 $0xD;
	[tilespmem:s25+$0x150] =	vst v12;
	v10 =	vmul.f32 v10, v3  }
0x11a: {  	v19 =	vmov s22;
	[tilespmem:s25+$0x110] =	vst v5;
	v17 =	vmul.f32 v7, v3;
	v5 =	vbroadcast v8, $0x0;
	v7 =	vld [tilespmem:s25+$0x1A0]  }
0x11b: {  	v8 =	vld [tilespmem:s25+$0x1B0];
	[tilespmem:s25+$0x120] =	vst v10;
	v10 =	vmul.f32 v6, v3;
	v6 =	vand.u32 $0xFFFFFFF9, v13;
	v13 =	vand.u32 $0xFFFFFFFA, v14  }
0x11c: {  	v14 =	vand.u32 $0xFFFFFFFB, v11;
	[tilespmem:s25+$0x130] =	vst v17;
	v6 =	vbroadcast v6, $0x0;
	v17 =	vmul.f32 v9, v3;
	v9 =	vld [tilespmem:s25+$0x1C0]  }
0x11d: {  	v11 =	vbroadcast v13, $0x0;
	[tilespmem:s25+$0x140] =	vst v10;
	v3 =	vand.u32 $0xFFFFFFFC, v16;
	v16 =	vmul.f32 v15, v2;
	v10 =	vld [tilespmem:s25+$0x1D0]  }
0x11e: {  	s30 =	simm.s32 $0x10;
	s20 =	simm.s32 $0xE;
	v12 =	vld [tilespmem:s25+$0x1E0];
	v13 =	vbroadcast v14, $0x0;
	v14 =	vmul.f32 v18, v2;
	v15 =	vand.u32 $0xFFFFFFFD, v19;
	[tilespmem:s25+$0x160] =	vst v17  }
.LBB2_9:
0x11f: {  	p0 =	slt.u32 s30, $0x48;
	v3 =	vbroadcast v3, $0x0;
	v17 =	vmov s20;
	[tilespmem:s25+$0x180] =	vst v16;
	v7 =	vmul.f32 v7, v2;
	v16 =	vld [tilespmem:s25+$0x1F0]  }
0x120: {  	v15 =	vbroadcast v15, $0x0;
	v17 =	vand.u32 $0xFFFFFFFE, v17;
	v18 =	vld.idx.msk [tilespmem:v4+s28+$0x0], $0xffff;
	[tilespmem:s25+$0x190] =	vst v14;
	v4 =	vmul.f32 v8, v2  }
0x121: {  	v8 =	vld.idx.msk [tilespmem:v5+s28+$0x0], $0xffff;
	v14 =	vbroadcast v17, $0x0;
	[tilespmem:s25+$0x1A0] =	vst v7;
	v5 =	vmul.f32 v9, v2  }
0x122: {  	v7 =	vld.idx.msk [tilespmem:v6+s28+$0x0], $0xffff;
	[tilespmem:s25+$0x1B0] =	vst v4;
	v4 =	vmul.f32 v10, v2  }
0x123: {  	v9 =	vld.idx.msk [tilespmem:v11+s28+$0x0], $0xffff;
	[tilespmem:s25+$0x1C0] =	vst v5;
	v10 =	vmul.f32 v12, v2  }
0x124: {  	v6 =	vld.idx.msk [tilespmem:v13+s28+$0x0], $0xffff;
	[tilespmem:s25+$0x1D0] =	vst v4;
	v11 =	vmul.f32 v16, v2  }
0x125: {  	v5 =	vld.idx.msk [tilespmem:v3+s28+$0x0], $0xffff;
	[tilespmem:s25+$0x1E0] =	vst v10  }
0x126: {  	v2 =	vmov v18;
	v4 =	vld.idx.msk [tilespmem:v15+s28+$0x0], $0xffff;
	[tilespmem:s25+$0x1F0] =	vst v11  }
0x127: {  	s25 =	sadd.s32 $0x400, s25;
	v3 =	vld.idx.msk [tilespmem:v14+s28+$0x0], $0xffff  }
0x128: {  	v10 =	vld [tilespmem:s25+$0x170]  }
0x129: {  	v11 =	vld [tilespmem:s25+$0xFFFFFE00]  }
0x12a: {  	v12 =	vld [tilespmem:s25+$0xFFFFFE10]  }
0x12b: {  	v13 =	vld [tilespmem:s25+$0xFFFFFE20]  }
0x12c: {  	v14 =	vld [tilespmem:s25+$0xFFFFFE30]  }
0x12d: {  	v15 =	vld [tilespmem:s25+$0xFFFFFE40];
	v10 =	vmul.f32 v10, v3  }
0x12e: {  	v11 =	vmul.f32 v11, v8;
	v16 =	vld [tilespmem:s25+$0xFFFFFE50]  }
0x12f: {  	v12 =	vmul.f32 v12, v8;
	v17 =	vld [tilespmem:s25+$0xFFFFFE60];
	[tilespmem:s25+$0x170] =	vst v10  }
0x130: {  	[tilespmem:s25+$0xFFFFFE00] =	vst v11;
	v10 =	vmul.f32 v13, v8;
	v11 =	vld [tilespmem:s25+$0xFFFFFE70]  }
0x131: {  	[tilespmem:s25+$0xFFFFFE10] =	vst v12;
	v12 =	vmul.f32 v14, v8;
	v13 =	vld [tilespmem:s25+$0xFFFFFE80]  }
0x132: {  	[tilespmem:s25+$0xFFFFFE20] =	vst v10;
	v10 =	vmul.f32 v15, v8;
	v14 =	vld [tilespmem:s25+$0xFFFFFE90]  }
0x133: {  	[tilespmem:s25+$0xFFFFFE30] =	vst v12;
	v12 =	vmul.f32 v16, v8;
	v15 =	vld [tilespmem:s25+$0xFFFFFEA0]  }
0x134: {  	[tilespmem:s25+$0xFFFFFE40] =	vst v10;
	v10 =	vmul.f32 v17, v8;
	v16 =	vld [tilespmem:s25+$0xFFFFFEB0]  }
0x135: {  	[tilespmem:s25+$0xFFFFFE50] =	vst v12;
	v8 =	vmul.f32 v11, v8;
	v11 =	vld [tilespmem:s25+$0xFFFFFEC0]  }
0x136: {  	[tilespmem:s25+$0xFFFFFE60] =	vst v10;
	v10 =	vmul.f32 v13, v7;
	v12 =	vld [tilespmem:s25+$0xFFFFFED0]  }
0x137: {  	[tilespmem:s25+$0xFFFFFE70] =	vst v8;
	v8 =	vmul.f32 v14, v7;
	v13 =	vld [tilespmem:s25+$0xFFFFFEE0]  }
0x138: {  	[tilespmem:s25+$0xFFFFFE80] =	vst v10;
	v10 =	vmul.f32 v15, v7;
	v14 =	vld [tilespmem:s25+$0xFFFFFEF0]  }
0x139: {  	[tilespmem:s25+$0xFFFFFE90] =	vst v8;
	v8 =	vmul.f32 v16, v7;
	v15 =	vld [tilespmem:s25+$0xFFFFFF00]  }
0x13a: {  	[tilespmem:s25+$0xFFFFFEA0] =	vst v10;
	v10 =	vmul.f32 v11, v7;
	v11 =	vld [tilespmem:s25+$0xFFFFFF10]  }
0x13b: {  	[tilespmem:s25+$0xFFFFFEB0] =	vst v8;
	v8 =	vmul.f32 v12, v7;
	v12 =	vld [tilespmem:s25+$0xFFFFFF20]  }
0x13c: {  	[tilespmem:s25+$0xFFFFFEC0] =	vst v10;
	v10 =	vmul.f32 v13, v7;
	v13 =	vld [tilespmem:s25+$0xFFFFFF30]  }
0x13d: {  	[tilespmem:s25+$0xFFFFFED0] =	vst v8;
	v7 =	vmul.f32 v14, v7;
	v8 =	vld [tilespmem:s25+$0xFFFFFF40]  }
0x13e: {  	[tilespmem:s25+$0xFFFFFEE0] =	vst v10;
	v10 =	vmul.f32 v15, v9;
	v14 =	vld [tilespmem:s25+$0xFFFFFF50]  }
0x13f: {  	[tilespmem:s25+$0xFFFFFEF0] =	vst v7;
	v7 =	vmul.f32 v11, v9;
	v11 =	vld [tilespmem:s25+$0xFFFFFF60]  }
0x140: {  	[tilespmem:s25+$0xFFFFFF00] =	vst v10;
	v10 =	vmul.f32 v12, v9;
	v12 =	vld [tilespmem:s25+$0xFFFFFF70]  }
0x141: {  	[tilespmem:s25+$0xFFFFFF10] =	vst v7;
	v7 =	vmul.f32 v13, v9;
	v13 =	vld [tilespmem:s25+$0xFFFFFF80]  }
0x142: {  	[tilespmem:s25+$0xFFFFFF20] =	vst v10;
	v8 =	vmul.f32 v8, v9;
	v10 =	vld [tilespmem:s25+$0xFFFFFF90]  }
0x143: {  	[tilespmem:s25+$0xFFFFFF30] =	vst v7;
	v7 =	vmul.f32 v14, v9;
	v14 =	vld [tilespmem:s25+$0xFFFFFFA0]  }
0x144: {  	[tilespmem:s25+$0xFFFFFF40] =	vst v8;
	v8 =	vmul.f32 v11, v9;
	v11 =	vld [tilespmem:s25+$0xFFFFFFB0]  }
0x145: {  	[tilespmem:s25+$0xFFFFFF50] =	vst v7;
	v7 =	vmul.f32 v12, v9;
	v9 =	vld [tilespmem:s25+$0xFFFFFFC0]  }
0x146: {  	[tilespmem:s25+$0xFFFFFF60] =	vst v8;
	v8 =	vmul.f32 v13, v6;
	v12 =	vld [tilespmem:s25+$0xFFFFFFD0]  }
0x147: {  	[tilespmem:s25+$0xFFFFFF70] =	vst v7;
	v7 =	vmul.f32 v10, v6;
	v10 =	vld [tilespmem:s25+$0xFFFFFFE0]  }
0x148: {  	[tilespmem:s25+$0xFFFFFF80] =	vst v8;
	v8 =	vmul.f32 v14, v6;
	v13 =	vld [tilespmem:s25+$0xFFFFFFF0]  }
0x149: {  	[tilespmem:s25+$0xFFFFFF90] =	vst v7;
	v7 =	vmul.f32 v11, v6;
	v11 =	vld [tilespmem:s25+$0x0]  }
0x14a: {  	[tilespmem:s25+$0xFFFFFFA0] =	vst v8;
	v8 =	vmul.f32 v9, v6;
	v9 =	vld [tilespmem:s25+$0x10]  }
0x14b: {  	[tilespmem:s25+$0xFFFFFFB0] =	vst v7;
	v7 =	vmul.f32 v12, v6;
	v12 =	vld [tilespmem:s25+$0x20]  }
0x14c: {  	[tilespmem:s25+$0xFFFFFFC0] =	vst v8;
	v8 =	vmul.f32 v10, v6;
	v10 =	vld [tilespmem:s25+$0x30]  }
0x14d: {  	[tilespmem:s25+$0xFFFFFFD0] =	vst v7;
	v6 =	vmul.f32 v13, v6;
	v7 =	vld [tilespmem:s25+$0x40]  }
0x14e: {  	[tilespmem:s25+$0xFFFFFFE0] =	vst v8;
	v8 =	vmul.f32 v11, v5;
	v11 =	vld [tilespmem:s25+$0x50]  }
0x14f: {  	[tilespmem:s25+$0xFFFFFFF0] =	vst v6;
	v6 =	vmul.f32 v9, v5;
	v9 =	vld [tilespmem:s25+$0x60]  }
0x150: {  	[tilespmem:s25+$0x0] =	vst v8;
	v8 =	vmul.f32 v12, v5;
	v12 =	vld [tilespmem:s25+$0x70]  }
0x151: {  	[tilespmem:s25+$0x10] =	vst v6;
	v6 =	vmul.f32 v10, v5;
	v10 =	vld [tilespmem:s25+$0x80]  }
0x152: {  	[tilespmem:s25+$0x20] =	vst v8;
	v7 =	vmul.f32 v7, v5;
	v8 =	vld [tilespmem:s25+$0x90]  }
0x153: {  	[tilespmem:s25+$0x30] =	vst v6;
	v6 =	vmul.f32 v11, v5;
	v11 =	vld [tilespmem:s25+$0xA0]  }
0x154: {  	[tilespmem:s25+$0x40] =	vst v7;
	v7 =	vmul.f32 v9, v5;
	v9 =	vld [tilespmem:s25+$0xB0]  }
0x155: {  	[tilespmem:s25+$0x50] =	vst v6;
	v5 =	vmul.f32 v12, v5;
	v6 =	vld [tilespmem:s25+$0xC0]  }
0x156: {  	[tilespmem:s25+$0x60] =	vst v7;
	v7 =	vmul.f32 v10, v4;
	v10 =	vld [tilespmem:s25+$0xD0]  }
0x157: {  	[tilespmem:s25+$0x70] =	vst v5;
	v5 =	vmul.f32 v8, v4;
	v8 =	vld [tilespmem:s25+$0xE0]  }
0x158: {  	[tilespmem:s25+$0x80] =	vst v7;
	v7 =	vmul.f32 v11, v4;
	v11 =	vld [tilespmem:s25+$0xF0]  }
0x159: {  	[tilespmem:s25+$0x90] =	vst v5;
	v5 =	vmul.f32 v9, v4;
	v9 =	vld [tilespmem:s25+$0x100]  }
0x15a: {  	[tilespmem:s25+$0xA0] =	vst v7;
	v6 =	vmul.f32 v6, v4;
	v7 =	vld [tilespmem:s25+$0x110]  }
0x15b: {  	[tilespmem:s25+$0xB0] =	vst v5;
	v5 =	vmul.f32 v10, v4;
	v10 =	vld [tilespmem:s25+$0x120]  }
0x15c: {  	[tilespmem:s25+$0xC0] =	vst v6;
	v6 =	vmul.f32 v8, v4;
	v8 =	vld [tilespmem:s25+$0x130]  }
0x15d: {  	[tilespmem:s25+$0xD0] =	vst v5;
	v5 =	vmul.f32 v11, v4;
	v11 =	vld [tilespmem:s25+$0x140]  }
0x15e: {  	s5 =	sadd.s32 $0x7, s30;
	v4 =	vmov s30;
	[tilespmem:s25+$0xE0] =	vst v6;
	v6 =	vmul.f32 v9, v3;
	v9 =	vld [tilespmem:s25+$0x150]  }
0x15f: {  	s20 =	sadd.s32 $0x1, s30;
	s22 =	sadd.s32 $0x2, s30;
	v12 =	vand.u32 $0xFFFFFFF8, v4;
	v4 =	vmov s5;
	[tilespmem:s25+$0xF0] =	vst v5;
	v5 =	vmul.f32 v7, v3;
	v13 =	vld [tilespmem:s25+$0x160]  }
0x160: {  	v15 =	vmov s22;
	v14 =	vmov s20;
	s20 =	sadd.s32 $0x4, s30;
	s5 =	sadd.s32 $0x3, s30;
	[tilespmem:s25+$0x100] =	vst v6;
	v6 =	vmul.f32 v10, v3;
	v10 =	vld [tilespmem:s25+$0x180]  }
0x161: {  	v17 =	vmov s20;
	v16 =	vmov s5;
	s5 =	sadd.s32 $0x5, s30;
	[tilespmem:s25+$0x110] =	vst v5;
	v8 =	vmul.f32 v8, v3;
	v18 =	vld [tilespmem:s25+$0x190]  }
.Ltmp3:
0x162: {  	v5 =	vbroadcast v12, $0x0;
	v12 =	vmov s5;
	[tilespmem:s25+$0x120] =	vst v6;
	v11 =	vmul.f32 v11, v3;
	v7 =	vld [tilespmem:s25+$0x1A0];
	(pc) =	sbr.rel @p0 .LBB2_9-.Ltmp3, $4  }
0x163: {  	v6 =	vand.u32 $0xFFFFFFF9, v14;
	v14 =	vand.u32 $0xFFFFFFFA, v15;
	[tilespmem:s25+$0x130] =	vst v8;
	v15 =	vmul.f32 v9, v3;
	v8 =	vld [tilespmem:s25+$0x1B0]  }
0x164: {  	v19 =	vand.u32 $0xFFFFFFFB, v16;
	v6 =	vbroadcast v6, $0x0;
	[tilespmem:s25+$0x140] =	vst v11;
	v20 =	vmul.f32 v13, v3;
	v9 =	vld [tilespmem:s25+$0x1C0]  }
0x165: {  	v11 =	vbroadcast v14, $0x0;
	v3 =	vand.u32 $0xFFFFFFFC, v17;
	[tilespmem:s25+$0x150] =	vst v15;
	v16 =	vmul.f32 v10, v2;
	v10 =	vld [tilespmem:s25+$0x1D0]  }
0x166: {  	s20 =	sadd.s32 $0x6, s30;
	s30 =	sadd.s32 $0x8, s30;
	v13 =	vbroadcast v19, $0x0;
	v15 =	vand.u32 $0xFFFFFFFD, v12;
	[tilespmem:s25+$0x160] =	vst v20;
	v14 =	vmul.f32 v18, v2;
	v12 =	vld [tilespmem:s25+$0x1E0]  }
0x167: {  	_ =	sdelay $0x2  }
0x168: {  	v17 =	vld [tilespmem:s25+$0x1F0]  }
0x169: {  	v19 =	vld.idx.msk [tilespmem:v5+s28+$0x0], $0xffff  }
0x16a: {  	[tilespmem:s25+$0x180] =	vst v16;
	v16 =	vbroadcast v3, $0x0;
	v3 =	vmov s20;
	v11 =	vld.idx.msk [tilespmem:v11+s28+$0x0], $0xffff  }
0x16b: {  	v18 =	vand.u32 $0xFFFFFFFE, v3;
	v3 =	vld.idx.msk [tilespmem:v4+s28+$0x0], $0xffff  }
0x16c: {  	s30 =	sadd.s32 $0x400, s25;
	v13 =	vld.idx.msk [tilespmem:v13+s28+$0x0], $0xffff  }
0x16d: {  	v15 =	vbroadcast v15, $0x0;
	v7 =	vmul.f32 v7, v2;
	[tilespmem:s25+$0x190] =	vst v14;
	v14 =	vld [tilespmem:s30+$0x170]  }
0x16e: {  	v8 =	vmul.f32 v8, v2;
	v4 =	vbroadcast v18, $0x0;
	v18 =	vld.idx.msk [tilespmem:v6+s28+$0x0], $0xffff  }
0x16f: {  	[tilespmem:s25+$0x1A0] =	vst v7;
	v7 =	vmul.f32 v9, v2;
	v9 =	vld [tilespmem:s30+$0xFFFFFE00]  }
0x170: {  	[tilespmem:s25+$0x1B0] =	vst v8;
	v8 =	vmul.f32 v10, v2;
	v10 =	vld [tilespmem:s30+$0xFFFFFE10]  }
0x171: {  	[tilespmem:s25+$0x1C0] =	vst v7;
	v7 =	vmul.f32 v12, v2;
	v12 =	vld [tilespmem:s30+$0xFFFFFE20]  }
0x172: {  	[tilespmem:s25+$0x1D0] =	vst v8;
	v8 =	vld [tilespmem:s30+$0xFFFFFE30]  }
0x173: {  	v6 =	vld.idx.msk [tilespmem:v16+s28+$0x0], $0xffff  }
0x174: {  	v2 =	vmul.f32 v17, v2;
	v5 =	vld.idx.msk [tilespmem:v15+s28+$0x0], $0xffff  }
0x175: {  	[tilespmem:s25+$0x1E0] =	vst v7;
	v7 =	vld [tilespmem:s30+$0xFFFFFE40]  }
0x176: {  	[tilespmem:s25+$0x1F0] =	vst v2;
	v2 =	vmul.f32 v9, v19;
	v4 =	vld.idx.msk [tilespmem:v4+s28+$0x0], $0xffff  }
0x177: {  	v9 =	vld [tilespmem:s30+$0xFFFFFE50];
	v10 =	vmul.f32 v10, v19  }
0x178: {  	v15 =	vld [tilespmem:s30+$0xFFFFFE60];
	[tilespmem:s30+$0xFFFFFE00] =	vst v2;
	v2 =	vmul.f32 v12, v19  }
0x179: {  	v12 =	vld [tilespmem:s30+$0xFFFFFE70];
	[tilespmem:s30+$0xFFFFFE10] =	vst v10;
	v8 =	vmul.f32 v8, v19  }
0x17a: {  	v10 =	vld [tilespmem:s30+$0xFFFFFE80];
	[tilespmem:s30+$0xFFFFFE20] =	vst v2;
	v2 =	vmul.f32 v7, v19  }
0x17b: {  	v7 =	vld [tilespmem:s30+$0xFFFFFE90];
	[tilespmem:s30+$0xFFFFFE30] =	vst v8;
	v14 =	vmul.f32 v14, v4  }
0x17c: {  	v8 =	vmul.f32 v9, v19;
	v9 =	vld [tilespmem:s30+$0xFFFFFEA0];
	[tilespmem:s30+$0xFFFFFE40] =	vst v2  }
0x17d: {  	v2 =	vmul.f32 v15, v19;
	[tilespmem:s30+$0x170] =	vst v14;
	v14 =	vld [tilespmem:s30+$0xFFFFFEB0]  }
0x17e: {  	[tilespmem:s30+$0xFFFFFE50] =	vst v8;
	v8 =	vmul.f32 v12, v19;
	v12 =	vld [tilespmem:s30+$0xFFFFFEC0]  }
0x17f: {  	[tilespmem:s30+$0xFFFFFE60] =	vst v2;
	v2 =	vmul.f32 v10, v18;
	v10 =	vld [tilespmem:s30+$0xFFFFFED0]  }
0x180: {  	[tilespmem:s30+$0xFFFFFE70] =	vst v8;
	v7 =	vmul.f32 v7, v18;
	v8 =	vld [tilespmem:s30+$0xFFFFFEE0]  }
0x181: {  	[tilespmem:s30+$0xFFFFFE80] =	vst v2;
	v2 =	vmul.f32 v9, v18;
	v9 =	vld [tilespmem:s30+$0xFFFFFEF0]  }
0x182: {  	[tilespmem:s30+$0xFFFFFE90] =	vst v7;
	v7 =	vmul.f32 v14, v18;
	v14 =	vld [tilespmem:s30+$0xFFFFFF00]  }
0x183: {  	[tilespmem:s30+$0xFFFFFEA0] =	vst v2;
	v2 =	vmul.f32 v12, v18;
	v12 =	vld [tilespmem:s30+$0xFFFFFF10]  }
0x184: {  	[tilespmem:s30+$0xFFFFFEB0] =	vst v7;
	v7 =	vmul.f32 v10, v18;
	v10 =	vld [tilespmem:s30+$0xFFFFFF20]  }
0x185: {  	[tilespmem:s30+$0xFFFFFEC0] =	vst v2;
	v2 =	vmul.f32 v8, v18;
	v8 =	vld [tilespmem:s30+$0xFFFFFF30]  }
0x186: {  	[tilespmem:s30+$0xFFFFFED0] =	vst v7;
	v7 =	vmul.f32 v9, v18;
	v9 =	vld [tilespmem:s30+$0xFFFFFF40]  }
0x187: {  	[tilespmem:s30+$0xFFFFFEE0] =	vst v2;
	v2 =	vmul.f32 v14, v11;
	v14 =	vld [tilespmem:s30+$0xFFFFFF50]  }
0x188: {  	[tilespmem:s30+$0xFFFFFEF0] =	vst v7;
	v7 =	vmul.f32 v12, v11;
	v12 =	vld [tilespmem:s30+$0xFFFFFF60]  }
0x189: {  	[tilespmem:s30+$0xFFFFFF00] =	vst v2;
	v2 =	vmul.f32 v10, v11;
	v10 =	vld [tilespmem:s30+$0xFFFFFF70]  }
0x18a: {  	[tilespmem:s30+$0xFFFFFF10] =	vst v7;
	v7 =	vmul.f32 v8, v11;
	v8 =	vld [tilespmem:s30+$0xFFFFFF80]  }
0x18b: {  	[tilespmem:s30+$0xFFFFFF20] =	vst v2;
	v2 =	vmul.f32 v9, v11;
	v9 =	vld [tilespmem:s30+$0xFFFFFF90]  }
0x18c: {  	[tilespmem:s30+$0xFFFFFF30] =	vst v7;
	v7 =	vmul.f32 v14, v11;
	v14 =	vld [tilespmem:s30+$0xFFFFFFA0]  }
0x18d: {  	[tilespmem:s30+$0xFFFFFF40] =	vst v2;
	v2 =	vmul.f32 v12, v11;
	v12 =	vld [tilespmem:s30+$0xFFFFFFB0]  }
0x18e: {  	[tilespmem:s30+$0xFFFFFF50] =	vst v7;
	v7 =	vmul.f32 v10, v11;
	v10 =	vld [tilespmem:s30+$0xFFFFFFC0]  }
0x18f: {  	[tilespmem:s30+$0xFFFFFF60] =	vst v2;
	v2 =	vmul.f32 v8, v13;
	v8 =	vld [tilespmem:s30+$0xFFFFFFD0]  }
0x190: {  	[tilespmem:s30+$0xFFFFFF70] =	vst v7;
	v7 =	vmul.f32 v9, v13;
	v9 =	vld [tilespmem:s30+$0xFFFFFFE0]  }
0x191: {  	v11 =	vld [tilespmem:s30+$0xFFFFFFF0];
	[tilespmem:s30+$0xFFFFFF80] =	vst v2;
	v2 =	vmul.f32 v14, v13  }
0x192: {  	[tilespmem:s30+$0xFFFFFF90] =	vst v7;
	v7 =	vmul.f32 v12, v13;
	v12 =	vld [tilespmem:s30+$0x0]  }
0x193: {  	[tilespmem:s30+$0xFFFFFFA0] =	vst v2;
	v2 =	vmul.f32 v10, v13;
	v10 =	vld [tilespmem:s30+$0x10]  }
0x194: {  	[tilespmem:s30+$0xFFFFFFB0] =	vst v7;
	v7 =	vmul.f32 v8, v13;
	v8 =	vld [tilespmem:s30+$0x20]  }
0x195: {  	[tilespmem:s30+$0xFFFFFFC0] =	vst v2;
	v2 =	vmul.f32 v9, v13;
	v9 =	vld [tilespmem:s30+$0x30]  }
0x196: {  	[tilespmem:s30+$0xFFFFFFD0] =	vst v7;
	v7 =	vmul.f32 v11, v13;
	v11 =	vld [tilespmem:s30+$0x40]  }
0x197: {  	[tilespmem:s30+$0xFFFFFFE0] =	vst v2;
	v2 =	vmul.f32 v12, v6;
	v12 =	vld [tilespmem:s30+$0x50]  }
0x198: {  	[tilespmem:s30+$0xFFFFFFF0] =	vst v7;
	v7 =	vmul.f32 v10, v6;
	v10 =	vld [tilespmem:s30+$0x60]  }
0x199: {  	[tilespmem:s30+$0x0] =	vst v2;
	v2 =	vmul.f32 v8, v6;
	v8 =	vld [tilespmem:s30+$0x70]  }
0x19a: {  	[tilespmem:s30+$0x10] =	vst v7;
	v7 =	vmul.f32 v9, v6;
	v9 =	vld [tilespmem:s30+$0x80]  }
0x19b: {  	[tilespmem:s30+$0x20] =	vst v2;
	v2 =	vmul.f32 v11, v6;
	v11 =	vld [tilespmem:s30+$0x90]  }
0x19c: {  	[tilespmem:s30+$0x30] =	vst v7;
	v7 =	vmul.f32 v12, v6;
	v12 =	vld [tilespmem:s30+$0xA0]  }
0x19d: {  	[tilespmem:s30+$0x40] =	vst v2;
	v2 =	vmul.f32 v10, v6;
	v10 =	vld [tilespmem:s30+$0xB0]  }
0x19e: {  	[tilespmem:s30+$0x50] =	vst v7;
	v6 =	vmul.f32 v8, v6;
	v7 =	vld [tilespmem:s30+$0xC0]  }
0x19f: {  	v8 =	vld [tilespmem:s30+$0xD0];
	[tilespmem:s30+$0x60] =	vst v2;
	v2 =	vmul.f32 v9, v5  }
0x1a0: {  	v9 =	vld [tilespmem:s30+$0xE0];
	[tilespmem:s30+$0x70] =	vst v6;
	v6 =	vmul.f32 v11, v5  }
0x1a1: {  	v11 =	vld [tilespmem:s30+$0xF0];
	[tilespmem:s30+$0x80] =	vst v2;
	v2 =	vmul.f32 v12, v5  }
0x1a2: {  	[tilespmem:s30+$0x90] =	vst v6;
	v6 =	vmul.f32 v10, v5;
	v10 =	vld [tilespmem:s30+$0x100]  }
0x1a3: {  	[tilespmem:s30+$0xA0] =	vst v2;
	v2 =	vmul.f32 v7, v5;
	v7 =	vld [tilespmem:s30+$0x110]  }
0x1a4: {  	[tilespmem:s30+$0xB0] =	vst v6;
	v6 =	vmul.f32 v8, v5;
	v8 =	vld [tilespmem:s30+$0x120]  }
0x1a5: {  	[tilespmem:s30+$0xC0] =	vst v2;
	v2 =	vmul.f32 v9, v5;
	v9 =	vld [tilespmem:s30+$0x130]  }
0x1a6: {  	v5 =	vmul.f32 v11, v5;
	[tilespmem:s30+$0xD0] =	vst v6;
	v6 =	vld [tilespmem:s30+$0x140]  }
0x1a7: {  	[tilespmem:s30+$0xE0] =	vst v2;
	v2 =	vmul.f32 v10, v4;
	v10 =	vld [tilespmem:s30+$0x150]  }
0x1a8: {  	[tilespmem:s30+$0xF0] =	vst v5;
	v5 =	vmul.f32 v7, v4;
	v7 =	vld [tilespmem:s30+$0x160]  }
0x1a9: {  	[tilespmem:s30+$0x100] =	vst v2;
	v2 =	vmul.f32 v8, v4;
	v8 =	vld [tilespmem:s30+$0x180]  }
0x1aa: {  	[tilespmem:s30+$0x110] =	vst v5;
	v5 =	vmul.f32 v9, v4;
	v9 =	vld [tilespmem:s30+$0x190]  }
0x1ab: {  	[tilespmem:s30+$0x120] =	vst v2;
	v2 =	vmul.f32 v6, v4;
	v6 =	vld [tilespmem:s30+$0x1A0]  }
0x1ac: {  	[tilespmem:s30+$0x130] =	vst v5;
	v5 =	vmul.f32 v10, v4;
	v10 =	vld [tilespmem:s30+$0x1B0]  }
0x1ad: {  	[tilespmem:s30+$0x140] =	vst v2;
	v2 =	vmul.f32 v7, v4;
	v4 =	vld [tilespmem:s30+$0x1C0]  }
0x1ae: {  	v7 =	vld [tilespmem:s30+$0x1D0];
	[tilespmem:s30+$0x150] =	vst v5;
	v5 =	vmul.f32 v8, v3  }
0x1af: {  	v8 =	vld [tilespmem:s30+$0x1E0];
	[tilespmem:s30+$0x160] =	vst v2;
	v2 =	vmul.f32 v9, v3  }
0x1b0: {  	[tilespmem:s30+$0x180] =	vst v5;
	v5 =	vmul.f32 v6, v3;
	v6 =	vld [tilespmem:s30+$0x1F0]  }
0x1b1: {  	[tilespmem:s30+$0x190] =	vst v2;
	v2 =	vmul.f32 v10, v3  }
0x1b2: {  	[tilespmem:s30+$0x1A0] =	vst v5;
	v4 =	vmul.f32 v4, v3  }
0x1b3: {  	[tilespmem:s30+$0x1B0] =	vst v2;
	v2 =	vmul.f32 v7, v3  }
0x1b4: {  	[tilespmem:s30+$0x1C0] =	vst v4;
	v4 =	vmul.f32 v8, v3  }
0x1b5: {  	[tilespmem:s30+$0x1D0] =	vst v2;
	v2 =	vmul.f32 v6, v3  }
0x1b6: {  	[tilespmem:s30+$0x1E0] =	vst v4  }
0x1b7: {  	p0 =	seq.s32 s24, $0x29;
	[tilespmem:s30+$0x1F0] =	vst v2  }
0x1b8: {  	[spmem:s3] =	stream.indirect.scatter.add.f32 [tilespmem:s28], [sflag:$0x7], $0x1, s0, s10, $0xb8;
	[tilespmem:$0x1D880] =	vst v63  }
0x1b9: {  	s5 =	simm.s32 @!p0 $0x7  }
0x1ba: {  	[spmem:s2] =	stream.indirect.scatter.add.f32 [tilespmem:s29], [sflag:$0x7], $0x80, s0, s10, $0xb8;
	[tilespmem:$0x1D880] =	vst v63  }
0x1bb: {  	_ =	swait.ge @!p0 [sflag:s5], $0x50  }
0x1bc: {  	s20 =	smul.u32 @!p0 $0xF0, s24;
	[sflag:s5] =	ssyncset.done @!p0 $0x0  }
0x1bd: {  	[sflag:s5] =	ssyncadd.s32 @!p0 $0xFFFFFFB0  }
0x1be: {  	s20 =	sadd.s32 @!p0 s20, s21;
	_ =	swait.ge @!p0 [sflag:s5], $0x2800  }
0x1bf: {  	s20 =	sshrl.u32 @!p0 s20, $0x3;
	[sflag:s5] =	ssyncset.done @!p0 $0x0  }
0x1c0: {  	[sflag:s5] =	ssyncadd.s32 @!p0 $0xFFFFD800;
	s5 =	sadd.s32 @!p0 s6, s20;
	s20 =	simm.s32 @!p0 $0x0  }
0x1c1: {  	[tilespmem:s20], [sflag:$0x1] =	stream.linear.gather @!p0 [hbm4b:s5+s20], $0x50, $0x38;
	[tilespmem:$0x1D880] =	vst v63  }
0x1c2: {  	s22 =	simm.s32 @!p0 $0x80;
	s5 =	sadd.s32 @!p0 $0x9C40, s5  }
0x1c3: {  	[tilespmem:s22], [sflag:$0x1] =	stream.linear.gather @!p0 [hbm4b:s5+s20], $0x50, $0x38;
	[tilespmem:$0x1D880] =	vst v63  }
0x1c4: {  	s5 =	simm.s32 @!p0 $0x3  }
0x1c5: {  	_ =	swait.ge @!p0 [sflag:s5], $0x50  }
0x1c6: {  	[sflag:s5] =	ssyncset.done @!p0 $0x0  }
0x1c7: {  	[sflag:s5] =	ssyncadd.s32 @!p0 $0xFFFFFFB0  }
0x1c8: {  	_ =	swait.ge @!p0 [sflag:s5], $0x50  }
0x1c9: {  	s20 =	simm.s32 @!p0 $0x200;
	[sflag:s5] =	ssyncset.done @!p0 $0x0  }
0x1ca: {  	s22 =	simm.s32 @!p0 $0x5780;
	[sflag:s5] =	ssyncadd.s32 @!p0 $0xFFFFFFB0;
	s5 =	simm.s32 @!p0 $0x50  }
0x1cb: {  	[tilespmem:s22], [sflag:$0x6] =	stream.indirect.gather @!p0 [hbm4b:s1+s5], $0x80, s20, s5, $0xb8;
	[tilespmem:$0x1D880] =	vst v63  }
0x1cc: {  	s25 =	simm.s32 @!p0 $0x400;
	s22 =	simm.s32 @!p0 $0x280  }
0x1cd: {  	[tilespmem:s25], [sflag:$0x6] =	stream.indirect.gather @!p0 [hbm4b:s7+s5], $0x1, s22, s5, $0xb8;
	[tilespmem:$0x1D880] =	vst v63  }
0x1ce: {  	s22 =	simm.s32 @!p0 $0x580  }
0x1cf: {  	[tilespmem:s22], [sflag:$0x6] =	stream.indirect.gather @!p0 [hbm4b:s8+s5], $0x1, s20, s5, $0xb8;
	[tilespmem:$0x1D880] =	vst v63  }
0x1d0: {  	_ =	swait.ge [sflag:s16], $0x2800  }
0x1d1: {  	[sflag:s16] =	ssyncset.done $0x0  }
0x1d2: {  	[sflag:s16] =	ssyncadd.s32 $0xFFFFD800  }
0x1d3: {  	_ =	swait.ge [sflag:s16], $0x50  }
0x1d4: {  	[sflag:s16] =	ssyncset.done $0x0  }
0x1d5: {  	[sflag:s16] =	ssyncadd.s32 $0xFFFFFFB0  }
0x1d6: {  	_ =	swait.ge [sflag:s16], $0x50  }
0x1d7: {  	[sflag:s16] =	ssyncset.done $0x0  }
0x1d8: {  	[sflag:s16] =	ssyncadd.s32 $0xFFFFFFB0  }
0x1d9: {  	v2 =	vld [tilespmem:$0x380]  }
0x1da: {  	v3 =	vld [tilespmem:$0x500]  }
0x1db: {  	v4 =	vld [tilespmem:$0x390]  }
0x1dc: {  	v5 =	vld [tilespmem:$0x510]  }
0x1dd: {  	v6 =	vld [tilespmem:$0x3A0]  }
0x1de: {  	v7 =	vld [tilespmem:$0x520]  }
0x1df: {  	v8 =	vld [tilespmem:$0x530];
	v2 =	vadd.f32 v3, v2  }
0x1e0: {  	v10 =	vld [tilespmem:$0x3C0]  }
0x1e1: {  	v3 =	vld [tilespmem:$0x3B0];
	v9 =	vmul.f32 $9.999999770e-03, v2  }
0x1e2: {  	v11 =	vld [tilespmem:$0x540];
	vm0 =	vgt.f32 v2, $0.0e+00  }
0x1e3: {  	v4 =	vadd.f32 v5, v4;
	v2 =	vsel vm0, v2, v9  }
0x1e4: {  	v2 =	vmul.f32 $1.442695020e+00, v2  }
0x1e5: {  	v6 =	vadd.f32 v7, v6;
	v5 =	vmul.f32 $9.999999770e-03, v4  }
0x1e6: {  	vm12 =	vgt.f32 v4, $0.0e+00;
	(erf) = vpow2.f32 v2;
	v2 =	vadd.f32 v8, v3  }
0x1e7: {  	v3 =	vsel vm12, v4, v5;
	v4 =	vmul.f32 $9.999999770e-03, v6;
	v5 =	vadd.f32 v11, v10  }
0x1e8: {  	vm13 =	vgt.f32 v6, $0.0e+00;
	v3 =	vmul.f32 $1.442695020e+00, v3;
	v7 =	vmul.f32 $9.999999770e-03, v2  }
0x1e9: {  	v4 =	vsel vm13, v6, v4;
	vm14 =	vgt.f32 v2, $0.0e+00;
	v6 =	vmul.f32 $9.999999770e-03, v5  }
0x1ea: {  	vm15 =	vgt.f32 v5, $0.0e+00;
	v4 =	vmul.f32 $1.442695020e+00, v4;
	v2 =	vsel vm14, v2, v7  }
0x1eb: {  	(erf) = vpow2.f32 v3;
	v3 =	vsel vm15, v5, v6;
	v2 =	vmul.f32 $1.442695020e+00, v2  }
0x1ec: {  	(erf) = vpow2.f32 v4;
	v3 =	vmul.f32 $1.442695020e+00, v3  }
0x1ed: {  	(erf) = vpow2.f32 v2  }
0x1ee: {  	(erf) = vpow2.f32 v3;
	_ =	sdelay $0x1  }
0x1ef: {  	s25 =	simm.s32 $0x0  }
0x1f0: {  	s20 =	simm.s32 $0x6;
	v2 =	vmov s25  }
0x1f1: {  	v2 =	vand.u32 $0xFFFFFFF8, v2;
	v3 =	vmov s20  }
0x1f2: {  	v4 =	vpop (erf);
	v2 =	vbroadcast v2, $0x0;
	v3 =	vand.u32 $0xFFFFFFFE, v3  }
0x1f3: {  	[tilespmem:$0x680] =	vst v4;
	v3 =	vbroadcast v3, $0x0;
	v5 =	vpop (erf)  }
0x1f4: {  	[tilespmem:$0x690] =	vst v5;
	v4 =	vpop (erf)  }
0x1f5: {  	[tilespmem:$0x6A0] =	vst v4;
	v5 =	vpop (erf)  }
0x1f6: {  	[tilespmem:$0x6B0] =	vst v5;
	v4 =	vpop (erf)  }
0x1f7: {  	[tilespmem:$0x6C0] =	vst v4  }
0x1f8: {  	v2 =	vld.idx.msk [tilespmem:v2+s18+$0x0], $0xffff  }
0x1f9: {  	s25 =	simm.s32 $0x3180;
	v3 =	vld.idx.msk [tilespmem:v3+s18+$0x0], $0xffff  }
0x1fa: {  	v5 =	vld [tilespmem:s25+$0x170]  }
0x1fb: {  	v6 =	vld [tilespmem:s25+$0xFFFFFE00]  }
0x1fc: {  	v7 =	vld [tilespmem:s25+$0xFFFFFE10]  }
0x1fd: {  	v8 =	vld [tilespmem:s25+$0xFFFFFE20]  }
0x1fe: {  	s22 =	simm.s32 $0x1;
	v9 =	vld [tilespmem:s25+$0xFFFFFE30]  }
0x1ff: {  	v4 =	vmov s22;
	v10 =	vld [tilespmem:s25+$0xFFFFFE40]  }
0x200: {  	v4 =	vand.u32 $0xFFFFFFF9, v4;
	v11 =	vld [tilespmem:s25+$0xFFFFFE50]  }
0x201: {  	v12 =	vld [tilespmem:s25+$0xFFFFFE60];
	v4 =	vbroadcast v4, $0x0  }
0x202: {  	v13 =	vld [tilespmem:s25+$0xFFFFFE70]  }
0x203: {  	v14 =	vld [tilespmem:s25+$0xFFFFFE80]  }
0x204: {  	v15 =	vld [tilespmem:s25+$0xFFFFFE90]  }
0x205: {  	v16 =	vld [tilespmem:s25+$0xFFFFFEA0];
	v6 =	vmul.f32 v6, v2  }
0x206: {  	v17 =	vld [tilespmem:s25+$0xFFFFFEB0];
	v5 =	vmul.f32 v5, v3  }
0x207: {  	v9 =	vmul.f32 v9, v2;
	v4 =	vld.idx.msk [tilespmem:v4+s18+$0x0], $0xffff;
	[tilespmem:s25+$0xFFFFFE00] =	vst v6  }
0x208: {  	s20 =	simm.s32 $0x2;
	v10 =	vmul.f32 v10, v2;
	[tilespmem:s25+$0x170] =	vst v5;
	v5 =	vmul.f32 v8, v2;
	v8 =	vld [tilespmem:s25+$0xFFFFFEC0]  }
0x209: {  	v7 =	vmul.f32 v7, v2;
	v6 =	vmov s20;
	[tilespmem:s25+$0xFFFFFE30] =	vst v9;
	v9 =	vmul.f32 v11, v2;
	v11 =	vld [tilespmem:s25+$0xFFFFFEF0]  }
0x20a: {  	[tilespmem:s25+$0xFFFFFE40] =	vst v10;
	v10 =	vmul.f32 v12, v2;
	v12 =	vld [tilespmem:s25+$0xFFFFFF00];
	v6 =	vand.u32 $0xFFFFFFFA, v6  }
0x20b: {  	[tilespmem:s25+$0xFFFFFE10] =	vst v7;
	v2 =	vmul.f32 v13, v2;
	v13 =	vld [tilespmem:s25+$0xFFFFFF20];
	v6 =	vbroadcast v6, $0x0  }
0x20c: {  	[tilespmem:s25+$0xFFFFFE20] =	vst v5;
	v5 =	vld [tilespmem:s25+$0xFFFFFEE0]  }
0x20d: {  	[tilespmem:s25+$0xFFFFFE50] =	vst v9;
	v9 =	vld [tilespmem:s25+$0xFFFFFF10]  }
0x20e: {  	[tilespmem:s25+$0xFFFFFE60] =	vst v10;
	v7 =	vmul.f32 v14, v4;
	v14 =	vld [tilespmem:s25+$0xFFFFFED0]  }
0x20f: {  	[tilespmem:s25+$0xFFFFFE70] =	vst v2;
	v10 =	vmul.f32 v15, v4;
	v15 =	vld [tilespmem:s25+$0xFFFFFF30]  }
0x210: {  	s22 =	simm.s32 $0x3;
	v2 =	vmul.f32 v16, v4;
	v16 =	vld [tilespmem:s25+$0xFFFFFF40];
	v8 =	vmul.f32 v8, v4;
	[tilespmem:s25+$0xFFFFFE80] =	vst v7  }
0x211: {  	v7 =	vmov s22;
	[tilespmem:s25+$0xFFFFFE90] =	vst v10;
	v10 =	vmul.f32 v17, v4;
	v6 =	vld.idx.msk [tilespmem:v6+s18+$0x0], $0xffff  }
0x212: {  	[tilespmem:s25+$0xFFFFFEC0] =	vst v8;
	v8 =	vld [tilespmem:s25+$0xFFFFFF70];
	v7 =	vand.u32 $0xFFFFFFFB, v7  }
0x213: {  	v7 =	vbroadcast v7, $0x0;
	[tilespmem:s25+$0xFFFFFEB0] =	vst v10;
	v10 =	vld [tilespmem:s25+$0xFFFFFF60];
	v14 =	vmul.f32 v14, v4  }
0x214: {  	[tilespmem:s25+$0xFFFFFEA0] =	vst v2;
	v5 =	vmul.f32 v5, v4;
	v4 =	vmul.f32 v11, v4;
	v11 =	vld [tilespmem:s25+$0xFFFFFF80]  }
0x215: {  	[tilespmem:s25+$0xFFFFFED0] =	vst v14;
	v14 =	vld [tilespmem:s25+$0xFFFFFFB0]  }
0x216: {  	[tilespmem:s25+$0xFFFFFEE0] =	vst v5;
	v2 =	vmul.f32 v12, v6;
	v12 =	vld [tilespmem:s25+$0xFFFFFF50]  }
0x217: {  	[tilespmem:s25+$0xFFFFFEF0] =	vst v4;
	v5 =	vmul.f32 v9, v6;
	v9 =	vld [tilespmem:s25+$0xFFFFFF90]  }
0x218: {  	s20 =	simm.s32 $0x4;
	v4 =	vmul.f32 v13, v6;
	v13 =	vld [tilespmem:s25+$0xFFFFFFA0];
	[tilespmem:s25+$0xFFFFFF00] =	vst v2  }
0x219: {  	v10 =	vmul.f32 v10, v6;
	v7 =	vld.idx.msk [tilespmem:v7+s18+$0x0], $0xffff;
	v2 =	vmov s20;
	[tilespmem:s25+$0xFFFFFF10] =	vst v5  }
0x21a: {  	v5 =	vmul.f32 v15, v6;
	[tilespmem:s25+$0xFFFFFF20] =	vst v4;
	v4 =	vmul.f32 v16, v6;
	v15 =	vld [tilespmem:s25+$0xFFFFFFC0];
	v2 =	vand.u32 $0xFFFFFFFC, v2  }
0x21b: {  	[tilespmem:s25+$0xFFFFFF60] =	vst v10;
	v10 =	vld [tilespmem:s25+$0x0];
	v2 =	vbroadcast v2, $0x0  }
0x21c: {  	[tilespmem:s25+$0xFFFFFF40] =	vst v4;
	v4 =	vld [tilespmem:s25+$0xFFFFFFE0];
	v12 =	vmul.f32 v12, v6  }
0x21d: {  	[tilespmem:s25+$0xFFFFFF30] =	vst v5;
	v6 =	vmul.f32 v8, v6;
	v8 =	vld [tilespmem:s25+$0xFFFFFFF0]  }
0x21e: {  	v5 =	vmul.f32 v11, v7;
	v11 =	vld [tilespmem:s25+$0xFFFFFFD0];
	[tilespmem:s25+$0xFFFFFF50] =	vst v12  }
0x21f: {  	v9 =	vmul.f32 v9, v7;
	[tilespmem:s25+$0xFFFFFF70] =	vst v6;
	v12 =	vld [tilespmem:s25+$0x10]  }
0x220: {  	s22 =	simm.s32 $0x5;
	v6 =	vmul.f32 v13, v7;
	v13 =	vld [tilespmem:s25+$0x20];
	[tilespmem:s25+$0xFFFFFF80] =	vst v5  }
0x221: {  	v5 =	vmov s22;
	[tilespmem:s25+$0xFFFFFF90] =	vst v9;
	v9 =	vmul.f32 v14, v7;
	v2 =	vld.idx.msk [tilespmem:v2+s18+$0x0], $0xffff  }
0x222: {  	[tilespmem:s25+$0xFFFFFFA0] =	vst v6;
	v6 =	vmul.f32 v15, v7;
	v14 =	vld [tilespmem:s25+$0x30];
	v5 =	vand.u32 $0xFFFFFFFD, v5  }
0x223: {  	v5 =	vbroadcast v5, $0x0;
	[tilespmem:s25+$0xFFFFFFB0] =	vst v9;
	v9 =	vmul.f32 v11, v7;
	v11 =	vld [tilespmem:s25+$0x40]  }
0x224: {  	v4 =	vmul.f32 v4, v7;
	[tilespmem:s25+$0xFFFFFFC0] =	vst v6;
	v7 =	vmul.f32 v8, v7;
	v8 =	vld [tilespmem:s25+$0x80]  }
0x225: {  	[tilespmem:s25+$0xFFFFFFD0] =	vst v9;
	v9 =	vld [tilespmem:s25+$0x60]  }
0x226: {  	[tilespmem:s25+$0xFFFFFFE0] =	vst v4;
	v6 =	vmul.f32 v10, v2;
	v10 =	vld [tilespmem:s25+$0x50]  }
0x227: {  	[tilespmem:s25+$0xFFFFFFF0] =	vst v7;
	v4 =	vmul.f32 v12, v2;
	v7 =	vmul.f32 v13, v2;
	v12 =	vld [tilespmem:s25+$0x90]  }
0x228: {  	[tilespmem:s25+$0x0] =	vst v6;
	v6 =	vld [tilespmem:s25+$0x70]  }
0x229: {  	v5 =	vld.idx.msk [tilespmem:v5+s18+$0x0], $0xffff;
	[tilespmem:s25+$0x20] =	vst v7;
	v7 =	vmul.f32 v11, v2  }
0x22a: {  	[tilespmem:s25+$0x10] =	vst v4;
	v4 =	vmul.f32 v14, v2;
	v11 =	vld [tilespmem:s25+$0xA0]  }
0x22b: {  	[tilespmem:s25+$0x40] =	vst v7;
	v7 =	vmul.f32 v9, v2;
	v9 =	vld [tilespmem:s25+$0xC0]  }
0x22c: {  	[tilespmem:s25+$0x30] =	vst v4;
	v4 =	vmul.f32 v10, v2;
	v10 =	vld [tilespmem:s25+$0xB0]  }
0x22d: {  	s20 =	simm.s32 $0x7;
	[tilespmem:s25+$0x60] =	vst v7;
	v7 =	vld [tilespmem:s25+$0xE0];
	v6 =	vmul.f32 v6, v2  }
0x22e: {  	v13 =	vmov s20;
	[tilespmem:s25+$0x50] =	vst v4;
	v4 =	vmul.f32 v8, v5;
	v8 =	vld [tilespmem:s25+$0xD0]  }
0x22f: {  	v12 =	vmul.f32 v12, v5;
	[tilespmem:s25+$0x70] =	vst v6;
	v6 =	vld [tilespmem:s25+$0xF0]  }
0x230: {  	[tilespmem:s25+$0x80] =	vst v4;
	v4 =	vmul.f32 v11, v5;
	v11 =	vld [tilespmem:s25+$0x100]  }
0x231: {  	[tilespmem:s25+$0x90] =	vst v12;
	v12 =	vld [tilespmem:s25+$0x150];
	v10 =	vmul.f32 v10, v5  }
0x232: {  	[tilespmem:s25+$0xA0] =	vst v4;
	v4 =	vmul.f32 v9, v5;
	v9 =	vld [tilespmem:s25+$0x110]  }
0x233: {  	v2 =	vld.idx.msk [tilespmem:v13+s18+$0x0], $0xffff;
	[tilespmem:s25+$0xB0] =	vst v10;
	v8 =	vmul.f32 v8, v5  }
0x234: {  	v10 =	vld [tilespmem:s25+$0x120];
	[tilespmem:s25+$0xC0] =	vst v4;
	v4 =	vmul.f32 v7, v5  }
0x235: {  	s20 =	simm.s32 $0x9;
	v7 =	vld [tilespmem:s25+$0x130];
	[tilespmem:s25+$0xD0] =	vst v8;
	v5 =	vmul.f32 v6, v5  }
0x236: {  	s22 =	simm.s32 $0x8;
	v13 =	vmov s20;
	v6 =	vld [tilespmem:s25+$0x140];
	v11 =	vmul.f32 v11, v3;
	[tilespmem:s25+$0xE0] =	vst v4  }
0x237: {  	s5 =	simm.s32 $0xF;
	v8 =	vmov s22;
	s22 =	simm.s32 $0xA;
	v12 =	vmul.f32 v12, v3;
	[tilespmem:s25+$0xF0] =	vst v5;
	v5 =	vmul.f32 v9, v3;
	v9 =	vld [tilespmem:s25+$0x160]  }
0x238: {  	v15 =	vld [tilespmem:s25+$0x180];
	s20 =	simm.s32 $0xB;
	v8 =	vand.u32 $0xFFFFFFF8, v8;
	v4 =	vmov s5;
	v14 =	vmov s22;
	s22 =	simm.s32 $0xC;
	[tilespmem:s25+$0x100] =	vst v11  }
0x239: {  	v18 =	vld [tilespmem:s25+$0x190];
	v11 =	vmov s20;
	v16 =	vmov s22;
	s22 =	simm.s32 $0xD;
	[tilespmem:s25+$0x150] =	vst v12;
	v10 =	vmul.f32 v10, v3  }
0x23a: {  	v19 =	vmov s22;
	[tilespmem:s25+$0x110] =	vst v5;
	v17 =	vmul.f32 v7, v3;
	v5 =	vbroadcast v8, $0x0;
	v7 =	vld [tilespmem:s25+$0x1A0]  }
0x23b: {  	v8 =	vld [tilespmem:s25+$0x1B0];
	[tilespmem:s25+$0x120] =	vst v10;
	v10 =	vmul.f32 v6, v3;
	v6 =	vand.u32 $0xFFFFFFF9, v13;
	v13 =	vand.u32 $0xFFFFFFFA, v14  }
0x23c: {  	v14 =	vand.u32 $0xFFFFFFFB, v11;
	[tilespmem:s25+$0x130] =	vst v17;
	v6 =	vbroadcast v6, $0x0;
	v17 =	vmul.f32 v9, v3;
	v9 =	vld [tilespmem:s25+$0x1C0]  }
0x23d: {  	v11 =	vbroadcast v13, $0x0;
	[tilespmem:s25+$0x140] =	vst v10;
	v3 =	vand.u32 $0xFFFFFFFC, v16;
	v16 =	vmul.f32 v15, v2;
	v10 =	vld [tilespmem:s25+$0x1D0]  }
0x23e: {  	s30 =	simm.s32 $0x10;
	s20 =	simm.s32 $0xE;
	v12 =	vld [tilespmem:s25+$0x1E0];
	v13 =	vbroadcast v14, $0x0;
	v14 =	vmul.f32 v18, v2;
	v15 =	vand.u32 $0xFFFFFFFD, v19;
	[tilespmem:s25+$0x160] =	vst v17  }
.LBB2_11:
0x23f: {  	p1 =	slt.u32 s30, $0x48;
	v3 =	vbroadcast v3, $0x0;
	v17 =	vmov s20;
	[tilespmem:s25+$0x180] =	vst v16;
	v7 =	vmul.f32 v7, v2;
	v16 =	vld [tilespmem:s25+$0x1F0]  }
0x240: {  	v15 =	vbroadcast v15, $0x0;
	v17 =	vand.u32 $0xFFFFFFFE, v17;
	v18 =	vld.idx.msk [tilespmem:v4+s18+$0x0], $0xffff;
	[tilespmem:s25+$0x190] =	vst v14;
	v4 =	vmul.f32 v8, v2  }
0x241: {  	v8 =	vld.idx.msk [tilespmem:v5+s18+$0x0], $0xffff;
	v14 =	vbroadcast v17, $0x0;
	[tilespmem:s25+$0x1A0] =	vst v7;
	v5 =	vmul.f32 v9, v2  }
0x242: {  	v7 =	vld.idx.msk [tilespmem:v6+s18+$0x0], $0xffff;
	[tilespmem:s25+$0x1B0] =	vst v4;
	v4 =	vmul.f32 v10, v2  }
0x243: {  	v9 =	vld.idx.msk [tilespmem:v11+s18+$0x0], $0xffff;
	[tilespmem:s25+$0x1C0] =	vst v5;
	v10 =	vmul.f32 v12, v2  }
0x244: {  	v6 =	vld.idx.msk [tilespmem:v13+s18+$0x0], $0xffff;
	[tilespmem:s25+$0x1D0] =	vst v4;
	v11 =	vmul.f32 v16, v2  }
0x245: {  	v5 =	vld.idx.msk [tilespmem:v3+s18+$0x0], $0xffff;
	[tilespmem:s25+$0x1E0] =	vst v10  }
0x246: {  	v2 =	vmov v18;
	v4 =	vld.idx.msk [tilespmem:v15+s18+$0x0], $0xffff;
	[tilespmem:s25+$0x1F0] =	vst v11  }
0x247: {  	s25 =	sadd.s32 $0x400, s25;
	v3 =	vld.idx.msk [tilespmem:v14+s18+$0x0], $0xffff  }
0x248: {  	v10 =	vld [tilespmem:s25+$0x170]  }
0x249: {  	v11 =	vld [tilespmem:s25+$0xFFFFFE00]  }
0x24a: {  	v12 =	vld [tilespmem:s25+$0xFFFFFE10]  }
0x24b: {  	v13 =	vld [tilespmem:s25+$0xFFFFFE20]  }
0x24c: {  	v14 =	vld [tilespmem:s25+$0xFFFFFE30]  }
0x24d: {  	v15 =	vld [tilespmem:s25+$0xFFFFFE40];
	v10 =	vmul.f32 v10, v3  }
0x24e: {  	v11 =	vmul.f32 v11, v8;
	v16 =	vld [tilespmem:s25+$0xFFFFFE50]  }
0x24f: {  	v12 =	vmul.f32 v12, v8;
	v17 =	vld [tilespmem:s25+$0xFFFFFE60];
	[tilespmem:s25+$0x170] =	vst v10  }
0x250: {  	[tilespmem:s25+$0xFFFFFE00] =	vst v11;
	v10 =	vmul.f32 v13, v8;
	v11 =	vld [tilespmem:s25+$0xFFFFFE70]  }
0x251: {  	[tilespmem:s25+$0xFFFFFE10] =	vst v12;
	v12 =	vmul.f32 v14, v8;
	v13 =	vld [tilespmem:s25+$0xFFFFFE80]  }
0x252: {  	[tilespmem:s25+$0xFFFFFE20] =	vst v10;
	v10 =	vmul.f32 v15, v8;
	v14 =	vld [tilespmem:s25+$0xFFFFFE90]  }
0x253: {  	[tilespmem:s25+$0xFFFFFE30] =	vst v12;
	v12 =	vmul.f32 v16, v8;
	v15 =	vld [tilespmem:s25+$0xFFFFFEA0]  }
0x254: {  	[tilespmem:s25+$0xFFFFFE40] =	vst v10;
	v10 =	vmul.f32 v17, v8;
	v16 =	vld [tilespmem:s25+$0xFFFFFEB0]  }
0x255: {  	[tilespmem:s25+$0xFFFFFE50] =	vst v12;
	v8 =	vmul.f32 v11, v8;
	v11 =	vld [tilespmem:s25+$0xFFFFFEC0]  }
0x256: {  	[tilespmem:s25+$0xFFFFFE60] =	vst v10;
	v10 =	vmul.f32 v13, v7;
	v12 =	vld [tilespmem:s25+$0xFFFFFED0]  }
0x257: {  	[tilespmem:s25+$0xFFFFFE70] =	vst v8;
	v8 =	vmul.f32 v14, v7;
	v13 =	vld [tilespmem:s25+$0xFFFFFEE0]  }
0x258: {  	[tilespmem:s25+$0xFFFFFE80] =	vst v10;
	v10 =	vmul.f32 v15, v7;
	v14 =	vld [tilespmem:s25+$0xFFFFFEF0]  }
0x259: {  	[tilespmem:s25+$0xFFFFFE90] =	vst v8;
	v8 =	vmul.f32 v16, v7;
	v15 =	vld [tilespmem:s25+$0xFFFFFF00]  }
0x25a: {  	[tilespmem:s25+$0xFFFFFEA0] =	vst v10;
	v10 =	vmul.f32 v11, v7;
	v11 =	vld [tilespmem:s25+$0xFFFFFF10]  }
0x25b: {  	[tilespmem:s25+$0xFFFFFEB0] =	vst v8;
	v8 =	vmul.f32 v12, v7;
	v12 =	vld [tilespmem:s25+$0xFFFFFF20]  }
0x25c: {  	[tilespmem:s25+$0xFFFFFEC0] =	vst v10;
	v10 =	vmul.f32 v13, v7;
	v13 =	vld [tilespmem:s25+$0xFFFFFF30]  }
0x25d: {  	[tilespmem:s25+$0xFFFFFED0] =	vst v8;
	v7 =	vmul.f32 v14, v7;
	v8 =	vld [tilespmem:s25+$0xFFFFFF40]  }
0x25e: {  	[tilespmem:s25+$0xFFFFFEE0] =	vst v10;
	v10 =	vmul.f32 v15, v9;
	v14 =	vld [tilespmem:s25+$0xFFFFFF50]  }
0x25f: {  	[tilespmem:s25+$0xFFFFFEF0] =	vst v7;
	v7 =	vmul.f32 v11, v9;
	v11 =	vld [tilespmem:s25+$0xFFFFFF60]  }
0x260: {  	[tilespmem:s25+$0xFFFFFF00] =	vst v10;
	v10 =	vmul.f32 v12, v9;
	v12 =	vld [tilespmem:s25+$0xFFFFFF70]  }
0x261: {  	[tilespmem:s25+$0xFFFFFF10] =	vst v7;
	v7 =	vmul.f32 v13, v9;
	v13 =	vld [tilespmem:s25+$0xFFFFFF80]  }
0x262: {  	[tilespmem:s25+$0xFFFFFF20] =	vst v10;
	v8 =	vmul.f32 v8, v9;
	v10 =	vld [tilespmem:s25+$0xFFFFFF90]  }
0x263: {  	[tilespmem:s25+$0xFFFFFF30] =	vst v7;
	v7 =	vmul.f32 v14, v9;
	v14 =	vld [tilespmem:s25+$0xFFFFFFA0]  }
0x264: {  	[tilespmem:s25+$0xFFFFFF40] =	vst v8;
	v8 =	vmul.f32 v11, v9;
	v11 =	vld [tilespmem:s25+$0xFFFFFFB0]  }
0x265: {  	[tilespmem:s25+$0xFFFFFF50] =	vst v7;
	v7 =	vmul.f32 v12, v9;
	v9 =	vld [tilespmem:s25+$0xFFFFFFC0]  }
0x266: {  	[tilespmem:s25+$0xFFFFFF60] =	vst v8;
	v8 =	vmul.f32 v13, v6;
	v12 =	vld [tilespmem:s25+$0xFFFFFFD0]  }
0x267: {  	[tilespmem:s25+$0xFFFFFF70] =	vst v7;
	v7 =	vmul.f32 v10, v6;
	v10 =	vld [tilespmem:s25+$0xFFFFFFE0]  }
0x268: {  	[tilespmem:s25+$0xFFFFFF80] =	vst v8;
	v8 =	vmul.f32 v14, v6;
	v13 =	vld [tilespmem:s25+$0xFFFFFFF0]  }
0x269: {  	[tilespmem:s25+$0xFFFFFF90] =	vst v7;
	v7 =	vmul.f32 v11, v6;
	v11 =	vld [tilespmem:s25+$0x0]  }
0x26a: {  	[tilespmem:s25+$0xFFFFFFA0] =	vst v8;
	v8 =	vmul.f32 v9, v6;
	v9 =	vld [tilespmem:s25+$0x10]  }
0x26b: {  	[tilespmem:s25+$0xFFFFFFB0] =	vst v7;
	v7 =	vmul.f32 v12, v6;
	v12 =	vld [tilespmem:s25+$0x20]  }
0x26c: {  	[tilespmem:s25+$0xFFFFFFC0] =	vst v8;
	v8 =	vmul.f32 v10, v6;
	v10 =	vld [tilespmem:s25+$0x30]  }
0x26d: {  	[tilespmem:s25+$0xFFFFFFD0] =	vst v7;
	v6 =	vmul.f32 v13, v6;
	v7 =	vld [tilespmem:s25+$0x40]  }
0x26e: {  	[tilespmem:s25+$0xFFFFFFE0] =	vst v8;
	v8 =	vmul.f32 v11, v5;
	v11 =	vld [tilespmem:s25+$0x50]  }
0x26f: {  	[tilespmem:s25+$0xFFFFFFF0] =	vst v6;
	v6 =	vmul.f32 v9, v5;
	v9 =	vld [tilespmem:s25+$0x60]  }
0x270: {  	[tilespmem:s25+$0x0] =	vst v8;
	v8 =	vmul.f32 v12, v5;
	v12 =	vld [tilespmem:s25+$0x70]  }
0x271: {  	[tilespmem:s25+$0x10] =	vst v6;
	v6 =	vmul.f32 v10, v5;
	v10 =	vld [tilespmem:s25+$0x80]  }
0x272: {  	[tilespmem:s25+$0x20] =	vst v8;
	v7 =	vmul.f32 v7, v5;
	v8 =	vld [tilespmem:s25+$0x90]  }
0x273: {  	[tilespmem:s25+$0x30] =	vst v6;
	v6 =	vmul.f32 v11, v5;
	v11 =	vld [tilespmem:s25+$0xA0]  }
0x274: {  	[tilespmem:s25+$0x40] =	vst v7;
	v7 =	vmul.f32 v9, v5;
	v9 =	vld [tilespmem:s25+$0xB0]  }
0x275: {  	[tilespmem:s25+$0x50] =	vst v6;
	v5 =	vmul.f32 v12, v5;
	v6 =	vld [tilespmem:s25+$0xC0]  }
0x276: {  	[tilespmem:s25+$0x60] =	vst v7;
	v7 =	vmul.f32 v10, v4;
	v10 =	vld [tilespmem:s25+$0xD0]  }
0x277: {  	[tilespmem:s25+$0x70] =	vst v5;
	v5 =	vmul.f32 v8, v4;
	v8 =	vld [tilespmem:s25+$0xE0]  }
0x278: {  	[tilespmem:s25+$0x80] =	vst v7;
	v7 =	vmul.f32 v11, v4;
	v11 =	vld [tilespmem:s25+$0xF0]  }
0x279: {  	[tilespmem:s25+$0x90] =	vst v5;
	v5 =	vmul.f32 v9, v4;
	v9 =	vld [tilespmem:s25+$0x100]  }
0x27a: {  	[tilespmem:s25+$0xA0] =	vst v7;
	v6 =	vmul.f32 v6, v4;
	v7 =	vld [tilespmem:s25+$0x110]  }
0x27b: {  	[tilespmem:s25+$0xB0] =	vst v5;
	v5 =	vmul.f32 v10, v4;
	v10 =	vld [tilespmem:s25+$0x120]  }
0x27c: {  	[tilespmem:s25+$0xC0] =	vst v6;
	v6 =	vmul.f32 v8, v4;
	v8 =	vld [tilespmem:s25+$0x130]  }
0x27d: {  	[tilespmem:s25+$0xD0] =	vst v5;
	v5 =	vmul.f32 v11, v4;
	v11 =	vld [tilespmem:s25+$0x140]  }
0x27e: {  	s5 =	sadd.s32 $0x7, s30;
	v4 =	vmov s30;
	[tilespmem:s25+$0xE0] =	vst v6;
	v6 =	vmul.f32 v9, v3;
	v9 =	vld [tilespmem:s25+$0x150]  }
0x27f: {  	s20 =	sadd.s32 $0x1, s30;
	s22 =	sadd.s32 $0x2, s30;
	v12 =	vand.u32 $0xFFFFFFF8, v4;
	v4 =	vmov s5;
	[tilespmem:s25+$0xF0] =	vst v5;
	v5 =	vmul.f32 v7, v3;
	v13 =	vld [tilespmem:s25+$0x160]  }
0x280: {  	v15 =	vmov s22;
	v14 =	vmov s20;
	s20 =	sadd.s32 $0x4, s30;
	s5 =	sadd.s32 $0x3, s30;
	[tilespmem:s25+$0x100] =	vst v6;
	v6 =	vmul.f32 v10, v3;
	v10 =	vld [tilespmem:s25+$0x180]  }
0x281: {  	v17 =	vmov s20;
	v16 =	vmov s5;
	s5 =	sadd.s32 $0x5, s30;
	[tilespmem:s25+$0x110] =	vst v5;
	v8 =	vmul.f32 v8, v3;
	v18 =	vld [tilespmem:s25+$0x190]  }
.Ltmp4:
0x282: {  	v5 =	vbroadcast v12, $0x0;
	v12 =	vmov s5;
	[tilespmem:s25+$0x120] =	vst v6;
	v11 =	vmul.f32 v11, v3;
	v7 =	vld [tilespmem:s25+$0x1A0];
	(pc) =	sbr.rel @p1 .LBB2_11-.Ltmp4, $4  }
0x283: {  	v6 =	vand.u32 $0xFFFFFFF9, v14;
	v14 =	vand.u32 $0xFFFFFFFA, v15;
	[tilespmem:s25+$0x130] =	vst v8;
	v15 =	vmul.f32 v9, v3;
	v8 =	vld [tilespmem:s25+$0x1B0]  }
0x284: {  	v19 =	vand.u32 $0xFFFFFFFB, v16;
	v6 =	vbroadcast v6, $0x0;
	[tilespmem:s25+$0x140] =	vst v11;
	v20 =	vmul.f32 v13, v3;
	v9 =	vld [tilespmem:s25+$0x1C0]  }
0x285: {  	v11 =	vbroadcast v14, $0x0;
	v3 =	vand.u32 $0xFFFFFFFC, v17;
	[tilespmem:s25+$0x150] =	vst v15;
	v16 =	vmul.f32 v10, v2;
	v10 =	vld [tilespmem:s25+$0x1D0]  }
0x286: {  	s20 =	sadd.s32 $0x6, s30;
	s30 =	sadd.s32 $0x8, s30;
	v13 =	vbroadcast v19, $0x0;
	v15 =	vand.u32 $0xFFFFFFFD, v12;
	[tilespmem:s25+$0x160] =	vst v20;
	v14 =	vmul.f32 v18, v2;
	v12 =	vld [tilespmem:s25+$0x1E0]  }
0x287: {  	_ =	sdelay $0x2  }
0x288: {  	v17 =	vld [tilespmem:s25+$0x1F0]  }
0x289: {  	v19 =	vld.idx.msk [tilespmem:v5+s18+$0x0], $0xffff  }
0x28a: {  	v63 =	vld.idx.msk [tilespmem:v6+s18+$0x0], $0xffff  }
0x28b: {  	v61 =	vbroadcast v3, $0x0;
	v3 =	vmov s20;
	v11 =	vld.idx.msk [tilespmem:v11+s18+$0x0], $0xffff  }
0x28c: {  	v18 =	vand.u32 $0xFFFFFFFE, v3;
	v3 =	vld.idx.msk [tilespmem:v4+s18+$0x0], $0xffff  }
0x28d: {  	s30 =	sadd.s32 $0x400, s25;
	v13 =	vld.idx.msk [tilespmem:v13+s18+$0x0], $0xffff  }
0x28e: {  	v23 =	vld [tilespmem:s30+$0xFFFFFE00]  }
0x28f: {  	v25 =	vld [tilespmem:s30+$0xFFFFFE10]  }
0x290: {  	[tilespmem:s25+$0x180] =	vst v16;
	v7 =	vmul.f32 v7, v2;
	v27 =	vld [tilespmem:s30+$0xFFFFFE20]  }
0x291: {  	[tilespmem:s25+$0x190] =	vst v14;
	v8 =	vmul.f32 v8, v2;
	v28 =	vld [tilespmem:s30+$0xFFFFFE30]  }
0x292: {  	v29 =	vld [tilespmem:s30+$0xFFFFFE40];
	[tilespmem:s25+$0x1A0] =	vst v7;
	v22 =	vmul.f32 v9, v2  }
0x293: {  	v30 =	vld [tilespmem:s30+$0xFFFFFE50];
	[tilespmem:s25+$0x1B0] =	vst v8;
	v24 =	vmul.f32 v10, v2  }
0x294: {  	v31 =	vld [tilespmem:s30+$0xFFFFFE60];
	[tilespmem:s25+$0x1C0] =	vst v22;
	v26 =	vmul.f32 v12, v2  }
0x295: {  	v32 =	vld [tilespmem:s30+$0xFFFFFE70];
	[tilespmem:s25+$0x1D0] =	vst v24;
	v2 =	vmul.f32 v17, v2  }
0x296: {  	v33 =	vld [tilespmem:s30+$0xFFFFFE80];
	[tilespmem:s25+$0x1E0] =	vst v26;
	v10 =	vmul.f32 v25, v19  }
0x297: {  	v34 =	vld [tilespmem:s30+$0xFFFFFE90];
	[tilespmem:s25+$0x1F0] =	vst v2;
	v2 =	vmul.f32 v23, v19  }
0x298: {  	v36 =	vld [tilespmem:s30+$0xFFFFFEA0];
	v8 =	vmul.f32 v28, v19;
	[tilespmem:s30+$0xFFFFFE10] =	vst v10  }
0x299: {  	v37 =	vld [tilespmem:s30+$0xFFFFFEB0];
	[tilespmem:s30+$0xFFFFFE00] =	vst v2;
	v2 =	vmul.f32 v27, v19  }
0x29a: {  	v39 =	vld [tilespmem:s30+$0xFFFFFEC0];
	v35 =	vmul.f32 v30, v19;
	[tilespmem:s30+$0xFFFFFE30] =	vst v8  }
0x29b: {  	v40 =	vld [tilespmem:s30+$0xFFFFFED0];
	[tilespmem:s30+$0xFFFFFE20] =	vst v2;
	v2 =	vmul.f32 v29, v19  }
0x29c: {  	v41 =	vld [tilespmem:s30+$0xFFFFFEE0];
	v38 =	vmul.f32 v32, v19;
	[tilespmem:s30+$0xFFFFFE50] =	vst v35  }
0x29d: {  	v42 =	vld [tilespmem:s30+$0xFFFFFEF0];
	[tilespmem:s30+$0xFFFFFE40] =	vst v2;
	v2 =	vmul.f32 v31, v19  }
0x29e: {  	v44 =	vld [tilespmem:s30+$0xFFFFFF00];
	v7 =	vmul.f32 v34, v63;
	[tilespmem:s30+$0xFFFFFE70] =	vst v38  }
0x29f: {  	v45 =	vld [tilespmem:s30+$0xFFFFFF10];
	[tilespmem:s30+$0xFFFFFE60] =	vst v2;
	v2 =	vmul.f32 v33, v63  }
0x2a0: {  	v47 =	vld [tilespmem:s30+$0xFFFFFF20];
	v43 =	vmul.f32 v37, v63;
	[tilespmem:s30+$0xFFFFFE90] =	vst v7  }
0x2a1: {  	v48 =	vld [tilespmem:s30+$0xFFFFFF30];
	[tilespmem:s30+$0xFFFFFE80] =	vst v2;
	v2 =	vmul.f32 v36, v63  }
0x2a2: {  	v50 =	vld [tilespmem:s30+$0xFFFFFF40];
	v46 =	vmul.f32 v40, v63;
	[tilespmem:s30+$0xFFFFFEB0] =	vst v43  }
0x2a3: {  	v51 =	vld [tilespmem:s30+$0xFFFFFF50];
	[tilespmem:s30+$0xFFFFFEA0] =	vst v2;
	v2 =	vmul.f32 v39, v63  }
0x2a4: {  	v53 =	vld [tilespmem:s30+$0xFFFFFF60];
	v49 =	vmul.f32 v42, v63;
	[tilespmem:s30+$0xFFFFFED0] =	vst v46  }
0x2a5: {  	v54 =	vld [tilespmem:s30+$0xFFFFFF70];
	[tilespmem:s30+$0xFFFFFEC0] =	vst v2;
	v2 =	vmul.f32 v41, v63  }
0x2a6: {  	v15 =	vbroadcast v15, $0x0;
	v56 =	vld [tilespmem:s30+$0xFFFFFF80];
	v52 =	vmul.f32 v45, v11;
	[tilespmem:s30+$0xFFFFFEF0] =	vst v49  }
0x2a7: {  	v57 =	vld [tilespmem:s30+$0xFFFFFF90];
	v62 =	vbroadcast v18, $0x0;
	[tilespmem:s30+$0xFFFFFEE0] =	vst v2;
	v2 =	vmul.f32 v44, v11  }
0x2a8: {  	v59 =	vld [tilespmem:s30+$0xFFFFFFA0];
	v55 =	vmul.f32 v48, v11;
	[tilespmem:s30+$0xFFFFFF10] =	vst v52  }
0x2a9: {  	v60 =	vld [tilespmem:s30+$0xFFFFFFB0];
	[tilespmem:s30+$0xFFFFFF00] =	vst v2;
	v2 =	vmul.f32 v47, v11  }
0x2aa: {  	v17 =	vld [tilespmem:s30+$0xFFFFFFF0];
	v58 =	vmul.f32 v51, v11;
	[tilespmem:s30+$0xFFFFFF30] =	vst v55  }
0x2ab: {  	v6 =	vld.idx.msk [tilespmem:v61+s18+$0x0], $0xffff;
	[tilespmem:s30+$0xFFFFFF20] =	vst v2;
	v2 =	vmul.f32 v50, v11  }
0x2ac: {  	v5 =	vld.idx.msk [tilespmem:v15+s18+$0x0], $0xffff;
	v61 =	vmul.f32 v54, v11;
	[tilespmem:s30+$0xFFFFFF50] =	vst v58  }
0x2ad: {  	v4 =	vld.idx.msk [tilespmem:v62+s18+$0x0], $0xffff;
	[tilespmem:s30+$0xFFFFFF40] =	vst v2;
	v2 =	vmul.f32 v53, v11  }
0x2ae: {  	v15 =	vmul.f32 v57, v13;
	v62 =	vld [tilespmem:s30+$0xFFFFFFC0];
	[tilespmem:s30+$0xFFFFFF70] =	vst v61  }
0x2af: {  	v20 =	vld [tilespmem:s30+$0x10];
	[tilespmem:s30+$0xFFFFFF60] =	vst v2;
	v2 =	vmul.f32 v56, v13  }
0x2b0: {  	v16 =	vld [tilespmem:s30+$0xFFFFFFE0];
	v18 =	vmul.f32 v60, v13;
	[tilespmem:s30+$0xFFFFFF90] =	vst v15  }
0x2b1: {  	v32 =	vld [tilespmem:s30+$0x90];
	[tilespmem:s30+$0xFFFFFF80] =	vst v2;
	v2 =	vmul.f32 v59, v13  }
0x2b2: {  	[tilespmem:s30+$0xFFFFFFB0] =	vst v18;
	v24 =	vmul.f32 v17, v13;
	v19 =	vld [tilespmem:s30+$0x0]  }
0x2b3: {  	v51 =	vld [tilespmem:s30+$0x180];
	[tilespmem:s30+$0xFFFFFFA0] =	vst v2;
	v2 =	vmul.f32 v62, v13  }
0x2b4: {  	v22 =	vld [tilespmem:s30+$0x20];
	v27 =	vmul.f32 v20, v6;
	[tilespmem:s30+$0xFFFFFFF0] =	vst v24  }
0x2b5: {  	v54 =	vld [tilespmem:s30+$0x1A0];
	[tilespmem:s30+$0xFFFFFFC0] =	vst v2;
	v2 =	vmul.f32 v16, v13  }
0x2b6: {  	v25 =	vld [tilespmem:s30+$0x40];
	v38 =	vmul.f32 v32, v5;
	[tilespmem:s30+$0x10] =	vst v27  }
0x2b7: {  	v23 =	vld [tilespmem:s30+$0x30];
	[tilespmem:s30+$0xFFFFFFE0] =	vst v2;
	v2 =	vmul.f32 v19, v6  }
0x2b8: {  	v28 =	vld [tilespmem:s30+$0x60];
	v58 =	vmul.f32 v51, v3;
	[tilespmem:s30+$0x90] =	vst v38  }
0x2b9: {  	v21 =	vld [tilespmem:s30+$0x170];
	[tilespmem:s30+$0x0] =	vst v2;
	v2 =	vmul.f32 v22, v6  }
0x2ba: {  	v61 =	vmul.f32 v54, v3;
	v31 =	vld [tilespmem:s30+$0x80];
	[tilespmem:s30+$0x180] =	vst v58  }
0x2bb: {  	v43 =	vld [tilespmem:s30+$0x110];
	[tilespmem:s30+$0x20] =	vst v2;
	v2 =	vmul.f32 v25, v6  }
0x2bc: {  	v34 =	vld [tilespmem:s30+$0xA0];
	v30 =	vmul.f32 v23, v6;
	[tilespmem:s30+$0x1A0] =	vst v61  }
0x2bd: {  	v46 =	vld [tilespmem:s30+$0x130];
	[tilespmem:s30+$0x40] =	vst v2;
	v2 =	vmul.f32 v28, v6  }
0x2be: {  	v14 =	vmul.f32 v21, v4;
	[tilespmem:s30+$0x30] =	vst v30;
	v36 =	vld [tilespmem:s30+$0xC0]  }
0x2bf: {  	v48 =	vld [tilespmem:s30+$0x150];
	[tilespmem:s30+$0x60] =	vst v2;
	v2 =	vmul.f32 v31, v5  }
0x2c0: {  	v49 =	vmul.f32 v43, v4;
	[tilespmem:s30+$0x170] =	vst v14;
	v39 =	vld [tilespmem:s30+$0xE0]  }
0x2c1: {  	v26 =	vld [tilespmem:s30+$0x50];
	[tilespmem:s30+$0x80] =	vst v2;
	v2 =	vmul.f32 v34, v5  }
0x2c2: {  	v42 =	vld [tilespmem:s30+$0x100];
	v52 =	vmul.f32 v46, v4;
	[tilespmem:s30+$0x110] =	vst v49  }
0x2c3: {  	v35 =	vld [tilespmem:s30+$0xB0];
	[tilespmem:s30+$0xA0] =	vst v2;
	v2 =	vmul.f32 v36, v5  }
0x2c4: {  	v45 =	vld [tilespmem:s30+$0x120];
	v55 =	vmul.f32 v48, v4;
	[tilespmem:s30+$0x130] =	vst v52  }
0x2c5: {  	v37 =	vld [tilespmem:s30+$0xD0];
	[tilespmem:s30+$0xC0] =	vst v2;
	v2 =	vmul.f32 v39, v5  }
0x2c6: {  	v33 =	vmul.f32 v26, v6;
	[tilespmem:s30+$0x150] =	vst v55;
	v47 =	vld [tilespmem:s30+$0x140]  }
0x2c7: {  	v63 =	vld [tilespmem:s30+$0xFFFFFFD0];
	[tilespmem:s30+$0xE0] =	vst v2;
	v2 =	vmul.f32 v42, v4  }
0x2c8: {  	[tilespmem:s30+$0x50] =	vst v33;
	v41 =	vmul.f32 v35, v5;
	v50 =	vld [tilespmem:s30+$0x160]  }
0x2c9: {  	v60 =	vld [tilespmem:s30+$0x1E0];
	[tilespmem:s30+$0x100] =	vst v2;
	v2 =	vmul.f32 v45, v4  }
0x2ca: {  	[tilespmem:s30+$0xB0] =	vst v41;
	v44 =	vmul.f32 v37, v5;
	v53 =	vld [tilespmem:s30+$0x190]  }
0x2cb: {  	v29 =	vld [tilespmem:s30+$0x70];
	[tilespmem:s30+$0x120] =	vst v2;
	v2 =	vmul.f32 v47, v4  }
0x2cc: {  	[tilespmem:s30+$0xD0] =	vst v44;
	v21 =	vmul.f32 v63, v13;
	v56 =	vld [tilespmem:s30+$0x1B0]  }
0x2cd: {  	v40 =	vld [tilespmem:s30+$0xF0];
	[tilespmem:s30+$0x140] =	vst v2;
	v2 =	vmul.f32 v50, v4  }
0x2ce: {  	v63 =	vmul.f32 v60, v3;
	[tilespmem:s30+$0xFFFFFFD0] =	vst v21;
	v59 =	vld [tilespmem:s30+$0x1D0]  }
0x2cf: {  	v57 =	vld [tilespmem:s30+$0x1C0];
	[tilespmem:s30+$0x160] =	vst v2;
	v2 =	vmul.f32 v53, v3  }
0x2d0: {  	[tilespmem:s30+$0x1E0] =	vst v63;
	v62 =	vld [tilespmem:s30+$0x1F0];
	v6 =	vmul.f32 v29, v6  }
0x2d1: {  	[tilespmem:s30+$0x190] =	vst v2;
	v2 =	vmul.f32 v56, v3  }
0x2d2: {  	[tilespmem:s30+$0x70] =	vst v6;
	v5 =	vmul.f32 v40, v5  }
0x2d3: {  	[tilespmem:s30+$0x1B0] =	vst v2;
	v2 =	vmul.f32 v59, v3  }
0x2d4: {  	[tilespmem:s30+$0xF0] =	vst v5;
	v4 =	vmul.f32 v57, v3  }
0x2d5: {  	[tilespmem:s30+$0x1D0] =	vst v2;
	v2 =	vmul.f32 v62, v3  }
.Ltmp5:
0x2d6: {  	[tilespmem:s30+$0x1C0] =	vst v4;
	(pc) =	sbr.rel @p0 .LBB2_16-.Ltmp5, $4  }
0x2d7: {  	[tilespmem:s30+$0x1F0] =	vst v2  }
0x2d8: {  	[spmem:s3] =	stream.indirect.scatter.add.f32 [tilespmem:s18], [sflag:$0x8], $0x1, s14, s10, $0xb8;
	[tilespmem:$0x1D880] =	vst v63  }
0x2d9: {  	_ = 	snop  }
0x2da: {  	[spmem:s2] =	stream.indirect.scatter.add.f32 [tilespmem:s23], [sflag:$0x8], $0x80, s14, s10, $0xb8;
	[tilespmem:$0x1D880] =	vst v63  }
0x2db: {  	_ =	swait.ge [sflag:s9], $0x50  }
0x2dc: {  	[sflag:s9] =	ssyncset.done $0x0  }
0x2dd: {  	[sflag:s9] =	ssyncadd.s32 $0xFFFFFFB0  }
0x2de: {  	s5 =	smul.u32 $0xF0, s24;
	_ =	swait.ge [sflag:s9], $0x2800  }
0x2df: {  	s20 =	rddreg [dreg:$0x11]  }
0x2e0: {  	s5 =	sadd.s32 s5, s20  }
0x2e1: {  	[sflag:s9] =	ssyncset.done $0x0;
	s5 =	sshrl.u32 s5, $0x3  }
0x2e2: {  	[sflag:s9] =	ssyncadd.s32 $0xFFFFD800;
	s20 =	simm.s32 $0x0;
	s5 =	sadd.s32 s6, s5  }
0x2e3: {  	[tilespmem:s13], [sflag:$0x2] =	stream.linear.gather [hbm4b:s5+s20], $0x50, $0x38;
	[tilespmem:$0x1D880] =	vst v63  }
0x2e4: {  	s5 =	sadd.s32 $0x9C40, s5  }
0x2e5: {  	[tilespmem:s14], [sflag:$0x2] =	stream.linear.gather [hbm4b:s5+s20], $0x50, $0x38;
	[tilespmem:$0x1D880] =	vst v63  }
0x2e6: {  	_ =	swait.ge [sflag:s4], $0x50  }
0x2e7: {  	[sflag:s4] =	ssyncset.done $0x0  }
0x2e8: {  	[sflag:s4] =	ssyncadd.s32 $0xFFFFFFB0  }
0x2e9: {  	_ =	swait.ge [sflag:s4], $0x50  }
0x2ea: {  	[sflag:s4] =	ssyncset.done $0x0  }
0x2eb: {  	[sflag:s4] =	ssyncadd.s32 $0xFFFFFFB0  }
0x2ec: {  	[tilespmem:s29], [sflag:$0x4] =	stream.indirect.gather [hbm4b:s1+s10], $0x80, s20, s10, $0xb8;
	[tilespmem:$0x1D880] =	vst v63  }
0x2ed: {  	s22 =	simm.s32 $0x300  }
0x2ee: {  	[tilespmem:s22], [sflag:$0x4] =	stream.indirect.gather [hbm4b:s7+s10], $0x1, s0, s10, $0xb8;
	[tilespmem:$0x1D880] =	vst v63  }
0x2ef: {  	s25 =	simm.s32 $0x480  }
0x2f0: {  	[tilespmem:s25], [sflag:$0x4] =	stream.indirect.gather [hbm4b:s8+s10], $0x1, s20, s10, $0xb8;
	[tilespmem:$0x1D880] =	vst v63  }
0x2f1: {  	_ =	swait.ge [sflag:s11], $0x2800  }
0x2f2: {  	[sflag:s11] =	ssyncset.done $0x0  }
0x2f3: {  	[sflag:s11] =	ssyncadd.s32 $0xFFFFD800  }
0x2f4: {  	_ =	swait.ge [sflag:s11], $0x50  }
0x2f5: {  	[sflag:s11] =	ssyncset.done $0x0  }
0x2f6: {  	[sflag:s11] =	ssyncadd.s32 $0xFFFFFFB0  }
0x2f7: {  	_ =	swait.ge [sflag:s11], $0x50  }
0x2f8: {  	[sflag:s11] =	ssyncset.done $0x0  }
0x2f9: {  	[sflag:s11] =	ssyncadd.s32 $0xFFFFFFB0  }
0x2fa: {  	v2 =	vld [tilespmem:$0x400]  }
0x2fb: {  	v3 =	vld [tilespmem:$0x580]  }
0x2fc: {  	v4 =	vld [tilespmem:$0x410]  }
0x2fd: {  	v5 =	vld [tilespmem:$0x590]  }
0x2fe: {  	v6 =	vld [tilespmem:$0x420]  }
0x2ff: {  	v7 =	vld [tilespmem:$0x5A0]  }
0x300: {  	v8 =	vld [tilespmem:$0x5B0];
	v2 =	vadd.f32 v3, v2  }
0x301: {  	v10 =	vld [tilespmem:$0x440]  }
0x302: {  	v3 =	vld [tilespmem:$0x430];
	v9 =	vmul.f32 $9.999999770e-03, v2  }
0x303: {  	v11 =	vld [tilespmem:$0x5C0];
	vm0 =	vgt.f32 v2, $0.0e+00  }
0x304: {  	v4 =	vadd.f32 v5, v4;
	v2 =	vsel vm0, v2, v9  }
0x305: {  	v2 =	vmul.f32 $1.442695020e+00, v2  }
0x306: {  	v6 =	vadd.f32 v7, v6;
	v5 =	vmul.f32 $9.999999770e-03, v4  }
0x307: {  	vm12 =	vgt.f32 v4, $0.0e+00;
	(erf) = vpow2.f32 v2;
	v2 =	vadd.f32 v8, v3  }
0x308: {  	v3 =	vsel vm12, v4, v5;
	v4 =	vmul.f32 $9.999999770e-03, v6;
	v5 =	vadd.f32 v11, v10  }
0x309: {  	vm13 =	vgt.f32 v6, $0.0e+00;
	v3 =	vmul.f32 $1.442695020e+00, v3;
	v7 =	vmul.f32 $9.999999770e-03, v2  }
0x30a: {  	v4 =	vsel vm13, v6, v4;
	vm14 =	vgt.f32 v2, $0.0e+00;
	v6 =	vmul.f32 $9.999999770e-03, v5  }
0x30b: {  	vm15 =	vgt.f32 v5, $0.0e+00;
	v4 =	vmul.f32 $1.442695020e+00, v4;
	v2 =	vsel vm14, v2, v7  }
0x30c: {  	(erf) = vpow2.f32 v3;
	v3 =	vsel vm15, v5, v6;
	v2 =	vmul.f32 $1.442695020e+00, v2  }
0x30d: {  	(erf) = vpow2.f32 v4;
	v3 =	vmul.f32 $1.442695020e+00, v3  }
0x30e: {  	(erf) = vpow2.f32 v2  }
0x30f: {  	(erf) = vpow2.f32 v3;
	_ =	sdelay $0x2  }
0x310: {  	v2 =	vmov s20;
	s20 =	simm.s32 $0x6  }
0x311: {  	v2 =	vand.u32 $0xFFFFFFF8, v2;
	v3 =	vmov s20  }
0x312: {  	v4 =	vpop (erf);
	v2 =	vbroadcast v2, $0x0;
	v3 =	vand.u32 $0xFFFFFFFE, v3  }
0x313: {  	[tilespmem:$0x700] =	vst v4;
	v3 =	vbroadcast v3, $0x0;
	v5 =	vpop (erf)  }
0x314: {  	[tilespmem:$0x710] =	vst v5;
	v4 =	vpop (erf)  }
0x315: {  	[tilespmem:$0x720] =	vst v4;
	v5 =	vpop (erf)  }
0x316: {  	[tilespmem:$0x730] =	vst v5;
	v4 =	vpop (erf)  }
0x317: {  	[tilespmem:$0x740] =	vst v4  }
0x318: {  	v2 =	vld.idx.msk [tilespmem:v2+s12+$0x0], $0xffff  }
0x319: {  	s25 =	simm.s32 $0x5980;
	v3 =	vld.idx.msk [tilespmem:v3+s12+$0x0], $0xffff  }
0x31a: {  	v5 =	vld [tilespmem:s25+$0x170]  }
0x31b: {  	v6 =	vld [tilespmem:s25+$0xFFFFFE00]  }
0x31c: {  	v7 =	vld [tilespmem:s25+$0xFFFFFE10]  }
0x31d: {  	v8 =	vld [tilespmem:s25+$0xFFFFFE20]  }
0x31e: {  	s22 =	simm.s32 $0x1;
	v9 =	vld [tilespmem:s25+$0xFFFFFE30]  }
0x31f: {  	v4 =	vmov s22;
	v10 =	vld [tilespmem:s25+$0xFFFFFE40]  }
0x320: {  	v4 =	vand.u32 $0xFFFFFFF9, v4;
	v11 =	vld [tilespmem:s25+$0xFFFFFE50]  }
0x321: {  	v12 =	vld [tilespmem:s25+$0xFFFFFE60];
	v4 =	vbroadcast v4, $0x0  }
0x322: {  	v13 =	vld [tilespmem:s25+$0xFFFFFE70]  }
0x323: {  	v14 =	vld [tilespmem:s25+$0xFFFFFE80]  }
0x324: {  	v15 =	vld [tilespmem:s25+$0xFFFFFE90]  }
0x325: {  	v16 =	vld [tilespmem:s25+$0xFFFFFEA0];
	v6 =	vmul.f32 v6, v2  }
0x326: {  	v17 =	vld [tilespmem:s25+$0xFFFFFEB0];
	v5 =	vmul.f32 v5, v3  }
0x327: {  	v9 =	vmul.f32 v9, v2;
	v4 =	vld.idx.msk [tilespmem:v4+s12+$0x0], $0xffff;
	[tilespmem:s25+$0xFFFFFE00] =	vst v6  }
0x328: {  	s20 =	simm.s32 $0x2;
	v10 =	vmul.f32 v10, v2;
	[tilespmem:s25+$0x170] =	vst v5;
	v5 =	vmul.f32 v8, v2;
	v8 =	vld [tilespmem:s25+$0xFFFFFEC0]  }
0x329: {  	v7 =	vmul.f32 v7, v2;
	v6 =	vmov s20;
	[tilespmem:s25+$0xFFFFFE30] =	vst v9;
	v9 =	vmul.f32 v11, v2;
	v11 =	vld [tilespmem:s25+$0xFFFFFEF0]  }
0x32a: {  	[tilespmem:s25+$0xFFFFFE40] =	vst v10;
	v10 =	vmul.f32 v12, v2;
	v12 =	vld [tilespmem:s25+$0xFFFFFF00];
	v6 =	vand.u32 $0xFFFFFFFA, v6  }
0x32b: {  	[tilespmem:s25+$0xFFFFFE10] =	vst v7;
	v2 =	vmul.f32 v13, v2;
	v13 =	vld [tilespmem:s25+$0xFFFFFF20];
	v6 =	vbroadcast v6, $0x0  }
0x32c: {  	[tilespmem:s25+$0xFFFFFE20] =	vst v5;
	v5 =	vld [tilespmem:s25+$0xFFFFFEE0]  }
0x32d: {  	[tilespmem:s25+$0xFFFFFE50] =	vst v9;
	v9 =	vld [tilespmem:s25+$0xFFFFFF10]  }
0x32e: {  	[tilespmem:s25+$0xFFFFFE60] =	vst v10;
	v7 =	vmul.f32 v14, v4;
	v14 =	vld [tilespmem:s25+$0xFFFFFED0]  }
0x32f: {  	[tilespmem:s25+$0xFFFFFE70] =	vst v2;
	v10 =	vmul.f32 v15, v4;
	v15 =	vld [tilespmem:s25+$0xFFFFFF30]  }
0x330: {  	s22 =	simm.s32 $0x3;
	v2 =	vmul.f32 v16, v4;
	v16 =	vld [tilespmem:s25+$0xFFFFFF40];
	v8 =	vmul.f32 v8, v4;
	[tilespmem:s25+$0xFFFFFE80] =	vst v7  }
0x331: {  	v7 =	vmov s22;
	[tilespmem:s25+$0xFFFFFE90] =	vst v10;
	v10 =	vmul.f32 v17, v4;
	v6 =	vld.idx.msk [tilespmem:v6+s12+$0x0], $0xffff  }
0x332: {  	[tilespmem:s25+$0xFFFFFEC0] =	vst v8;
	v8 =	vld [tilespmem:s25+$0xFFFFFF70];
	v7 =	vand.u32 $0xFFFFFFFB, v7  }
0x333: {  	v7 =	vbroadcast v7, $0x0;
	[tilespmem:s25+$0xFFFFFEB0] =	vst v10;
	v10 =	vld [tilespmem:s25+$0xFFFFFF60];
	v14 =	vmul.f32 v14, v4  }
0x334: {  	[tilespmem:s25+$0xFFFFFEA0] =	vst v2;
	v5 =	vmul.f32 v5, v4;
	v4 =	vmul.f32 v11, v4;
	v11 =	vld [tilespmem:s25+$0xFFFFFF80]  }
0x335: {  	[tilespmem:s25+$0xFFFFFED0] =	vst v14;
	v14 =	vld [tilespmem:s25+$0xFFFFFFB0]  }
0x336: {  	[tilespmem:s25+$0xFFFFFEE0] =	vst v5;
	v2 =	vmul.f32 v12, v6;
	v12 =	vld [tilespmem:s25+$0xFFFFFF50]  }
0x337: {  	[tilespmem:s25+$0xFFFFFEF0] =	vst v4;
	v5 =	vmul.f32 v9, v6;
	v9 =	vld [tilespmem:s25+$0xFFFFFF90]  }
0x338: {  	s20 =	simm.s32 $0x4;
	v4 =	vmul.f32 v13, v6;
	v13 =	vld [tilespmem:s25+$0xFFFFFFA0];
	[tilespmem:s25+$0xFFFFFF00] =	vst v2  }
0x339: {  	v10 =	vmul.f32 v10, v6;
	v7 =	vld.idx.msk [tilespmem:v7+s12+$0x0], $0xffff;
	v2 =	vmov s20;
	[tilespmem:s25+$0xFFFFFF10] =	vst v5  }
0x33a: {  	v5 =	vmul.f32 v15, v6;
	[tilespmem:s25+$0xFFFFFF20] =	vst v4;
	v4 =	vmul.f32 v16, v6;
	v15 =	vld [tilespmem:s25+$0xFFFFFFC0];
	v2 =	vand.u32 $0xFFFFFFFC, v2  }
0x33b: {  	[tilespmem:s25+$0xFFFFFF60] =	vst v10;
	v10 =	vld [tilespmem:s25+$0x0];
	v2 =	vbroadcast v2, $0x0  }
0x33c: {  	[tilespmem:s25+$0xFFFFFF40] =	vst v4;
	v4 =	vld [tilespmem:s25+$0xFFFFFFE0];
	v12 =	vmul.f32 v12, v6  }
0x33d: {  	[tilespmem:s25+$0xFFFFFF30] =	vst v5;
	v6 =	vmul.f32 v8, v6;
	v8 =	vld [tilespmem:s25+$0xFFFFFFF0]  }
0x33e: {  	v5 =	vmul.f32 v11, v7;
	v11 =	vld [tilespmem:s25+$0xFFFFFFD0];
	[tilespmem:s25+$0xFFFFFF50] =	vst v12  }
0x33f: {  	v9 =	vmul.f32 v9, v7;
	[tilespmem:s25+$0xFFFFFF70] =	vst v6;
	v12 =	vld [tilespmem:s25+$0x10]  }
0x340: {  	s22 =	simm.s32 $0x5;
	v6 =	vmul.f32 v13, v7;
	v13 =	vld [tilespmem:s25+$0x20];
	[tilespmem:s25+$0xFFFFFF80] =	vst v5  }
0x341: {  	v5 =	vmov s22;
	[tilespmem:s25+$0xFFFFFF90] =	vst v9;
	v9 =	vmul.f32 v14, v7;
	v2 =	vld.idx.msk [tilespmem:v2+s12+$0x0], $0xffff  }
0x342: {  	[tilespmem:s25+$0xFFFFFFA0] =	vst v6;
	v6 =	vmul.f32 v15, v7;
	v14 =	vld [tilespmem:s25+$0x30];
	v5 =	vand.u32 $0xFFFFFFFD, v5  }
0x343: {  	v5 =	vbroadcast v5, $0x0;
	[tilespmem:s25+$0xFFFFFFB0] =	vst v9;
	v9 =	vmul.f32 v11, v7;
	v11 =	vld [tilespmem:s25+$0x40]  }
0x344: {  	v4 =	vmul.f32 v4, v7;
	[tilespmem:s25+$0xFFFFFFC0] =	vst v6;
	v7 =	vmul.f32 v8, v7;
	v8 =	vld [tilespmem:s25+$0x80]  }
0x345: {  	[tilespmem:s25+$0xFFFFFFD0] =	vst v9;
	v9 =	vld [tilespmem:s25+$0x60]  }
0x346: {  	[tilespmem:s25+$0xFFFFFFE0] =	vst v4;
	v6 =	vmul.f32 v10, v2;
	v10 =	vld [tilespmem:s25+$0x50]  }
0x347: {  	[tilespmem:s25+$0xFFFFFFF0] =	vst v7;
	v4 =	vmul.f32 v12, v2;
	v7 =	vmul.f32 v13, v2;
	v12 =	vld [tilespmem:s25+$0x90]  }
0x348: {  	[tilespmem:s25+$0x0] =	vst v6;
	v6 =	vld [tilespmem:s25+$0x70]  }
0x349: {  	v5 =	vld.idx.msk [tilespmem:v5+s12+$0x0], $0xffff;
	[tilespmem:s25+$0x20] =	vst v7;
	v7 =	vmul.f32 v11, v2  }
0x34a: {  	[tilespmem:s25+$0x10] =	vst v4;
	v4 =	vmul.f32 v14, v2;
	v11 =	vld [tilespmem:s25+$0xA0]  }
0x34b: {  	[tilespmem:s25+$0x40] =	vst v7;
	v7 =	vmul.f32 v9, v2;
	v9 =	vld [tilespmem:s25+$0xC0]  }
0x34c: {  	[tilespmem:s25+$0x30] =	vst v4;
	v4 =	vmul.f32 v10, v2;
	v10 =	vld [tilespmem:s25+$0xB0]  }
0x34d: {  	s20 =	simm.s32 $0x7;
	[tilespmem:s25+$0x60] =	vst v7;
	v7 =	vld [tilespmem:s25+$0xE0];
	v6 =	vmul.f32 v6, v2  }
0x34e: {  	v13 =	vmov s20;
	[tilespmem:s25+$0x50] =	vst v4;
	v4 =	vmul.f32 v8, v5;
	v8 =	vld [tilespmem:s25+$0xD0]  }
0x34f: {  	v12 =	vmul.f32 v12, v5;
	[tilespmem:s25+$0x70] =	vst v6;
	v6 =	vld [tilespmem:s25+$0xF0]  }
0x350: {  	[tilespmem:s25+$0x80] =	vst v4;
	v4 =	vmul.f32 v11, v5;
	v11 =	vld [tilespmem:s25+$0x100]  }
0x351: {  	[tilespmem:s25+$0x90] =	vst v12;
	v12 =	vld [tilespmem:s25+$0x150];
	v10 =	vmul.f32 v10, v5  }
0x352: {  	[tilespmem:s25+$0xA0] =	vst v4;
	v4 =	vmul.f32 v9, v5;
	v9 =	vld [tilespmem:s25+$0x110]  }
0x353: {  	v2 =	vld.idx.msk [tilespmem:v13+s12+$0x0], $0xffff;
	[tilespmem:s25+$0xB0] =	vst v10;
	v8 =	vmul.f32 v8, v5  }
0x354: {  	v10 =	vld [tilespmem:s25+$0x120];
	[tilespmem:s25+$0xC0] =	vst v4;
	v4 =	vmul.f32 v7, v5  }
0x355: {  	s20 =	simm.s32 $0x9;
	v7 =	vld [tilespmem:s25+$0x130];
	[tilespmem:s25+$0xD0] =	vst v8;
	v5 =	vmul.f32 v6, v5  }
0x356: {  	s22 =	simm.s32 $0x8;
	v13 =	vmov s20;
	v6 =	vld [tilespmem:s25+$0x140];
	v11 =	vmul.f32 v11, v3;
	[tilespmem:s25+$0xE0] =	vst v4  }
0x357: {  	s5 =	simm.s32 $0xF;
	v8 =	vmov s22;
	s22 =	simm.s32 $0xA;
	v12 =	vmul.f32 v12, v3;
	[tilespmem:s25+$0xF0] =	vst v5;
	v5 =	vmul.f32 v9, v3;
	v9 =	vld [tilespmem:s25+$0x160]  }
0x358: {  	v15 =	vld [tilespmem:s25+$0x180];
	s20 =	simm.s32 $0xB;
	v8 =	vand.u32 $0xFFFFFFF8, v8;
	v4 =	vmov s5;
	v14 =	vmov s22;
	s22 =	simm.s32 $0xC;
	[tilespmem:s25+$0x100] =	vst v11  }
0x359: {  	v18 =	vld [tilespmem:s25+$0x190];
	v11 =	vmov s20;
	v16 =	vmov s22;
	s22 =	simm.s32 $0xD;
	[tilespmem:s25+$0x150] =	vst v12;
	v10 =	vmul.f32 v10, v3  }
0x35a: {  	v19 =	vmov s22;
	[tilespmem:s25+$0x110] =	vst v5;
	v17 =	vmul.f32 v7, v3;
	v5 =	vbroadcast v8, $0x0;
	v7 =	vld [tilespmem:s25+$0x1A0]  }
0x35b: {  	v8 =	vld [tilespmem:s25+$0x1B0];
	[tilespmem:s25+$0x120] =	vst v10;
	v10 =	vmul.f32 v6, v3;
	v6 =	vand.u32 $0xFFFFFFF9, v13;
	v13 =	vand.u32 $0xFFFFFFFA, v14  }
0x35c: {  	v14 =	vand.u32 $0xFFFFFFFB, v11;
	[tilespmem:s25+$0x130] =	vst v17;
	v6 =	vbroadcast v6, $0x0;
	v17 =	vmul.f32 v9, v3;
	v9 =	vld [tilespmem:s25+$0x1C0]  }
0x35d: {  	v11 =	vbroadcast v13, $0x0;
	[tilespmem:s25+$0x140] =	vst v10;
	v3 =	vand.u32 $0xFFFFFFFC, v16;
	v16 =	vmul.f32 v15, v2;
	v10 =	vld [tilespmem:s25+$0x1D0]  }
0x35e: {  	s30 =	simm.s32 $0x10;
	s20 =	simm.s32 $0xE;
	v12 =	vld [tilespmem:s25+$0x1E0];
	v13 =	vbroadcast v14, $0x0;
	v14 =	vmul.f32 v18, v2;
	v15 =	vand.u32 $0xFFFFFFFD, v19;
	[tilespmem:s25+$0x160] =	vst v17  }
.LBB2_14:
0x35f: {  	p0 =	slt.u32 s30, $0x48;
	v3 =	vbroadcast v3, $0x0;
	v17 =	vmov s20;
	[tilespmem:s25+$0x180] =	vst v16;
	v7 =	vmul.f32 v7, v2;
	v16 =	vld [tilespmem:s25+$0x1F0]  }
0x360: {  	v15 =	vbroadcast v15, $0x0;
	v17 =	vand.u32 $0xFFFFFFFE, v17;
	v18 =	vld.idx.msk [tilespmem:v4+s12+$0x0], $0xffff;
	[tilespmem:s25+$0x190] =	vst v14;
	v4 =	vmul.f32 v8, v2  }
0x361: {  	v8 =	vld.idx.msk [tilespmem:v5+s12+$0x0], $0xffff;
	v14 =	vbroadcast v17, $0x0;
	[tilespmem:s25+$0x1A0] =	vst v7;
	v5 =	vmul.f32 v9, v2  }
0x362: {  	v7 =	vld.idx.msk [tilespmem:v6+s12+$0x0], $0xffff;
	[tilespmem:s25+$0x1B0] =	vst v4;
	v4 =	vmul.f32 v10, v2  }
0x363: {  	v9 =	vld.idx.msk [tilespmem:v11+s12+$0x0], $0xffff;
	[tilespmem:s25+$0x1C0] =	vst v5;
	v10 =	vmul.f32 v12, v2  }
0x364: {  	v6 =	vld.idx.msk [tilespmem:v13+s12+$0x0], $0xffff;
	[tilespmem:s25+$0x1D0] =	vst v4;
	v11 =	vmul.f32 v16, v2  }
0x365: {  	v5 =	vld.idx.msk [tilespmem:v3+s12+$0x0], $0xffff;
	[tilespmem:s25+$0x1E0] =	vst v10  }
0x366: {  	v2 =	vmov v18;
	v4 =	vld.idx.msk [tilespmem:v15+s12+$0x0], $0xffff;
	[tilespmem:s25+$0x1F0] =	vst v11  }
0x367: {  	s25 =	sadd.s32 $0x400, s25;
	v3 =	vld.idx.msk [tilespmem:v14+s12+$0x0], $0xffff  }
0x368: {  	v10 =	vld [tilespmem:s25+$0x170]  }
0x369: {  	v11 =	vld [tilespmem:s25+$0xFFFFFE00]  }
0x36a: {  	v12 =	vld [tilespmem:s25+$0xFFFFFE10]  }
0x36b: {  	v13 =	vld [tilespmem:s25+$0xFFFFFE20]  }
0x36c: {  	v14 =	vld [tilespmem:s25+$0xFFFFFE30]  }
0x36d: {  	v15 =	vld [tilespmem:s25+$0xFFFFFE40];
	v10 =	vmul.f32 v10, v3  }
0x36e: {  	v11 =	vmul.f32 v11, v8;
	v16 =	vld [tilespmem:s25+$0xFFFFFE50]  }
0x36f: {  	v12 =	vmul.f32 v12, v8;
	v17 =	vld [tilespmem:s25+$0xFFFFFE60];
	[tilespmem:s25+$0x170] =	vst v10  }
0x370: {  	[tilespmem:s25+$0xFFFFFE00] =	vst v11;
	v10 =	vmul.f32 v13, v8;
	v11 =	vld [tilespmem:s25+$0xFFFFFE70]  }
0x371: {  	[tilespmem:s25+$0xFFFFFE10] =	vst v12;
	v12 =	vmul.f32 v14, v8;
	v13 =	vld [tilespmem:s25+$0xFFFFFE80]  }
0x372: {  	[tilespmem:s25+$0xFFFFFE20] =	vst v10;
	v10 =	vmul.f32 v15, v8;
	v14 =	vld [tilespmem:s25+$0xFFFFFE90]  }
0x373: {  	[tilespmem:s25+$0xFFFFFE30] =	vst v12;
	v12 =	vmul.f32 v16, v8;
	v15 =	vld [tilespmem:s25+$0xFFFFFEA0]  }
0x374: {  	[tilespmem:s25+$0xFFFFFE40] =	vst v10;
	v10 =	vmul.f32 v17, v8;
	v16 =	vld [tilespmem:s25+$0xFFFFFEB0]  }
0x375: {  	[tilespmem:s25+$0xFFFFFE50] =	vst v12;
	v8 =	vmul.f32 v11, v8;
	v11 =	vld [tilespmem:s25+$0xFFFFFEC0]  }
0x376: {  	[tilespmem:s25+$0xFFFFFE60] =	vst v10;
	v10 =	vmul.f32 v13, v7;
	v12 =	vld [tilespmem:s25+$0xFFFFFED0]  }
0x377: {  	[tilespmem:s25+$0xFFFFFE70] =	vst v8;
	v8 =	vmul.f32 v14, v7;
	v13 =	vld [tilespmem:s25+$0xFFFFFEE0]  }
0x378: {  	[tilespmem:s25+$0xFFFFFE80] =	vst v10;
	v10 =	vmul.f32 v15, v7;
	v14 =	vld [tilespmem:s25+$0xFFFFFEF0]  }
0x379: {  	[tilespmem:s25+$0xFFFFFE90] =	vst v8;
	v8 =	vmul.f32 v16, v7;
	v15 =	vld [tilespmem:s25+$0xFFFFFF00]  }
0x37a: {  	[tilespmem:s25+$0xFFFFFEA0] =	vst v10;
	v10 =	vmul.f32 v11, v7;
	v11 =	vld [tilespmem:s25+$0xFFFFFF10]  }
0x37b: {  	[tilespmem:s25+$0xFFFFFEB0] =	vst v8;
	v8 =	vmul.f32 v12, v7;
	v12 =	vld [tilespmem:s25+$0xFFFFFF20]  }
0x37c: {  	[tilespmem:s25+$0xFFFFFEC0] =	vst v10;
	v10 =	vmul.f32 v13, v7;
	v13 =	vld [tilespmem:s25+$0xFFFFFF30]  }
0x37d: {  	[tilespmem:s25+$0xFFFFFED0] =	vst v8;
	v7 =	vmul.f32 v14, v7;
	v8 =	vld [tilespmem:s25+$0xFFFFFF40]  }
0x37e: {  	[tilespmem:s25+$0xFFFFFEE0] =	vst v10;
	v10 =	vmul.f32 v15, v9;
	v14 =	vld [tilespmem:s25+$0xFFFFFF50]  }
0x37f: {  	[tilespmem:s25+$0xFFFFFEF0] =	vst v7;
	v7 =	vmul.f32 v11, v9;
	v11 =	vld [tilespmem:s25+$0xFFFFFF60]  }
0x380: {  	[tilespmem:s25+$0xFFFFFF00] =	vst v10;
	v10 =	vmul.f32 v12, v9;
	v12 =	vld [tilespmem:s25+$0xFFFFFF70]  }
0x381: {  	[tilespmem:s25+$0xFFFFFF10] =	vst v7;
	v7 =	vmul.f32 v13, v9;
	v13 =	vld [tilespmem:s25+$0xFFFFFF80]  }
0x382: {  	[tilespmem:s25+$0xFFFFFF20] =	vst v10;
	v8 =	vmul.f32 v8, v9;
	v10 =	vld [tilespmem:s25+$0xFFFFFF90]  }
0x383: {  	[tilespmem:s25+$0xFFFFFF30] =	vst v7;
	v7 =	vmul.f32 v14, v9;
	v14 =	vld [tilespmem:s25+$0xFFFFFFA0]  }
0x384: {  	[tilespmem:s25+$0xFFFFFF40] =	vst v8;
	v8 =	vmul.f32 v11, v9;
	v11 =	vld [tilespmem:s25+$0xFFFFFFB0]  }
0x385: {  	[tilespmem:s25+$0xFFFFFF50] =	vst v7;
	v7 =	vmul.f32 v12, v9;
	v9 =	vld [tilespmem:s25+$0xFFFFFFC0]  }
0x386: {  	[tilespmem:s25+$0xFFFFFF60] =	vst v8;
	v8 =	vmul.f32 v13, v6;
	v12 =	vld [tilespmem:s25+$0xFFFFFFD0]  }
0x387: {  	[tilespmem:s25+$0xFFFFFF70] =	vst v7;
	v7 =	vmul.f32 v10, v6;
	v10 =	vld [tilespmem:s25+$0xFFFFFFE0]  }
0x388: {  	[tilespmem:s25+$0xFFFFFF80] =	vst v8;
	v8 =	vmul.f32 v14, v6;
	v13 =	vld [tilespmem:s25+$0xFFFFFFF0]  }
0x389: {  	[tilespmem:s25+$0xFFFFFF90] =	vst v7;
	v7 =	vmul.f32 v11, v6;
	v11 =	vld [tilespmem:s25+$0x0]  }
0x38a: {  	[tilespmem:s25+$0xFFFFFFA0] =	vst v8;
	v8 =	vmul.f32 v9, v6;
	v9 =	vld [tilespmem:s25+$0x10]  }
0x38b: {  	[tilespmem:s25+$0xFFFFFFB0] =	vst v7;
	v7 =	vmul.f32 v12, v6;
	v12 =	vld [tilespmem:s25+$0x20]  }
0x38c: {  	[tilespmem:s25+$0xFFFFFFC0] =	vst v8;
	v8 =	vmul.f32 v10, v6;
	v10 =	vld [tilespmem:s25+$0x30]  }
0x38d: {  	[tilespmem:s25+$0xFFFFFFD0] =	vst v7;
	v6 =	vmul.f32 v13, v6;
	v7 =	vld [tilespmem:s25+$0x40]  }
0x38e: {  	[tilespmem:s25+$0xFFFFFFE0] =	vst v8;
	v8 =	vmul.f32 v11, v5;
	v11 =	vld [tilespmem:s25+$0x50]  }
0x38f: {  	[tilespmem:s25+$0xFFFFFFF0] =	vst v6;
	v6 =	vmul.f32 v9, v5;
	v9 =	vld [tilespmem:s25+$0x60]  }
0x390: {  	[tilespmem:s25+$0x0] =	vst v8;
	v8 =	vmul.f32 v12, v5;
	v12 =	vld [tilespmem:s25+$0x70]  }
0x391: {  	[tilespmem:s25+$0x10] =	vst v6;
	v6 =	vmul.f32 v10, v5;
	v10 =	vld [tilespmem:s25+$0x80]  }
0x392: {  	[tilespmem:s25+$0x20] =	vst v8;
	v7 =	vmul.f32 v7, v5;
	v8 =	vld [tilespmem:s25+$0x90]  }
0x393: {  	[tilespmem:s25+$0x30] =	vst v6;
	v6 =	vmul.f32 v11, v5;
	v11 =	vld [tilespmem:s25+$0xA0]  }
0x394: {  	[tilespmem:s25+$0x40] =	vst v7;
	v7 =	vmul.f32 v9, v5;
	v9 =	vld [tilespmem:s25+$0xB0]  }
0x395: {  	[tilespmem:s25+$0x50] =	vst v6;
	v5 =	vmul.f32 v12, v5;
	v6 =	vld [tilespmem:s25+$0xC0]  }
0x396: {  	[tilespmem:s25+$0x60] =	vst v7;
	v7 =	vmul.f32 v10, v4;
	v10 =	vld [tilespmem:s25+$0xD0]  }
0x397: {  	[tilespmem:s25+$0x70] =	vst v5;
	v5 =	vmul.f32 v8, v4;
	v8 =	vld [tilespmem:s25+$0xE0]  }
0x398: {  	[tilespmem:s25+$0x80] =	vst v7;
	v7 =	vmul.f32 v11, v4;
	v11 =	vld [tilespmem:s25+$0xF0]  }
0x399: {  	[tilespmem:s25+$0x90] =	vst v5;
	v5 =	vmul.f32 v9, v4;
	v9 =	vld [tilespmem:s25+$0x100]  }
0x39a: {  	[tilespmem:s25+$0xA0] =	vst v7;
	v6 =	vmul.f32 v6, v4;
	v7 =	vld [tilespmem:s25+$0x110]  }
0x39b: {  	[tilespmem:s25+$0xB0] =	vst v5;
	v5 =	vmul.f32 v10, v4;
	v10 =	vld [tilespmem:s25+$0x120]  }
0x39c: {  	[tilespmem:s25+$0xC0] =	vst v6;
	v6 =	vmul.f32 v8, v4;
	v8 =	vld [tilespmem:s25+$0x130]  }
0x39d: {  	[tilespmem:s25+$0xD0] =	vst v5;
	v5 =	vmul.f32 v11, v4;
	v11 =	vld [tilespmem:s25+$0x140]  }
0x39e: {  	s5 =	sadd.s32 $0x7, s30;
	v4 =	vmov s30;
	[tilespmem:s25+$0xE0] =	vst v6;
	v6 =	vmul.f32 v9, v3;
	v9 =	vld [tilespmem:s25+$0x150]  }
0x39f: {  	s20 =	sadd.s32 $0x1, s30;
	s22 =	sadd.s32 $0x2, s30;
	v12 =	vand.u32 $0xFFFFFFF8, v4;
	v4 =	vmov s5;
	[tilespmem:s25+$0xF0] =	vst v5;
	v5 =	vmul.f32 v7, v3;
	v13 =	vld [tilespmem:s25+$0x160]  }
0x3a0: {  	v15 =	vmov s22;
	v14 =	vmov s20;
	s20 =	sadd.s32 $0x4, s30;
	s5 =	sadd.s32 $0x3, s30;
	[tilespmem:s25+$0x100] =	vst v6;
	v6 =	vmul.f32 v10, v3;
	v10 =	vld [tilespmem:s25+$0x180]  }
0x3a1: {  	v17 =	vmov s20;
	v16 =	vmov s5;
	s5 =	sadd.s32 $0x5, s30;
	[tilespmem:s25+$0x110] =	vst v5;
	v8 =	vmul.f32 v8, v3;
	v18 =	vld [tilespmem:s25+$0x190]  }
.Ltmp6:
0x3a2: {  	v5 =	vbroadcast v12, $0x0;
	v12 =	vmov s5;
	[tilespmem:s25+$0x120] =	vst v6;
	v11 =	vmul.f32 v11, v3;
	v7 =	vld [tilespmem:s25+$0x1A0];
	(pc) =	sbr.rel @p0 .LBB2_14-.Ltmp6, $4  }
0x3a3: {  	v6 =	vand.u32 $0xFFFFFFF9, v14;
	v14 =	vand.u32 $0xFFFFFFFA, v15;
	[tilespmem:s25+$0x130] =	vst v8;
	v15 =	vmul.f32 v9, v3;
	v8 =	vld [tilespmem:s25+$0x1B0]  }
0x3a4: {  	v19 =	vand.u32 $0xFFFFFFFB, v16;
	v6 =	vbroadcast v6, $0x0;
	[tilespmem:s25+$0x140] =	vst v11;
	v20 =	vmul.f32 v13, v3;
	v9 =	vld [tilespmem:s25+$0x1C0]  }
0x3a5: {  	v11 =	vbroadcast v14, $0x0;
	v3 =	vand.u32 $0xFFFFFFFC, v17;
	[tilespmem:s25+$0x150] =	vst v15;
	v16 =	vmul.f32 v10, v2;
	v10 =	vld [tilespmem:s25+$0x1D0]  }
0x3a6: {  	s20 =	sadd.s32 $0x6, s30;
	s30 =	sadd.s32 $0x8, s30;
	v13 =	vbroadcast v19, $0x0;
	v15 =	vand.u32 $0xFFFFFFFD, v12;
	[tilespmem:s25+$0x160] =	vst v20;
	v14 =	vmul.f32 v18, v2;
	v12 =	vld [tilespmem:s25+$0x1E0]  }
0x3a7: {  	_ =	sdelay $0x2  }
0x3a8: {  	v17 =	vld [tilespmem:s25+$0x1F0]  }
0x3a9: {  	v19 =	vld.idx.msk [tilespmem:v5+s12+$0x0], $0xffff  }
0x3aa: {  	v63 =	vld.idx.msk [tilespmem:v6+s12+$0x0], $0xffff  }
0x3ab: {  	v61 =	vbroadcast v3, $0x0;
	v3 =	vmov s20;
	v11 =	vld.idx.msk [tilespmem:v11+s12+$0x0], $0xffff  }
0x3ac: {  	v18 =	vand.u32 $0xFFFFFFFE, v3;
	v3 =	vld.idx.msk [tilespmem:v4+s12+$0x0], $0xffff  }
0x3ad: {  	s30 =	sadd.s32 $0x400, s25;
	v13 =	vld.idx.msk [tilespmem:v13+s12+$0x0], $0xffff  }
0x3ae: {  	v23 =	vld [tilespmem:s30+$0xFFFFFE00]  }
0x3af: {  	v25 =	vld [tilespmem:s30+$0xFFFFFE10]  }
0x3b0: {  	[tilespmem:s25+$0x180] =	vst v16;
	v7 =	vmul.f32 v7, v2;
	v27 =	vld [tilespmem:s30+$0xFFFFFE20]  }
0x3b1: {  	[tilespmem:s25+$0x190] =	vst v14;
	v8 =	vmul.f32 v8, v2;
	v28 =	vld [tilespmem:s30+$0xFFFFFE30]  }
0x3b2: {  	v29 =	vld [tilespmem:s30+$0xFFFFFE40];
	[tilespmem:s25+$0x1A0] =	vst v7;
	v22 =	vmul.f32 v9, v2  }
0x3b3: {  	v30 =	vld [tilespmem:s30+$0xFFFFFE50];
	[tilespmem:s25+$0x1B0] =	vst v8;
	v24 =	vmul.f32 v10, v2  }
0x3b4: {  	v31 =	vld [tilespmem:s30+$0xFFFFFE60];
	[tilespmem:s25+$0x1C0] =	vst v22;
	v26 =	vmul.f32 v12, v2  }
0x3b5: {  	v32 =	vld [tilespmem:s30+$0xFFFFFE70];
	[tilespmem:s25+$0x1D0] =	vst v24;
	v2 =	vmul.f32 v17, v2  }
0x3b6: {  	v33 =	vld [tilespmem:s30+$0xFFFFFE80];
	[tilespmem:s25+$0x1E0] =	vst v26;
	v10 =	vmul.f32 v25, v19  }
0x3b7: {  	v34 =	vld [tilespmem:s30+$0xFFFFFE90];
	[tilespmem:s25+$0x1F0] =	vst v2;
	v2 =	vmul.f32 v23, v19  }
0x3b8: {  	v36 =	vld [tilespmem:s30+$0xFFFFFEA0];
	v8 =	vmul.f32 v28, v19;
	[tilespmem:s30+$0xFFFFFE10] =	vst v10  }
0x3b9: {  	v37 =	vld [tilespmem:s30+$0xFFFFFEB0];
	[tilespmem:s30+$0xFFFFFE00] =	vst v2;
	v2 =	vmul.f32 v27, v19  }
0x3ba: {  	v39 =	vld [tilespmem:s30+$0xFFFFFEC0];
	v35 =	vmul.f32 v30, v19;
	[tilespmem:s30+$0xFFFFFE30] =	vst v8  }
0x3bb: {  	v40 =	vld [tilespmem:s30+$0xFFFFFED0];
	[tilespmem:s30+$0xFFFFFE20] =	vst v2;
	v2 =	vmul.f32 v29, v19  }
0x3bc: {  	v41 =	vld [tilespmem:s30+$0xFFFFFEE0];
	v38 =	vmul.f32 v32, v19;
	[tilespmem:s30+$0xFFFFFE50] =	vst v35  }
0x3bd: {  	v42 =	vld [tilespmem:s30+$0xFFFFFEF0];
	[tilespmem:s30+$0xFFFFFE40] =	vst v2;
	v2 =	vmul.f32 v31, v19  }
0x3be: {  	v44 =	vld [tilespmem:s30+$0xFFFFFF00];
	v7 =	vmul.f32 v34, v63;
	[tilespmem:s30+$0xFFFFFE70] =	vst v38  }
0x3bf: {  	v45 =	vld [tilespmem:s30+$0xFFFFFF10];
	[tilespmem:s30+$0xFFFFFE60] =	vst v2;
	v2 =	vmul.f32 v33, v63  }
0x3c0: {  	v47 =	vld [tilespmem:s30+$0xFFFFFF20];
	v43 =	vmul.f32 v37, v63;
	[tilespmem:s30+$0xFFFFFE90] =	vst v7  }
0x3c1: {  	v48 =	vld [tilespmem:s30+$0xFFFFFF30];
	[tilespmem:s30+$0xFFFFFE80] =	vst v2;
	v2 =	vmul.f32 v36, v63  }
0x3c2: {  	v50 =	vld [tilespmem:s30+$0xFFFFFF40];
	v46 =	vmul.f32 v40, v63;
	[tilespmem:s30+$0xFFFFFEB0] =	vst v43  }
0x3c3: {  	v51 =	vld [tilespmem:s30+$0xFFFFFF50];
	[tilespmem:s30+$0xFFFFFEA0] =	vst v2;
	v2 =	vmul.f32 v39, v63  }
0x3c4: {  	v53 =	vld [tilespmem:s30+$0xFFFFFF60];
	v49 =	vmul.f32 v42, v63;
	[tilespmem:s30+$0xFFFFFED0] =	vst v46  }
0x3c5: {  	v54 =	vld [tilespmem:s30+$0xFFFFFF70];
	[tilespmem:s30+$0xFFFFFEC0] =	vst v2;
	v2 =	vmul.f32 v41, v63  }
0x3c6: {  	v15 =	vbroadcast v15, $0x0;
	v56 =	vld [tilespmem:s30+$0xFFFFFF80];
	v52 =	vmul.f32 v45, v11;
	[tilespmem:s30+$0xFFFFFEF0] =	vst v49  }
0x3c7: {  	v57 =	vld [tilespmem:s30+$0xFFFFFF90];
	v62 =	vbroadcast v18, $0x0;
	[tilespmem:s30+$0xFFFFFEE0] =	vst v2;
	v2 =	vmul.f32 v44, v11  }
0x3c8: {  	v59 =	vld [tilespmem:s30+$0xFFFFFFA0];
	v55 =	vmul.f32 v48, v11;
	[tilespmem:s30+$0xFFFFFF10] =	vst v52  }
0x3c9: {  	v60 =	vld [tilespmem:s30+$0xFFFFFFB0];
	[tilespmem:s30+$0xFFFFFF00] =	vst v2;
	v2 =	vmul.f32 v47, v11  }
0x3ca: {  	v17 =	vld [tilespmem:s30+$0xFFFFFFF0];
	v58 =	vmul.f32 v51, v11;
	[tilespmem:s30+$0xFFFFFF30] =	vst v55  }
0x3cb: {  	v6 =	vld.idx.msk [tilespmem:v61+s12+$0x0], $0xffff;
	[tilespmem:s30+$0xFFFFFF20] =	vst v2;
	v2 =	vmul.f32 v50, v11  }
0x3cc: {  	v5 =	vld.idx.msk [tilespmem:v15+s12+$0x0], $0xffff;
	v61 =	vmul.f32 v54, v11;
	[tilespmem:s30+$0xFFFFFF50] =	vst v58  }
0x3cd: {  	v4 =	vld.idx.msk [tilespmem:v62+s12+$0x0], $0xffff;
	[tilespmem:s30+$0xFFFFFF40] =	vst v2;
	v2 =	vmul.f32 v53, v11  }
0x3ce: {  	v15 =	vmul.f32 v57, v13;
	v62 =	vld [tilespmem:s30+$0xFFFFFFC0];
	[tilespmem:s30+$0xFFFFFF70] =	vst v61  }
0x3cf: {  	v20 =	vld [tilespmem:s30+$0x10];
	[tilespmem:s30+$0xFFFFFF60] =	vst v2;
	v2 =	vmul.f32 v56, v13  }
0x3d0: {  	v16 =	vld [tilespmem:s30+$0xFFFFFFE0];
	v18 =	vmul.f32 v60, v13;
	[tilespmem:s30+$0xFFFFFF90] =	vst v15  }
0x3d1: {  	v32 =	vld [tilespmem:s30+$0x90];
	[tilespmem:s30+$0xFFFFFF80] =	vst v2;
	v2 =	vmul.f32 v59, v13  }
0x3d2: {  	[tilespmem:s30+$0xFFFFFFB0] =	vst v18;
	v24 =	vmul.f32 v17, v13;
	v19 =	vld [tilespmem:s30+$0x0]  }
0x3d3: {  	v51 =	vld [tilespmem:s30+$0x180];
	[tilespmem:s30+$0xFFFFFFA0] =	vst v2;
	v2 =	vmul.f32 v62, v13  }
0x3d4: {  	v22 =	vld [tilespmem:s30+$0x20];
	v27 =	vmul.f32 v20, v6;
	[tilespmem:s30+$0xFFFFFFF0] =	vst v24  }
0x3d5: {  	v54 =	vld [tilespmem:s30+$0x1A0];
	[tilespmem:s30+$0xFFFFFFC0] =	vst v2;
	v2 =	vmul.f32 v16, v13  }
0x3d6: {  	v25 =	vld [tilespmem:s30+$0x40];
	v38 =	vmul.f32 v32, v5;
	[tilespmem:s30+$0x10] =	vst v27  }
0x3d7: {  	v23 =	vld [tilespmem:s30+$0x30];
	[tilespmem:s30+$0xFFFFFFE0] =	vst v2;
	v2 =	vmul.f32 v19, v6  }
0x3d8: {  	v28 =	vld [tilespmem:s30+$0x60];
	v58 =	vmul.f32 v51, v3;
	[tilespmem:s30+$0x90] =	vst v38  }
0x3d9: {  	v21 =	vld [tilespmem:s30+$0x170];
	[tilespmem:s30+$0x0] =	vst v2;
	v2 =	vmul.f32 v22, v6  }
0x3da: {  	v61 =	vmul.f32 v54, v3;
	v31 =	vld [tilespmem:s30+$0x80];
	[tilespmem:s30+$0x180] =	vst v58  }
0x3db: {  	v43 =	vld [tilespmem:s30+$0x110];
	[tilespmem:s30+$0x20] =	vst v2;
	v2 =	vmul.f32 v25, v6  }
0x3dc: {  	v34 =	vld [tilespmem:s30+$0xA0];
	v30 =	vmul.f32 v23, v6;
	[tilespmem:s30+$0x1A0] =	vst v61  }
0x3dd: {  	v46 =	vld [tilespmem:s30+$0x130];
	[tilespmem:s30+$0x40] =	vst v2;
	v2 =	vmul.f32 v28, v6  }
0x3de: {  	v14 =	vmul.f32 v21, v4;
	[tilespmem:s30+$0x30] =	vst v30;
	v36 =	vld [tilespmem:s30+$0xC0]  }
0x3df: {  	v48 =	vld [tilespmem:s30+$0x150];
	[tilespmem:s30+$0x60] =	vst v2;
	v2 =	vmul.f32 v31, v5  }
0x3e0: {  	v49 =	vmul.f32 v43, v4;
	[tilespmem:s30+$0x170] =	vst v14;
	v39 =	vld [tilespmem:s30+$0xE0]  }
0x3e1: {  	v26 =	vld [tilespmem:s30+$0x50];
	[tilespmem:s30+$0x80] =	vst v2;
	v2 =	vmul.f32 v34, v5  }
0x3e2: {  	v42 =	vld [tilespmem:s30+$0x100];
	v52 =	vmul.f32 v46, v4;
	[tilespmem:s30+$0x110] =	vst v49  }
0x3e3: {  	v35 =	vld [tilespmem:s30+$0xB0];
	[tilespmem:s30+$0xA0] =	vst v2;
	v2 =	vmul.f32 v36, v5  }
0x3e4: {  	v45 =	vld [tilespmem:s30+$0x120];
	v55 =	vmul.f32 v48, v4;
	[tilespmem:s30+$0x130] =	vst v52  }
0x3e5: {  	v37 =	vld [tilespmem:s30+$0xD0];
	[tilespmem:s30+$0xC0] =	vst v2;
	v2 =	vmul.f32 v39, v5  }
0x3e6: {  	v33 =	vmul.f32 v26, v6;
	[tilespmem:s30+$0x150] =	vst v55;
	v47 =	vld [tilespmem:s30+$0x140]  }
0x3e7: {  	v63 =	vld [tilespmem:s30+$0xFFFFFFD0];
	[tilespmem:s30+$0xE0] =	vst v2;
	v2 =	vmul.f32 v42, v4  }
0x3e8: {  	[tilespmem:s30+$0x50] =	vst v33;
	v41 =	vmul.f32 v35, v5;
	v50 =	vld [tilespmem:s30+$0x160]  }
0x3e9: {  	v60 =	vld [tilespmem:s30+$0x1E0];
	[tilespmem:s30+$0x100] =	vst v2;
	v2 =	vmul.f32 v45, v4  }
0x3ea: {  	[tilespmem:s30+$0xB0] =	vst v41;
	v44 =	vmul.f32 v37, v5;
	v53 =	vld [tilespmem:s30+$0x190]  }
0x3eb: {  	v29 =	vld [tilespmem:s30+$0x70];
	[tilespmem:s30+$0x120] =	vst v2;
	v2 =	vmul.f32 v47, v4  }
0x3ec: {  	[tilespmem:s30+$0xD0] =	vst v44;
	v21 =	vmul.f32 v63, v13;
	v56 =	vld [tilespmem:s30+$0x1B0]  }
0x3ed: {  	v40 =	vld [tilespmem:s30+$0xF0];
	[tilespmem:s30+$0x140] =	vst v2;
	v2 =	vmul.f32 v50, v4  }
0x3ee: {  	v63 =	vmul.f32 v60, v3;
	[tilespmem:s30+$0xFFFFFFD0] =	vst v21;
	v59 =	vld [tilespmem:s30+$0x1D0]  }
0x3ef: {  	v57 =	vld [tilespmem:s30+$0x1C0];
	[tilespmem:s30+$0x160] =	vst v2;
	v2 =	vmul.f32 v53, v3  }
0x3f0: {  	[tilespmem:s30+$0x1E0] =	vst v63;
	v62 =	vld [tilespmem:s30+$0x1F0];
	v6 =	vmul.f32 v29, v6  }
0x3f1: {  	[tilespmem:s30+$0x190] =	vst v2;
	v2 =	vmul.f32 v56, v3  }
0x3f2: {  	[tilespmem:s30+$0x70] =	vst v6;
	v5 =	vmul.f32 v40, v5  }
0x3f3: {  	[tilespmem:s30+$0x1B0] =	vst v2;
	v2 =	vmul.f32 v59, v3  }
0x3f4: {  	[tilespmem:s30+$0xF0] =	vst v5;
	v4 =	vmul.f32 v57, v3  }
0x3f5: {  	[tilespmem:s30+$0x1D0] =	vst v2;
	v2 =	vmul.f32 v62, v3  }
.Ltmp7:
0x3f6: {  	[tilespmem:s30+$0x1C0] =	vst v4;
	(pc) =	sbr.rel .LBB2_4-.Ltmp7, $4  }
0x3f7: {  	[tilespmem:s30+$0x1F0] =	vst v2  }
0x3f8: {  	[spmem:s3] =	stream.indirect.scatter.add.f32 [tilespmem:s12], [sflag:$0x9], $0x1, s17, s10, $0xb8;
	[tilespmem:$0x1D880] =	vst v63  }
0x3f9: {  	s5 =	simm.s32 $0x5780;
	s24 =	sadd.s32 $0x1, s24  }
0x3fa: {  	[spmem:s2] =	stream.indirect.scatter.add.f32 [tilespmem:s5], [sflag:$0x9], $0x80, s17, s10, $0xb8;
	[tilespmem:$0x1D880] =	vst v63  }
.LBB2_16:
0x3fb: {  	s5 =	simm.s32 $0x7  }
0x3fc: {  	_ =	swait.ge [sflag:s5], $0x50  }
0x3fd: {  	[sflag:s5] =	ssyncset.done $0x0  }
0x3fe: {  	[sflag:s5] =	ssyncadd.s32 $0xFFFFFFB0  }
0x3ff: {  	_ =	swait.ge [sflag:s5], $0x2800  }
0x400: {  	[sflag:s5] =	ssyncset.done $0x0  }
0x401: {  	[sflag:s5] =	ssyncadd.s32 $0xFFFFD800  }
0x402: {  	_ =	swait.ge [sflag:s9], $0x50  }
0x403: {  	[sflag:s9] =	ssyncset.done $0x0  }
0x404: {  	[sflag:s9] =	ssyncadd.s32 $0xFFFFFFB0  }
0x405: {  	_ =	swait.ge [sflag:s9], $0x2800  }
0x406: {  	[sflag:s9] =	ssyncset.done $0x0  }
0x407: {  	[sflag:s9] =	ssyncadd.s32 $0xFFFFD800  }
0x408: {  	_ =	swait.ge [sflag:s15], $0x50  }
0x409: {  	[sflag:s15] =	ssyncset.done $0x0  }
0x40a: {  	[sflag:s15] =	ssyncadd.s32 $0xFFFFFFB0  }
0x40b: {  	_ =	swait.ge [sflag:s15], $0x2800  }
0x40c: {  	[sflag:s15] =	ssyncset.done $0x0  }
0x40d: {  	[sflag:s15] =	ssyncadd.s32 $0xFFFFD800  }
0x40e: {  	s25 =	stileid.u32;
	[bflag:$0x0] =	sbarrier.arrive $0xFFFF  }
0x40f: {  	s30 =	simm.s32 $0xA;
	s5 =	sshll.u32 s25, $0x6;
	s20 =	rddreg [dreg:$0x5]  }
0x410: {  	s5 =	sor.u32 $0x1C0A, s5;
	s22 =	rddreg [dreg:$0x12];
	s20 =	sshrl.u32 s20, $0x3  }
0x411: {  	[hbm:s22], [sflag:s5] =	dma.local [spmem:s20], $0x2800  }
0x412: {  	_ =	swait.ge [sflag:s30], $0x2800  }
0x413: {  	s22 =	simm.s32 $0x0;
	[sflag:s30] =	ssyncset.done $0x0  }
0x414: {  	v2 =	vor.u32 s22, v1;
	s24 =	rddreg [dreg:$0xe];
	[sflag:s30] =	ssyncadd.s32 $0xFFFFD800  }
0x415: {  	[tilespmem:s31], [sflag:$0xA] =	stream.linear.gather [spmem:s24], $0x280, $0x38;
	[tilespmem:$0x1D880] =	vst v63  }
0x416: {  	_ =	swait.ge [sflag:s30], $0x280  }
0x417: {  	[sflag:s30] =	ssyncset.done $0x0  }
0x418: {  	[sflag:s30] =	ssyncadd.s32 $0xFFFFFD80  }
0x419: {  	s25 =	simm.s32 $0x2;
	v2 =	vld.idx.msk [tilespmem:v2+s31+$0x0], $0xffff  }
0x41a: {  	v3 =	vor.u32 s25, v1;
	_ =	sdelay $0x2  }
0x41b: {  	s24 =	simm.s32 $0x1C480  }
0x41c: {  	[tilespmem:s24+$0x0] =	vst v2  }
0x41d: {  	s30 =	simm.s32 $0x4;
	v2 =	vld.idx.msk [tilespmem:v3+s31+$0x0], $0xffff  }
0x41e: {  	s20 =	simm.s32 $0x6;
	v3 =	vor.u32 s30, v1  }
.LBB2_17:
0x41f: {  	p0 =	sne.s32 s20, $0x27E;
	_ =	sdelay $0x1  }
.Ltmp8:
0x420: {  	s24 =	sadd.s32 $0x10, s24;
	(pc) =	sbr.rel @p0 .LBB2_17-.Ltmp8, $3  }
0x421: {  	[tilespmem:s24+$0x0] =	vst v2  }
0x422: {  	v2 =	vld.idx.msk [tilespmem:v3+s31+$0x0], $0xffff;
	_ =	sdelay $0x1  }
0x423: {  	v3 =	vor.u32 s20, v1;
	s20 =	sadd.s32 $0x2, s20  }
0x424: {  	_ =	sdelay $0x1  }
0x425: {  	s5 =	sadd.s32 $0x10, s24  }
0x426: {  	[tilespmem:s5+$0x0] =	vst v2  }
0x427: {  	v2 =	vld.idx.msk [tilespmem:v3+s31+$0x0], $0xffff;
	_ =	sdelay $0x3  }
0x428: {  	s30 =	simm.s32 $0x0;
	s5 =	sadd.s32 $0x10, s5  }
0x429: {  	s20 =	rddreg [dreg:$0x13];
	s22 =	simm.s32 $0x1C480;
	s24 =	simm.s32 $0xA;
	[tilespmem:s5+$0x0] =	vst v2  }
0x42a: {  	[hbm4b:s20+s30] =	stream.linear.scatter [tilespmem:s22], [sflag:$0xA], $0x1400, $0x38;
	[tilespmem:$0x1D880] =	vst v63  }
0x42b: {  	_ =	swait.ge [sflag:s24], $0x1400  }
0x42c: {  	s25 =	rddreg [dreg:$0x17]  }
0x42d: {  	s30 =	rddreg [dreg:$0x14];
	s22 =	sadd.s32 $0x1, s25  }
0x42e: {  	p0 =	sne.s32 s22, s30  }
.Ltmp9:
0x42f: {  	_ = 	snop;
	(pc) =	sbr.rel @p0 .LBB2_1-.Ltmp9, $3  }
0x430: {  	_ =	sdelay $0x1  }
0x431: {  	[sflag:s24] =	ssyncset.done $0x0  }
0x432: {  	[sflag:s24] =	ssyncadd.s32 $0xFFFFEC00  }
0x433: {  	_ =	sfence.sel $0x180000  }
0x434: {  	[bflag:$0x0] =	sbarrier.arrive $0xFFFF  }
0x435: {  	_ =	strace $0x90000047  }
0x436: {  	s0 =	stileid.u32;
	[bflag:$0x2] =	sbarrier.arrive $0xFFFF  }
0x437: {  	p0 =	sne.s32 s0, $0x0;
	s0 =	rddreg [dreg:$0x4]  }
0x438: {  	s0 =	sadd.s32 @!p0 $0x100000, s0  }
0x439: {  	[sflag:s0] =	ssyncadd.tile.s32 @!p0 $0x1;
	_ =	shalt  }
.Lfunc_end2:
_tile_overlayer_lowered:
.L_overlay_start_2:
0x43a: {  	(tag) =	ssettag $0x2  }
0x43b: {  	s0 =	rddreg [dreg:$0x0];
	s2 =	stileid.u32  }
0x43c: {  	s1 =	rddreg [dreg:$0x1];
	p0 =	sne.s32 s2, $0x0  }
0x43d: {  	s3 =	rddreg [dreg:$0x2];
	[bflag:$0x3] =	sbarrier.arrive $0xFFFF;
	s2 =	simm.s32 @!p0 $0x1C0A  }
0x43e: {  	[timem:s3], [sflag:s2] =	dma.local @!p0 [hbm:s0], s1  }
0x43f: {  	s0 =	simm.s32 @!p0 $0xA  }
0x440: {  	_ =	swait.ge @!p0 [sflag:s0], s1  }
0x441: {  	s1 =	ssub.s32 @!p0 $0x0, s1;
	[sflag:s0] =	ssyncset.done @!p0 $0x0  }
0x442: {  	[sflag:s0] =	ssyncadd.s32 @!p0 s1  }
0x443: {  	[bflag:$0x3] =	sbarrier.arrive $0xFFFF  }
0x444: {  	_ =	shalt  }

</sc_bundles>
